<compile_context>
chip_gen: v7x
topology: tpu7x:2x2x1
jax: 0.10.2.dev20260603
libtpu: 0.0.44.dev20260713+nightly
codegen_flags: <defaults>
</compile_context>

<pallas_src>
import functools

import jax
import jax.numpy as jnp
from jax import lax
from jax.experimental import pallas as pl
from jax.experimental.pallas import tpu as pltpu
from jax.experimental.pallas import tpu_sc as plsc

MAXLEN = 200
D = 64
L = 16
DG = D // L
BBLK = 128

_info = plsc.get_sparse_core_info()
NC = _info.num_cores
NS = _info.num_subcores
NW = NC * NS


def _make_kernel(vocab, batch):
    assert batch == NW * BBLK

    mesh = plsc.VectorSubcoreMesh(core_axis_name="c", subcore_axis_name="s")

    @functools.partial(
        pl.kernel,
        mesh=mesh,
        compiler_params=pltpu.CompilerParams(
            use_tc_tiling_on_sc=False, needs_layout_passes=False
        ),
        out_type=jax.ShapeDtypeStruct((MAXLEN, D // 8, NW, 8 * BBLK), jnp.float32),
        scratch_types=[
            pltpu.VMEM((MAXLEN, D), jnp.float32),
            pltpu.VMEM((MAXLEN, BBLK), jnp.int32),
            pltpu.VMEM((BBLK, 2 * D), jnp.float32),
            pltpu.VMEM((BBLK, 2 * D), jnp.float32),
            pltpu.VMEM((D // 8, 8 * BBLK + 8), jnp.float32),
            pltpu.VMEM((D // 8, 8 * BBLK + 8), jnp.float32),
            pltpu.SemaphoreType.DMA,
            pltpu.SemaphoreType.DMA,
            pltpu.SemaphoreType.DMA,
            pltpu.SemaphoreType.DMA,
        ],
    )
    def tok_pos_kernel(xt_hbm, tab_hbm, pos_hbm, out_hbm,
                       pos_v, idx_v, dst0, dst1, out0, out1,
                       g0, g1, w0, w1):
        wid = lax.axis_index("s") * NC + lax.axis_index("c")
        b0 = wid * BBLK
        dsts = (dst0, dst1)
        outs = (out0, out1)
        gsems = (g0, g1)
        wsems = (w0, w1)

        pltpu.sync_copy(pos_hbm, pos_v)
        pltpu.sync_copy(xt_hbm.at[:, pl.ds(b0, BBLK)], idx_v)

        lane = lax.iota(jnp.int32, L)
        rot = [(lane + k) & 7 for k in range(8)]
        dvec = [c * L + lane for c in range(DG)]
        dtv = [c * 2 + (lane >> 3) for c in range(DG)]
        wbase = [(lane & 7) * BBLK + rot[k] for k in range(8)]

        for j in range(2):
            pltpu.async_copy(tab_hbm.at[idx_v.at[j]], dsts[j], gsems[j])

        def t_pair(i, carry):
            for j in range(2):
                t = 2 * i + j
                dst, out_v = dsts[j], outs[j]
                pltpu.make_async_copy(
                    tab_hbm.at[idx_v.at[t]], dst, gsems[j]
                ).wait()
                @pl.when(i > 0)
                def _():
                    pltpu.make_async_copy(
                        out_v.at[:, pl.ds(0, 8 * BBLK)],
                        out_hbm.at[t, :, wid], wsems[j]
                    ).wait()

                pcs = [pos_v[t, pl.ds(c * L, L)] for c in range(DG)]

                @plsc.parallel_loop(0, BBLK, 8, unroll=2)
                def r_step(r0):
                    rsp = jnp.full((L,), r0, jnp.int32)
                    for k in range(8):
                        rvec = rsp + rot[k]
                        wv = rsp + wbase[k]
                        for c in range(DG):
                            vals = plsc.load_gather(dst, [rvec, dvec[c]]) + pcs[c]
                            plsc.store_scatter(out_v, [dtv[c], wv], vals)
                pltpu.async_copy(out_v.at[:, pl.ds(0, 8 * BBLK)],
                                 out_hbm.at[t, :, wid], wsems[j])

                @pl.when(t + 2 < MAXLEN)
                def _():
                    pltpu.async_copy(
                        tab_hbm.at[idx_v.at[t + 2]], dst, gsems[j]
                    )
            return carry

        lax.fori_loop(0, MAXLEN // 2, t_pair, 0)
        for j in range(2):
            pltpu.make_async_copy(
                outs[j].at[:, pl.ds(0, 8 * BBLK)],
                out_hbm.at[MAXLEN - 2 + j, :, wid], wsems[j]
            ).wait()

    return tok_pos_kernel


def kernel(x, token_table, pos_table):
    b, t = x.shape
    vocab, d = token_table.shape
    xt = x.T.astype(jnp.int32)
    tabp = jnp.pad(token_table, ((0, 0), (0, d)))
    o4 = _make_kernel(vocab, b)(xt, tabp, pos_table)
    o5 = o4.reshape(t, d // 8, NW, 8, BBLK)
    return o5.transpose(2, 4, 0, 1, 3).reshape(b, t, d)

# --- scband reference (transcript-rebuilt; emitter-appended) ---
"""Pipeline reference for scband-token-and-position-embedding-4020089389498 (READ-ONLY COPY).

The authoritative reference and input builder live on the scoring server;
editing this copy changes nothing except your own understanding.
"""

import jax, jax.numpy as jnp
import numpy as np

MAXLEN = 200
VOCAB = 1000000
D_MODEL = 64
BATCH = 4096

def setup_inputs(seed: int = 0) -> dict:
    key = jax.random.key(seed)
    k1, k2, k3 = jax.random.split(key, 3)
    x = jax.random.randint(k1, (BATCH, MAXLEN), 0, VOCAB, dtype=jnp.int64 if jax.config.jax_enable_x64 else jnp.int32)
    token_table = jax.random.normal(k2, (VOCAB, D_MODEL), dtype=jnp.float32) * 0.02
    pos_table = jax.random.normal(k3, (MAXLEN, D_MODEL), dtype=jnp.float32) * 0.02
    return {"x": x, "token_table": token_table, "pos_table": pos_table}

def reference(x, token_table, pos_table):
    maxlen = x.shape[-1]
    positions = jnp.arange(0, maxlen)
    pos = jnp.take(pos_table, positions, axis=0)  # [maxlen, d_model]
    tok = jnp.take(token_table, x, axis=0)        # [B, maxlen, d_model]
    return tok + pos[None, :, :]

if __name__ == "__main__":
    import jax
    _d = setup_inputs()
    print(jax.jit(kernel)(*tuple(_d.values())))

</pallas_src>

<mosaic_0001>
#map = affine_map<(d0, d1) -> (0, 0)>
#map1 = affine_map<(d0, d1) -> (0, 0, 0, 0)>
module attributes {stable_mosaic.version = 14 : i64} {
  func.func @tok_pos_kernel(%arg0: i32, %arg1: i32, %arg2: memref<200x4096xi32, #tpu.memory_space<hbm>>, %arg3: memref<1000000x128xf32, #tpu.memory_space<hbm>>, %arg4: memref<200x64xf32, #tpu.memory_space<hbm>>, %arg5: memref<200x8x32x1024xf32, #tpu.memory_space<hbm>>, %arg6: memref<200x64xf32, #tpu.memory_space<vmem>>, %arg7: memref<200x128xi32, #tpu.memory_space<vmem>>, %arg8: memref<128x128xf32, #tpu.memory_space<vmem>>, %arg9: memref<128x128xf32, #tpu.memory_space<vmem>>, %arg10: memref<8x1032xf32, #tpu.memory_space<vmem>>, %arg11: memref<8x1032xf32, #tpu.memory_space<vmem>>, %arg12: memref<!tpu.dma_semaphore, #tpu.memory_space<semaphore_mem>>, %arg13: memref<!tpu.dma_semaphore, #tpu.memory_space<semaphore_mem>>, %arg14: memref<!tpu.dma_semaphore, #tpu.memory_space<semaphore_mem>>, %arg15: memref<!tpu.dma_semaphore, #tpu.memory_space<semaphore_mem>>) attributes {dimension_semantics = [#tpu.dimension_semantics<core_parallel>, #tpu.dimension_semantics<subcore_parallel>], iteration_bounds = array<i64: 2, 16>, scalar_prefetch = 0 : i64, scratch_operands = 10 : i64, tpu.core_type = #tpu.core_type<sc_vector_subcore>, window_params = [{transform_indices = #map}, {transform_indices = #map}, {transform_indices = #map}, {transform_indices = #map1}]} {
    %mul3A = arith.constant 2 : i32
    %mul3A_0 = arith.muli %arg1, %mul3A : i32
    %add3A = arith.addi %mul3A_0, %arg0 : i32
    %mul3A_1 = arith.constant 128 : i32
    %mul3A_2 = arith.muli %add3A, %mul3A_1 : i32
    "tpu.region"() ({
      %run_scoped3A = tpu.sem_alloc : memref<!tpu.dma_semaphore, #tpu.memory_space<semaphore_mem>>
      tpu.enqueue_dma source(%arg4 : memref<200x64xf32, #tpu.memory_space<hbm>>) target(%arg6 : memref<200x64xf32, #tpu.memory_space<vmem>>) target_semaphore(%run_scoped3A : memref<!tpu.dma_semaphore, #tpu.memory_space<semaphore_mem>>)
      tpu.wait_dma2 semaphore(%run_scoped3A : memref<!tpu.dma_semaphore, #tpu.memory_space<semaphore_mem>>) src(%arg4 : memref<200x64xf32, #tpu.memory_space<hbm>>) dst(%arg6 : memref<200x64xf32, #tpu.memory_space<vmem>>)
      tpu.yield
    }) : () -> ()
    "tpu.region"() ({
      %run_scoped3A = tpu.sem_alloc : memref<!tpu.dma_semaphore, #tpu.memory_space<semaphore_mem>>
      %dma_start3A_188 = arith.constant 0 : i32
      %dma_start3A_189 = tpu.memref_slice %arg2[%dma_start3A_188, %mul3A_2] : memref<200x4096xi32, #tpu.memory_space<hbm>> -> memref<200x128xi32, #tpu.memory_space<hbm>>
      %dma_start3A_190 = arith.constant 0 : i32
      %dma_start3A_191 = tpu.memref_slice %arg2[%dma_start3A_190, %mul3A_2] : memref<200x4096xi32, #tpu.memory_space<hbm>> -> memref<200x128xi32, #tpu.memory_space<hbm>>
      tpu.enqueue_dma source(%dma_start3A_191 : memref<200x128xi32, #tpu.memory_space<hbm>>) target(%arg7 : memref<200x128xi32, #tpu.memory_space<vmem>>) target_semaphore(%run_scoped3A : memref<!tpu.dma_semaphore, #tpu.memory_space<semaphore_mem>>)
      %dma_wait3A_192 = arith.constant 0 : i32
      %dma_wait3A_193 = tpu.memref_slice %arg2[%dma_wait3A_192, %mul3A_2] : memref<200x4096xi32, #tpu.memory_space<hbm>> -> memref<200x128xi32, #tpu.memory_space<hbm>>
      %dma_wait3A_194 = arith.constant 0 : i32
      %dma_wait3A_195 = tpu.memref_slice %arg2[%dma_wait3A_194, %mul3A_2] : memref<200x4096xi32, #tpu.memory_space<hbm>> -> memref<200x128xi32, #tpu.memory_space<hbm>>
      tpu.wait_dma2 semaphore(%run_scoped3A : memref<!tpu.dma_semaphore, #tpu.memory_space<semaphore_mem>>) src(%dma_wait3A_195 : memref<200x128xi32, #tpu.memory_space<hbm>>) dst(%arg7 : memref<200x128xi32, #tpu.memory_space<vmem>>)
      tpu.yield
    }) : () -> ()
    %iota3A = tpu.iota {dimensions = array<i32: 0>} : vector<16xi32>
    %add3A_3 = arith.constant 0 : i32
    %add3A_4 = vector.broadcast %add3A_3 : i32 to vector<16xi32>
    %add3A_5 = arith.addi %iota3A, %add3A_4 : vector<16xi32>
    %and3A = arith.constant 7 : i32
    %and3A_6 = vector.broadcast %and3A : i32 to vector<16xi32>
    %and3A_7 = arith.andi %add3A_5, %and3A_6 : vector<16xi32>
    %add3A_8 = arith.constant 1 : i32
    %add3A_9 = vector.broadcast %add3A_8 : i32 to vector<16xi32>
    %add3A_10 = arith.addi %iota3A, %add3A_9 : vector<16xi32>
    %and3A_11 = arith.constant 7 : i32
    %and3A_12 = vector.broadcast %and3A_11 : i32 to vector<16xi32>
    %and3A_13 = arith.andi %add3A_10, %and3A_12 : vector<16xi32>
    %add3A_14 = arith.constant 2 : i32
    %add3A_15 = vector.broadcast %add3A_14 : i32 to vector<16xi32>
    %add3A_16 = arith.addi %iota3A, %add3A_15 : vector<16xi32>
    %and3A_17 = arith.constant 7 : i32
    %and3A_18 = vector.broadcast %and3A_17 : i32 to vector<16xi32>
    %and3A_19 = arith.andi %add3A_16, %and3A_18 : vector<16xi32>
    %add3A_20 = arith.constant 3 : i32
    %add3A_21 = vector.broadcast %add3A_20 : i32 to vector<16xi32>
    %add3A_22 = arith.addi %iota3A, %add3A_21 : vector<16xi32>
    %and3A_23 = arith.constant 7 : i32
    %and3A_24 = vector.broadcast %and3A_23 : i32 to vector<16xi32>
    %and3A_25 = arith.andi %add3A_22, %and3A_24 : vector<16xi32>
    %add3A_26 = arith.constant 4 : i32
    %add3A_27 = vector.broadcast %add3A_26 : i32 to vector<16xi32>
    %add3A_28 = arith.addi %iota3A, %add3A_27 : vector<16xi32>
    %and3A_29 = arith.constant 7 : i32
    %and3A_30 = vector.broadcast %and3A_29 : i32 to vector<16xi32>
    %and3A_31 = arith.andi %add3A_28, %and3A_30 : vector<16xi32>
    %add3A_32 = arith.constant 5 : i32
    %add3A_33 = vector.broadcast %add3A_32 : i32 to vector<16xi32>
    %add3A_34 = arith.addi %iota3A, %add3A_33 : vector<16xi32>
    %and3A_35 = arith.constant 7 : i32
    %and3A_36 = vector.broadcast %and3A_35 : i32 to vector<16xi32>
    %and3A_37 = arith.andi %add3A_34, %and3A_36 : vector<16xi32>
    %add3A_38 = arith.constant 6 : i32
    %add3A_39 = vector.broadcast %add3A_38 : i32 to vector<16xi32>
    %add3A_40 = arith.addi %iota3A, %add3A_39 : vector<16xi32>
    %and3A_41 = arith.constant 7 : i32
    %and3A_42 = vector.broadcast %and3A_41 : i32 to vector<16xi32>
    %and3A_43 = arith.andi %add3A_40, %and3A_42 : vector<16xi32>
    %add3A_44 = arith.constant 7 : i32
    %add3A_45 = vector.broadcast %add3A_44 : i32 to vector<16xi32>
    %add3A_46 = arith.addi %iota3A, %add3A_45 : vector<16xi32>
    %and3A_47 = arith.constant 7 : i32
    %and3A_48 = vector.broadcast %and3A_47 : i32 to vector<16xi32>
    %and3A_49 = arith.andi %add3A_46, %and3A_48 : vector<16xi32>
    %add3A_50 = arith.constant 0 : i32
    %add3A_51 = vector.broadcast %add3A_50 : i32 to vector<16xi32>
    %add3A_52 = arith.addi %add3A_51, %iota3A : vector<16xi32>
    %add3A_53 = arith.constant 16 : i32
    %add3A_54 = vector.broadcast %add3A_53 : i32 to vector<16xi32>
    %add3A_55 = arith.addi %add3A_54, %iota3A : vector<16xi32>
    %add3A_56 = arith.constant 32 : i32
    %add3A_57 = vector.broadcast %add3A_56 : i32 to vector<16xi32>
    %add3A_58 = arith.addi %add3A_57, %iota3A : vector<16xi32>
    %add3A_59 = arith.constant 48 : i32
    %add3A_60 = vector.broadcast %add3A_59 : i32 to vector<16xi32>
    %add3A_61 = arith.addi %add3A_60, %iota3A : vector<16xi32>
    %shift_right_arithmetic3A = arith.constant 3 : i32
    %shift_right_arithmetic3A_62 = vector.broadcast %shift_right_arithmetic3A : i32 to vector<16xi32>
    %shift_right_arithmetic3A_63 = arith.shrsi %iota3A, %shift_right_arithmetic3A_62 : vector<16xi32>
    %add3A_64 = arith.constant 0 : i32
    %add3A_65 = vector.broadcast %add3A_64 : i32 to vector<16xi32>
    %add3A_66 = arith.addi %add3A_65, %shift_right_arithmetic3A_63 : vector<16xi32>
    %shift_right_arithmetic3A_67 = arith.constant 3 : i32
    %shift_right_arithmetic3A_68 = vector.broadcast %shift_right_arithmetic3A_67 : i32 to vector<16xi32>
    %shift_right_arithmetic3A_69 = arith.shrsi %iota3A, %shift_right_arithmetic3A_68 : vector<16xi32>
    %add3A_70 = arith.constant 2 : i32
    %add3A_71 = vector.broadcast %add3A_70 : i32 to vector<16xi32>
    %add3A_72 = arith.addi %add3A_71, %shift_right_arithmetic3A_69 : vector<16xi32>
    %shift_right_arithmetic3A_73 = arith.constant 3 : i32
    %shift_right_arithmetic3A_74 = vector.broadcast %shift_right_arithmetic3A_73 : i32 to vector<16xi32>
    %shift_right_arithmetic3A_75 = arith.shrsi %iota3A, %shift_right_arithmetic3A_74 : vector<16xi32>
    %add3A_76 = arith.constant 4 : i32
    %add3A_77 = vector.broadcast %add3A_76 : i32 to vector<16xi32>
    %add3A_78 = arith.addi %add3A_77, %shift_right_arithmetic3A_75 : vector<16xi32>
    %shift_right_arithmetic3A_79 = arith.constant 3 : i32
    %shift_right_arithmetic3A_80 = vector.broadcast %shift_right_arithmetic3A_79 : i32 to vector<16xi32>
    %shift_right_arithmetic3A_81 = arith.shrsi %iota3A, %shift_right_arithmetic3A_80 : vector<16xi32>
    %add3A_82 = arith.constant 6 : i32
    %add3A_83 = vector.broadcast %add3A_82 : i32 to vector<16xi32>
    %add3A_84 = arith.addi %add3A_83, %shift_right_arithmetic3A_81 : vector<16xi32>
    %and3A_85 = arith.constant 7 : i32
    %and3A_86 = vector.broadcast %and3A_85 : i32 to vector<16xi32>
    %and3A_87 = arith.andi %iota3A, %and3A_86 : vector<16xi32>
    %mul3A_88 = arith.constant 128 : i32
    %mul3A_89 = vector.broadcast %mul3A_88 : i32 to vector<16xi32>
    %mul3A_90 = arith.muli %and3A_87, %mul3A_89 : vector<16xi32>
    %add3A_91 = arith.addi %mul3A_90, %and3A_7 : vector<16xi32>
    %and3A_92 = arith.constant 7 : i32
    %and3A_93 = vector.broadcast %and3A_92 : i32 to vector<16xi32>
    %and3A_94 = arith.andi %iota3A, %and3A_93 : vector<16xi32>
    %mul3A_95 = arith.constant 128 : i32
    %mul3A_96 = vector.broadcast %mul3A_95 : i32 to vector<16xi32>
    %mul3A_97 = arith.muli %and3A_94, %mul3A_96 : vector<16xi32>
    %add3A_98 = arith.addi %mul3A_97, %and3A_13 : vector<16xi32>
    %and3A_99 = arith.constant 7 : i32
    %and3A_100 = vector.broadcast %and3A_99 : i32 to vector<16xi32>
    %and3A_101 = arith.andi %iota3A, %and3A_100 : vector<16xi32>
    %mul3A_102 = arith.constant 128 : i32
    %mul3A_103 = vector.broadcast %mul3A_102 : i32 to vector<16xi32>
    %mul3A_104 = arith.muli %and3A_101, %mul3A_103 : vector<16xi32>
    %add3A_105 = arith.addi %mul3A_104, %and3A_19 : vector<16xi32>
    %and3A_106 = arith.constant 7 : i32
    %and3A_107 = vector.broadcast %and3A_106 : i32 to vector<16xi32>
    %and3A_108 = arith.andi %iota3A, %and3A_107 : vector<16xi32>
    %mul3A_109 = arith.constant 128 : i32
    %mul3A_110 = vector.broadcast %mul3A_109 : i32 to vector<16xi32>
    %mul3A_111 = arith.muli %and3A_108, %mul3A_110 : vector<16xi32>
    %add3A_112 = arith.addi %mul3A_111, %and3A_25 : vector<16xi32>
    %and3A_113 = arith.constant 7 : i32
    %and3A_114 = vector.broadcast %and3A_113 : i32 to vector<16xi32>
    %and3A_115 = arith.andi %iota3A, %and3A_114 : vector<16xi32>
    %mul3A_116 = arith.constant 128 : i32
    %mul3A_117 = vector.broadcast %mul3A_116 : i32 to vector<16xi32>
    %mul3A_118 = arith.muli %and3A_115, %mul3A_117 : vector<16xi32>
    %add3A_119 = arith.addi %mul3A_118, %and3A_31 : vector<16xi32>
    %and3A_120 = arith.constant 7 : i32
    %and3A_121 = vector.broadcast %and3A_120 : i32 to vector<16xi32>
    %and3A_122 = arith.andi %iota3A, %and3A_121 : vector<16xi32>
    %mul3A_123 = arith.constant 128 : i32
    %mul3A_124 = vector.broadcast %mul3A_123 : i32 to vector<16xi32>
    %mul3A_125 = arith.muli %and3A_122, %mul3A_124 : vector<16xi32>
    %add3A_126 = arith.addi %mul3A_125, %and3A_37 : vector<16xi32>
    %and3A_127 = arith.constant 7 : i32
    %and3A_128 = vector.broadcast %and3A_127 : i32 to vector<16xi32>
    %and3A_129 = arith.andi %iota3A, %and3A_128 : vector<16xi32>
    %mul3A_130 = arith.constant 128 : i32
    %mul3A_131 = vector.broadcast %mul3A_130 : i32 to vector<16xi32>
    %mul3A_132 = arith.muli %and3A_129, %mul3A_131 : vector<16xi32>
    %add3A_133 = arith.addi %mul3A_132, %and3A_43 : vector<16xi32>
    %and3A_134 = arith.constant 7 : i32
    %and3A_135 = vector.broadcast %and3A_134 : i32 to vector<16xi32>
    %and3A_136 = arith.andi %iota3A, %and3A_135 : vector<16xi32>
    %mul3A_137 = arith.constant 128 : i32
    %mul3A_138 = vector.broadcast %mul3A_137 : i32 to vector<16xi32>
    %mul3A_139 = arith.muli %and3A_136, %mul3A_138 : vector<16xi32>
    %add3A_140 = arith.addi %mul3A_139, %and3A_49 : vector<16xi32>
    %dma_start3A = arith.constant 0 : i32
    %dma_start3A_141 = arith.constant 0 : i32
    %dma_start3A_142 = tpu.memref_slice %arg7[%dma_start3A, %dma_start3A_141] : memref<200x128xi32, #tpu.memory_space<vmem>> -> memref<1x128xi32, #tpu.memory_space<vmem>>
    %dma_start3A_143 = tpu.memref_squeeze %dma_start3A_142 : memref<1x128xi32, #tpu.memory_space<vmem>> -> memref<128xi32, #tpu.memory_space<vmem>>
    %dma_start3A_144 = arith.constant 0 : i32
    %dma_start3A_145 = arith.constant 0 : i32
    %dma_start3A_146 = tpu.memref_slice %arg3[%dma_start3A_144, %dma_start3A_145] : memref<1000000x128xf32, #tpu.memory_space<hbm>> -> memref<1000000x128xf32, #tpu.memory_space<hbm>>
    tpu.enqueue_indirect_dma source(%dma_start3A_146 : memref<1000000x128xf32, #tpu.memory_space<hbm>>) target(%arg8 : memref<128x128xf32, #tpu.memory_space<vmem>>) offsets(%dma_start3A_143 : memref<128xi32, #tpu.memory_space<vmem>>) semaphore(%arg12 : memref<!tpu.dma_semaphore, #tpu.memory_space<semaphore_mem>>)
    %dma_start3A_147 = arith.constant 1 : i32
    %dma_start3A_148 = arith.constant 0 : i32
    %dma_start3A_149 = tpu.memref_slice %arg7[%dma_start3A_147, %dma_start3A_148] : memref<200x128xi32, #tpu.memory_space<vmem>> -> memref<1x128xi32, #tpu.memory_space<vmem>>
    %dma_start3A_150 = tpu.memref_squeeze %dma_start3A_149 : memref<1x128xi32, #tpu.memory_space<vmem>> -> memref<128xi32, #tpu.memory_space<vmem>>
    %dma_start3A_151 = arith.constant 0 : i32
    %dma_start3A_152 = arith.constant 0 : i32
    %dma_start3A_153 = tpu.memref_slice %arg3[%dma_start3A_151, %dma_start3A_152] : memref<1000000x128xf32, #tpu.memory_space<hbm>> -> memref<1000000x128xf32, #tpu.memory_space<hbm>>
    tpu.enqueue_indirect_dma source(%dma_start3A_153 : memref<1000000x128xf32, #tpu.memory_space<hbm>>) target(%arg9 : memref<128x128xf32, #tpu.memory_space<vmem>>) offsets(%dma_start3A_150 : memref<128xi32, #tpu.memory_space<vmem>>) semaphore(%arg13 : memref<!tpu.dma_semaphore, #tpu.memory_space<semaphore_mem>>)
    %scan3A = arith.constant 0 : i32
    %scan3A_154 = arith.constant 0 : i32
    %scan3A_155 = arith.constant 100 : i32
    %scan3A_156 = arith.addi %scan3A_154, %scan3A_155 : i32
    %scan3A_157 = arith.constant 1 : i32
    scf.for %scan3A_188 = %scan3A_154 to %scan3A_156 step %scan3A_157  : i32 {
      %mul3A_189 = arith.constant 2 : i32
      %mul3A_190 = arith.muli %mul3A_189, %scan3A_188 : i32
      %add3A_191 = arith.constant 0 : i32
      %add3A_192 = arith.addi %mul3A_190, %add3A_191 : i32
      %dma_wait3A_193 = arith.constant 0 : i32
      %dma_wait3A_194 = tpu.memref_slice %arg7[%add3A_192, %dma_wait3A_193] : memref<200x128xi32, #tpu.memory_space<vmem>> -> memref<1x128xi32, #tpu.memory_space<vmem>>
      %dma_wait3A_195 = tpu.memref_squeeze %dma_wait3A_194 : memref<1x128xi32, #tpu.memory_space<vmem>> -> memref<128xi32, #tpu.memory_space<vmem>>
      %dma_wait3A_196 = arith.constant 0 : i32
      %dma_wait3A_197 = arith.constant 0 : i32
      %dma_wait3A_198 = tpu.memref_slice %arg3[%dma_wait3A_196, %dma_wait3A_197] : memref<1000000x128xf32, #tpu.memory_space<hbm>> -> memref<1000000x128xf32, #tpu.memory_space<hbm>>
      tpu.wait_indirect_dma semaphore(%arg12 : memref<!tpu.dma_semaphore, #tpu.memory_space<semaphore_mem>>) src(%dma_wait3A_198 : memref<1000000x128xf32, #tpu.memory_space<hbm>>) dst(%arg8 : memref<128x128xf32, #tpu.memory_space<vmem>>)
      %gt3A = arith.constant 0 : i32
      %gt3A_199 = arith.cmpi sgt, %scan3A_188, %gt3A : i32
      %convert_element_type3A = arith.extui %gt3A_199 : i1 to i32
      %cond3A = arith.constant 0 : i32
      %cond3A_200 = arith.cmpi ne, %convert_element_type3A, %cond3A : i32
      scf.if %cond3A_200 {
        %dma_wait3A_285 = arith.constant 0 : i32
        %dma_wait3A_286 = arith.constant 0 : i32
        %dma_wait3A_287 = tpu.memref_slice %arg10[%dma_wait3A_285, %dma_wait3A_286] : memref<8x1032xf32, #tpu.memory_space<vmem>> -> memref<8x1024xf32, #tpu.memory_space<vmem>>
        %dma_wait3A_288 = arith.constant 0 : i32
        %dma_wait3A_289 = arith.constant 0 : i32
        %dma_wait3A_290 = tpu.memref_slice %arg5[%add3A_192, %dma_wait3A_288, %add3A, %dma_wait3A_289] : memref<200x8x32x1024xf32, #tpu.memory_space<hbm>> -> memref<1x8x1x1024xf32, #tpu.memory_space<hbm>>
        %dma_wait3A_291 = tpu.memref_squeeze %dma_wait3A_290 : memref<1x8x1x1024xf32, #tpu.memory_space<hbm>> -> memref<8x1024xf32, #tpu.memory_space<hbm>>
        %dma_wait3A_292 = arith.constant 0 : i32
        %dma_wait3A_293 = arith.constant 0 : i32
        %dma_wait3A_294 = tpu.memref_slice %arg5[%add3A_192, %dma_wait3A_292, %add3A, %dma_wait3A_293] : memref<200x8x32x1024xf32, #tpu.memory_space<hbm>> -> memref<1x8x1x1024xf32, #tpu.memory_space<hbm>>
        %dma_wait3A_295 = tpu.memref_squeeze %dma_wait3A_294 : memref<1x8x1x1024xf32, #tpu.memory_space<hbm>> -> memref<8x1024xf32, #tpu.memory_space<hbm>>
        %dma_wait3A_296 = arith.constant 0 : i32
        %dma_wait3A_297 = arith.constant 0 : i32
        %dma_wait3A_298 = tpu.memref_slice %arg10[%dma_wait3A_296, %dma_wait3A_297] : memref<8x1032xf32, #tpu.memory_space<vmem>> -> memref<8x1024xf32, #tpu.memory_space<vmem>>
        tpu.wait_dma2 semaphore(%arg14 : memref<!tpu.dma_semaphore, #tpu.memory_space<semaphore_mem>>) src(%dma_wait3A_298 : memref<8x1024xf32, #tpu.memory_space<vmem>>) dst(%dma_wait3A_295 : memref<8x1024xf32, #tpu.memory_space<hbm>>)
      } else {
      }
      %get3A = arith.index_cast %add3A_192 : i32 to index
      %get3A_201 = arith.constant 0 : index
      %get3A_202 = tpu.vector_load %arg6[%get3A, %get3A_201] {strides = array<i32>} : memref<200x64xf32, #tpu.memory_space<vmem>>, vector<16xf32>,
      %get3A_203 = arith.index_cast %add3A_192 : i32 to index
      %get3A_204 = arith.constant 16 : index
      %get3A_205 = tpu.vector_load %arg6[%get3A_203, %get3A_204] {strides = array<i32>} : memref<200x64xf32, #tpu.memory_space<vmem>>, vector<16xf32>,
      %get3A_206 = arith.index_cast %add3A_192 : i32 to index
      %get3A_207 = arith.constant 32 : index
      %get3A_208 = tpu.vector_load %arg6[%get3A_206, %get3A_207] {strides = array<i32>} : memref<200x64xf32, #tpu.memory_space<vmem>>, vector<16xf32>,
      %get3A_209 = arith.index_cast %add3A_192 : i32 to index
      %get3A_210 = arith.constant 48 : index
      %get3A_211 = tpu.vector_load %arg6[%get3A_209, %get3A_210] {strides = array<i32>} : memref<200x64xf32, #tpu.memory_space<vmem>>, vector<16xf32>,
      %parallel_loop3A = arith.constant 0 : i32
      %parallel_loop3A_212 = arith.constant 128 : i32
      %parallel_loop3A_213 = arith.constant 8 : i32
      scf.for %parallel_loop3A_285 = %parallel_loop3A to %parallel_loop3A_212 step %parallel_loop3A_213  : i32 {
        %parallel_loop3A_286 = vector.broadcast %parallel_loop3A_285 : i32 to vector<16xi32>
        %parallel_loop3A_287 = arith.addi %parallel_loop3A_286, %and3A_7 : vector<16xi32>
        %parallel_loop3A_288 = arith.addi %parallel_loop3A_286, %add3A_91 : vector<16xi32>
        %parallel_loop3A_289 = tpu.vector_load_idx %arg8[%parallel_loop3A_287, %add3A_52] : memref<128x128xf32, #tpu.memory_space<vmem>>[vector<16xi32>, vector<16xi32>], vector<16xf32>,
        %parallel_loop3A_290 = arith.addf %parallel_loop3A_289, %get3A_202 : vector<16xf32>
        tpu.vector_store_idx %arg10[%add3A_66, %parallel_loop3A_288], %parallel_loop3A_290 : memref<8x1032xf32, #tpu.memory_space<vmem>>[vector<16xi32>, vector<16xi32>], vector<16xf32>,
        %parallel_loop3A_291 = tpu.vector_load_idx %arg8[%parallel_loop3A_287, %add3A_55] : memref<128x128xf32, #tpu.memory_space<vmem>>[vector<16xi32>, vector<16xi32>], vector<16xf32>,
        %parallel_loop3A_292 = arith.addf %parallel_loop3A_291, %get3A_205 : vector<16xf32>
        tpu.vector_store_idx %arg10[%add3A_72, %parallel_loop3A_288], %parallel_loop3A_292 : memref<8x1032xf32, #tpu.memory_space<vmem>>[vector<16xi32>, vector<16xi32>], vector<16xf32>,
        %parallel_loop3A_293 = tpu.vector_load_idx %arg8[%parallel_loop3A_287, %add3A_58] : memref<128x128xf32, #tpu.memory_space<vmem>>[vector<16xi32>, vector<16xi32>], vector<16xf32>,
        %parallel_loop3A_294 = arith.addf %parallel_loop3A_293, %get3A_208 : vector<16xf32>
        tpu.vector_store_idx %arg10[%add3A_78, %parallel_loop3A_288], %parallel_loop3A_294 : memref<8x1032xf32, #tpu.memory_space<vmem>>[vector<16xi32>, vector<16xi32>], vector<16xf32>,
        %parallel_loop3A_295 = tpu.vector_load_idx %arg8[%parallel_loop3A_287, %add3A_61] : memref<128x128xf32, #tpu.memory_space<vmem>>[vector<16xi32>, vector<16xi32>], vector<16xf32>,
        %parallel_loop3A_296 = arith.addf %parallel_loop3A_295, %get3A_211 : vector<16xf32>
        tpu.vector_store_idx %arg10[%add3A_84, %parallel_loop3A_288], %parallel_loop3A_296 : memref<8x1032xf32, #tpu.memory_space<vmem>>[vector<16xi32>, vector<16xi32>], vector<16xf32>,
        %parallel_loop3A_297 = arith.addi %parallel_loop3A_286, %and3A_13 : vector<16xi32>
        %parallel_loop3A_298 = arith.addi %parallel_loop3A_286, %add3A_98 : vector<16xi32>
        %parallel_loop3A_299 = tpu.vector_load_idx %arg8[%parallel_loop3A_297, %add3A_52] : memref<128x128xf32, #tpu.memory_space<vmem>>[vector<16xi32>, vector<16xi32>], vector<16xf32>,
        %parallel_loop3A_300 = arith.addf %parallel_loop3A_299, %get3A_202 : vector<16xf32>
        tpu.vector_store_idx %arg10[%add3A_66, %parallel_loop3A_298], %parallel_loop3A_300 : memref<8x1032xf32, #tpu.memory_space<vmem>>[vector<16xi32>, vector<16xi32>], vector<16xf32>,
        %parallel_loop3A_301 = tpu.vector_load_idx %arg8[%parallel_loop3A_297, %add3A_55] : memref<128x128xf32, #tpu.memory_space<vmem>>[vector<16xi32>, vector<16xi32>], vector<16xf32>,
        %parallel_loop3A_302 = arith.addf %parallel_loop3A_301, %get3A_205 : vector<16xf32>
        tpu.vector_store_idx %arg10[%add3A_72, %parallel_loop3A_298], %parallel_loop3A_302 : memref<8x1032xf32, #tpu.memory_space<vmem>>[vector<16xi32>, vector<16xi32>], vector<16xf32>,
        %parallel_loop3A_303 = tpu.vector_load_idx %arg8[%parallel_loop3A_297, %add3A_58] : memref<128x128xf32, #tpu.memory_space<vmem>>[vector<16xi32>, vector<16xi32>], vector<16xf32>,
        %parallel_loop3A_304 = arith.addf %parallel_loop3A_303, %get3A_208 : vector<16xf32>
        tpu.vector_store_idx %arg10[%add3A_78, %parallel_loop3A_298], %parallel_loop3A_304 : memref<8x1032xf32, #tpu.memory_space<vmem>>[vector<16xi32>, vector<16xi32>], vector<16xf32>,
        %parallel_loop3A_305 = tpu.vector_load_idx %arg8[%parallel_loop3A_297, %add3A_61] : memref<128x128xf32, #tpu.memory_space<vmem>>[vector<16xi32>, vector<16xi32>], vector<16xf32>,
        %parallel_loop3A_306 = arith.addf %parallel_loop3A_305, %get3A_211 : vector<16xf32>
        tpu.vector_store_idx %arg10[%add3A_84, %parallel_loop3A_298], %parallel_loop3A_306 : memref<8x1032xf32, #tpu.memory_space<vmem>>[vector<16xi32>, vector<16xi32>], vector<16xf32>,
        %parallel_loop3A_307 = arith.addi %parallel_loop3A_286, %and3A_19 : vector<16xi32>
        %parallel_loop3A_308 = arith.addi %parallel_loop3A_286, %add3A_105 : vector<16xi32>
        %parallel_loop3A_309 = tpu.vector_load_idx %arg8[%parallel_loop3A_307, %add3A_52] : memref<128x128xf32, #tpu.memory_space<vmem>>[vector<16xi32>, vector<16xi32>], vector<16xf32>,
        %parallel_loop3A_310 = arith.addf %parallel_loop3A_309, %get3A_202 : vector<16xf32>
        tpu.vector_store_idx %arg10[%add3A_66, %parallel_loop3A_308], %parallel_loop3A_310 : memref<8x1032xf32, #tpu.memory_space<vmem>>[vector<16xi32>, vector<16xi32>], vector<16xf32>,
        %parallel_loop3A_311 = tpu.vector_load_idx %arg8[%parallel_loop3A_307, %add3A_55] : memref<128x128xf32, #tpu.memory_space<vmem>>[vector<16xi32>, vector<16xi32>], vector<16xf32>,
        %parallel_loop3A_312 = arith.addf %parallel_loop3A_311, %get3A_205 : vector<16xf32>
        tpu.vector_store_idx %arg10[%add3A_72, %parallel_loop3A_308], %parallel_loop3A_312 : memref<8x1032xf32, #tpu.memory_space<vmem>>[vector<16xi32>, vector<16xi32>], vector<16xf32>,
        %parallel_loop3A_313 = tpu.vector_load_idx %arg8[%parallel_loop3A_307, %add3A_58] : memref<128x128xf32, #tpu.memory_space<vmem>>[vector<16xi32>, vector<16xi32>], vector<16xf32>,
        %parallel_loop3A_314 = arith.addf %parallel_loop3A_313, %get3A_208 : vector<16xf32>
        tpu.vector_store_idx %arg10[%add3A_78, %parallel_loop3A_308], %parallel_loop3A_314 : memref<8x1032xf32, #tpu.memory_space<vmem>>[vector<16xi32>, vector<16xi32>], vector<16xf32>,
        %parallel_loop3A_315 = tpu.vector_load_idx %arg8[%parallel_loop3A_307, %add3A_61] : memref<128x128xf32, #tpu.memory_space<vmem>>[vector<16xi32>, vector<16xi32>], vector<16xf32>,
        %parallel_loop3A_316 = arith.addf %parallel_loop3A_315, %get3A_211 : vector<16xf32>
        tpu.vector_store_idx %arg10[%add3A_84, %parallel_loop3A_308], %parallel_loop3A_316 : memref<8x1032xf32, #tpu.memory_space<vmem>>[vector<16xi32>, vector<16xi32>], vector<16xf32>,
        %parallel_loop3A_317 = arith.addi %parallel_loop3A_286, %and3A_25 : vector<16xi32>
        %parallel_loop3A_318 = arith.addi %parallel_loop3A_286, %add3A_112 : vector<16xi32>
        %parallel_loop3A_319 = tpu.vector_load_idx %arg8[%parallel_loop3A_317, %add3A_52] : memref<128x128xf32, #tpu.memory_space<vmem>>[vector<16xi32>, vector<16xi32>], vector<16xf32>,
        %parallel_loop3A_320 = arith.addf %parallel_loop3A_319, %get3A_202 : vector<16xf32>
        tpu.vector_store_idx %arg10[%add3A_66, %parallel_loop3A_318], %parallel_loop3A_320 : memref<8x1032xf32, #tpu.memory_space<vmem>>[vector<16xi32>, vector<16xi32>], vector<16xf32>,
        %parallel_loop3A_321 = tpu.vector_load_idx %arg8[%parallel_loop3A_317, %add3A_55] : memref<128x128xf32, #tpu.memory_space<vmem>>[vector<16xi32>, vector<16xi32>], vector<16xf32>,
        %parallel_loop3A_322 = arith.addf %parallel_loop3A_321, %get3A_205 : vector<16xf32>
        tpu.vector_store_idx %arg10[%add3A_72, %parallel_loop3A_318], %parallel_loop3A_322 : memref<8x1032xf32, #tpu.memory_space<vmem>>[vector<16xi32>, vector<16xi32>], vector<16xf32>,
        %parallel_loop3A_323 = tpu.vector_load_idx %arg8[%parallel_loop3A_317, %add3A_58] : memref<128x128xf32, #tpu.memory_space<vmem>>[vector<16xi32>, vector<16xi32>], vector<16xf32>,
        %parallel_loop3A_324 = arith.addf %parallel_loop3A_323, %get3A_208 : vector<16xf32>
        tpu.vector_store_idx %arg10[%add3A_78, %parallel_loop3A_318], %parallel_loop3A_324 : memref<8x1032xf32, #tpu.memory_space<vmem>>[vector<16xi32>, vector<16xi32>], vector<16xf32>,
        %parallel_loop3A_325 = tpu.vector_load_idx %arg8[%parallel_loop3A_317, %add3A_61] : memref<128x128xf32, #tpu.memory_space<vmem>>[vector<16xi32>, vector<16xi32>], vector<16xf32>,
        %parallel_loop3A_326 = arith.addf %parallel_loop3A_325, %get3A_211 : vector<16xf32>
        tpu.vector_store_idx %arg10[%add3A_84, %parallel_loop3A_318], %parallel_loop3A_326 : memref<8x1032xf32, #tpu.memory_space<vmem>>[vector<16xi32>, vector<16xi32>], vector<16xf32>,
        %parallel_loop3A_327 = arith.addi %parallel_loop3A_286, %and3A_31 : vector<16xi32>
        %parallel_loop3A_328 = arith.addi %parallel_loop3A_286, %add3A_119 : vector<16xi32>
        %parallel_loop3A_329 = tpu.vector_load_idx %arg8[%parallel_loop3A_327, %add3A_52] : memref<128x128xf32, #tpu.memory_space<vmem>>[vector<16xi32>, vector<16xi32>], vector<16xf32>,
        %parallel_loop3A_330 = arith.addf %parallel_loop3A_329, %get3A_202 : vector<16xf32>
        tpu.vector_store_idx %arg10[%add3A_66, %parallel_loop3A_328], %parallel_loop3A_330 : memref<8x1032xf32, #tpu.memory_space<vmem>>[vector<16xi32>, vector<16xi32>], vector<16xf32>,
        %parallel_loop3A_331 = tpu.vector_load_idx %arg8[%parallel_loop3A_327, %add3A_55] : memref<128x128xf32, #tpu.memory_space<vmem>>[vector<16xi32>, vector<16xi32>], vector<16xf32>,
        %parallel_loop3A_332 = arith.addf %parallel_loop3A_331, %get3A_205 : vector<16xf32>
        tpu.vector_store_idx %arg10[%add3A_72, %parallel_loop3A_328], %parallel_loop3A_332 : memref<8x1032xf32, #tpu.memory_space<vmem>>[vector<16xi32>, vector<16xi32>], vector<16xf32>,
        %parallel_loop3A_333 = tpu.vector_load_idx %arg8[%parallel_loop3A_327, %add3A_58] : memref<128x128xf32, #tpu.memory_space<vmem>>[vector<16xi32>, vector<16xi32>], vector<16xf32>,
        %parallel_loop3A_334 = arith.addf %parallel_loop3A_333, %get3A_208 : vector<16xf32>
        tpu.vector_store_idx %arg10[%add3A_78, %parallel_loop3A_328], %parallel_loop3A_334 : memref<8x1032xf32, #tpu.memory_space<vmem>>[vector<16xi32>, vector<16xi32>], vector<16xf32>,
        %parallel_loop3A_335 = tpu.vector_load_idx %arg8[%parallel_loop3A_327, %add3A_61] : memref<128x128xf32, #tpu.memory_space<vmem>>[vector<16xi32>, vector<16xi32>], vector<16xf32>,
        %parallel_loop3A_336 = arith.addf %parallel_loop3A_335, %get3A_211 : vector<16xf32>
        tpu.vector_store_idx %arg10[%add3A_84, %parallel_loop3A_328], %parallel_loop3A_336 : memref<8x1032xf32, #tpu.memory_space<vmem>>[vector<16xi32>, vector<16xi32>], vector<16xf32>,
        %parallel_loop3A_337 = arith.addi %parallel_loop3A_286, %and3A_37 : vector<16xi32>
        %parallel_loop3A_338 = arith.addi %parallel_loop3A_286, %add3A_126 : vector<16xi32>
        %parallel_loop3A_339 = tpu.vector_load_idx %arg8[%parallel_loop3A_337, %add3A_52] : memref<128x128xf32, #tpu.memory_space<vmem>>[vector<16xi32>, vector<16xi32>], vector<16xf32>,
        %parallel_loop3A_340 = arith.addf %parallel_loop3A_339, %get3A_202 : vector<16xf32>
        tpu.vector_store_idx %arg10[%add3A_66, %parallel_loop3A_338], %parallel_loop3A_340 : memref<8x1032xf32, #tpu.memory_space<vmem>>[vector<16xi32>, vector<16xi32>], vector<16xf32>,
        %parallel_loop3A_341 = tpu.vector_load_idx %arg8[%parallel_loop3A_337, %add3A_55] : memref<128x128xf32, #tpu.memory_space<vmem>>[vector<16xi32>, vector<16xi32>], vector<16xf32>,
        %parallel_loop3A_342 = arith.addf %parallel_loop3A_341, %get3A_205 : vector<16xf32>
        tpu.vector_store_idx %arg10[%add3A_72, %parallel_loop3A_338], %parallel_loop3A_342 : memref<8x1032xf32, #tpu.memory_space<vmem>>[vector<16xi32>, vector<16xi32>], vector<16xf32>,
        %parallel_loop3A_343 = tpu.vector_load_idx %arg8[%parallel_loop3A_337, %add3A_58] : memref<128x128xf32, #tpu.memory_space<vmem>>[vector<16xi32>, vector<16xi32>], vector<16xf32>,
        %parallel_loop3A_344 = arith.addf %parallel_loop3A_343, %get3A_208 : vector<16xf32>
        tpu.vector_store_idx %arg10[%add3A_78, %parallel_loop3A_338], %parallel_loop3A_344 : memref<8x1032xf32, #tpu.memory_space<vmem>>[vector<16xi32>, vector<16xi32>], vector<16xf32>,
        %parallel_loop3A_345 = tpu.vector_load_idx %arg8[%parallel_loop3A_337, %add3A_61] : memref<128x128xf32, #tpu.memory_space<vmem>>[vector<16xi32>, vector<16xi32>], vector<16xf32>,
        %parallel_loop3A_346 = arith.addf %parallel_loop3A_345, %get3A_211 : vector<16xf32>
        tpu.vector_store_idx %arg10[%add3A_84, %parallel_loop3A_338], %parallel_loop3A_346 : memref<8x1032xf32, #tpu.memory_space<vmem>>[vector<16xi32>, vector<16xi32>], vector<16xf32>,
        %parallel_loop3A_347 = arith.addi %parallel_loop3A_286, %and3A_43 : vector<16xi32>
        %parallel_loop3A_348 = arith.addi %parallel_loop3A_286, %add3A_133 : vector<16xi32>
        %parallel_loop3A_349 = tpu.vector_load_idx %arg8[%parallel_loop3A_347, %add3A_52] : memref<128x128xf32, #tpu.memory_space<vmem>>[vector<16xi32>, vector<16xi32>], vector<16xf32>,
        %parallel_loop3A_350 = arith.addf %parallel_loop3A_349, %get3A_202 : vector<16xf32>
        tpu.vector_store_idx %arg10[%add3A_66, %parallel_loop3A_348], %parallel_loop3A_350 : memref<8x1032xf32, #tpu.memory_space<vmem>>[vector<16xi32>, vector<16xi32>], vector<16xf32>,
        %parallel_loop3A_351 = tpu.vector_load_idx %arg8[%parallel_loop3A_347, %add3A_55] : memref<128x128xf32, #tpu.memory_space<vmem>>[vector<16xi32>, vector<16xi32>], vector<16xf32>,
        %parallel_loop3A_352 = arith.addf %parallel_loop3A_351, %get3A_205 : vector<16xf32>
        tpu.vector_store_idx %arg10[%add3A_72, %parallel_loop3A_348], %parallel_loop3A_352 : memref<8x1032xf32, #tpu.memory_space<vmem>>[vector<16xi32>, vector<16xi32>], vector<16xf32>,
        %parallel_loop3A_353 = tpu.vector_load_idx %arg8[%parallel_loop3A_347, %add3A_58] : memref<128x128xf32, #tpu.memory_space<vmem>>[vector<16xi32>, vector<16xi32>], vector<16xf32>,
        %parallel_loop3A_354 = arith.addf %parallel_loop3A_353, %get3A_208 : vector<16xf32>
        tpu.vector_store_idx %arg10[%add3A_78, %parallel_loop3A_348], %parallel_loop3A_354 : memref<8x1032xf32, #tpu.memory_space<vmem>>[vector<16xi32>, vector<16xi32>], vector<16xf32>,
        %parallel_loop3A_355 = tpu.vector_load_idx %arg8[%parallel_loop3A_347, %add3A_61] : memref<128x128xf32, #tpu.memory_space<vmem>>[vector<16xi32>, vector<16xi32>], vector<16xf32>,
        %parallel_loop3A_356 = arith.addf %parallel_loop3A_355, %get3A_211 : vector<16xf32>
        tpu.vector_store_idx %arg10[%add3A_84, %parallel_loop3A_348], %parallel_loop3A_356 : memref<8x1032xf32, #tpu.memory_space<vmem>>[vector<16xi32>, vector<16xi32>], vector<16xf32>,
        %parallel_loop3A_357 = arith.addi %parallel_loop3A_286, %and3A_49 : vector<16xi32>
        %parallel_loop3A_358 = arith.addi %parallel_loop3A_286, %add3A_140 : vector<16xi32>
        %parallel_loop3A_359 = tpu.vector_load_idx %arg8[%parallel_loop3A_357, %add3A_52] : memref<128x128xf32, #tpu.memory_space<vmem>>[vector<16xi32>, vector<16xi32>], vector<16xf32>,
        %parallel_loop3A_360 = arith.addf %parallel_loop3A_359, %get3A_202 : vector<16xf32>
        tpu.vector_store_idx %arg10[%add3A_66, %parallel_loop3A_358], %parallel_loop3A_360 : memref<8x1032xf32, #tpu.memory_space<vmem>>[vector<16xi32>, vector<16xi32>], vector<16xf32>,
        %parallel_loop3A_361 = tpu.vector_load_idx %arg8[%parallel_loop3A_357, %add3A_55] : memref<128x128xf32, #tpu.memory_space<vmem>>[vector<16xi32>, vector<16xi32>], vector<16xf32>,
        %parallel_loop3A_362 = arith.addf %parallel_loop3A_361, %get3A_205 : vector<16xf32>
        tpu.vector_store_idx %arg10[%add3A_72, %parallel_loop3A_358], %parallel_loop3A_362 : memref<8x1032xf32, #tpu.memory_space<vmem>>[vector<16xi32>, vector<16xi32>], vector<16xf32>,
        %parallel_loop3A_363 = tpu.vector_load_idx %arg8[%parallel_loop3A_357, %add3A_58] : memref<128x128xf32, #tpu.memory_space<vmem>>[vector<16xi32>, vector<16xi32>], vector<16xf32>,
        %parallel_loop3A_364 = arith.addf %parallel_loop3A_363, %get3A_208 : vector<16xf32>
        tpu.vector_store_idx %arg10[%add3A_78, %parallel_loop3A_358], %parallel_loop3A_364 : memref<8x1032xf32, #tpu.memory_space<vmem>>[vector<16xi32>, vector<16xi32>], vector<16xf32>,
        %parallel_loop3A_365 = tpu.vector_load_idx %arg8[%parallel_loop3A_357, %add3A_61] : memref<128x128xf32, #tpu.memory_space<vmem>>[vector<16xi32>, vector<16xi32>], vector<16xf32>,
        %parallel_loop3A_366 = arith.addf %parallel_loop3A_365, %get3A_211 : vector<16xf32>
        tpu.vector_store_idx %arg10[%add3A_84, %parallel_loop3A_358], %parallel_loop3A_366 : memref<8x1032xf32, #tpu.memory_space<vmem>>[vector<16xi32>, vector<16xi32>], vector<16xf32>,
      } {sc.loop_unroll_factor = 2 : i64, sc.parallel_access}
      %dma_start3A_214 = arith.constant 0 : i32
      %dma_start3A_215 = arith.constant 0 : i32
      %dma_start3A_216 = tpu.memref_slice %arg10[%dma_start3A_214, %dma_start3A_215] : memref<8x1032xf32, #tpu.memory_space<vmem>> -> memref<8x1024xf32, #tpu.memory_space<vmem>>
      %dma_start3A_217 = arith.constant 0 : i32
      %dma_start3A_218 = arith.constant 0 : i32
      %dma_start3A_219 = tpu.memref_slice %arg5[%add3A_192, %dma_start3A_217, %add3A, %dma_start3A_218] : memref<200x8x32x1024xf32, #tpu.memory_space<hbm>> -> memref<1x8x1x1024xf32, #tpu.memory_space<hbm>>
      %dma_start3A_220 = tpu.memref_squeeze %dma_start3A_219 : memref<1x8x1x1024xf32, #tpu.memory_space<hbm>> -> memref<8x1024xf32, #tpu.memory_space<hbm>>
      %dma_start3A_221 = arith.constant 0 : i32
      %dma_start3A_222 = arith.constant 0 : i32
      %dma_start3A_223 = tpu.memref_slice %arg5[%add3A_192, %dma_start3A_221, %add3A, %dma_start3A_222] : memref<200x8x32x1024xf32, #tpu.memory_space<hbm>> -> memref<1x8x1x1024xf32, #tpu.memory_space<hbm>>
      %dma_start3A_224 = tpu.memref_squeeze %dma_start3A_223 : memref<1x8x1x1024xf32, #tpu.memory_space<hbm>> -> memref<8x1024xf32, #tpu.memory_space<hbm>>
      %dma_start3A_225 = arith.constant 0 : i32
      %dma_start3A_226 = arith.constant 0 : i32
      %dma_start3A_227 = tpu.memref_slice %arg10[%dma_start3A_225, %dma_start3A_226] : memref<8x1032xf32, #tpu.memory_space<vmem>> -> memref<8x1024xf32, #tpu.memory_space<vmem>>
      tpu.enqueue_dma source(%dma_start3A_227 : memref<8x1024xf32, #tpu.memory_space<vmem>>) target(%dma_start3A_224 : memref<8x1024xf32, #tpu.memory_space<hbm>>) target_semaphore(%arg14 : memref<!tpu.dma_semaphore, #tpu.memory_space<semaphore_mem>>)
      %add3A_228 = arith.constant 2 : i32
      %add3A_229 = arith.addi %add3A_192, %add3A_228 : i32
      %lt3A = arith.constant 200 : i32
      %lt3A_230 = arith.cmpi slt, %add3A_229, %lt3A : i32
      %convert_element_type3A_231 = arith.extui %lt3A_230 : i1 to i32
      %cond3A_232 = arith.constant 0 : i32
      %cond3A_233 = arith.cmpi ne, %convert_element_type3A_231, %cond3A_232 : i32
      scf.if %cond3A_233 {
        %add3A_285 = arith.constant 2 : i32
        %add3A_286 = arith.addi %add3A_192, %add3A_285 : i32
        %dma_start3A_287 = arith.constant 0 : i32
        %dma_start3A_288 = tpu.memref_slice %arg7[%add3A_286, %dma_start3A_287] : memref<200x128xi32, #tpu.memory_space<vmem>> -> memref<1x128xi32, #tpu.memory_space<vmem>>
        %dma_start3A_289 = tpu.memref_squeeze %dma_start3A_288 : memref<1x128xi32, #tpu.memory_space<vmem>> -> memref<128xi32, #tpu.memory_space<vmem>>
        %dma_start3A_290 = arith.constant 0 : i32
        %dma_start3A_291 = arith.constant 0 : i32
        %dma_start3A_292 = tpu.memref_slice %arg3[%dma_start3A_290, %dma_start3A_291] : memref<1000000x128xf32, #tpu.memory_space<hbm>> -> memref<1000000x128xf32, #tpu.memory_space<hbm>>
        tpu.enqueue_indirect_dma source(%dma_start3A_292 : memref<1000000x128xf32, #tpu.memory_space<hbm>>) target(%arg8 : memref<128x128xf32, #tpu.memory_space<vmem>>) offsets(%dma_start3A_289 : memref<128xi32, #tpu.memory_space<vmem>>) semaphore(%arg12 : memref<!tpu.dma_semaphore, #tpu.memory_space<semaphore_mem>>)
      } else {
      }
      %mul3A_234 = arith.constant 2 : i32
      %mul3A_235 = arith.muli %mul3A_234, %scan3A_188 : i32
      %add3A_236 = arith.constant 1 : i32
      %add3A_237 = arith.addi %mul3A_235, %add3A_236 : i32
      %dma_wait3A_238 = arith.constant 0 : i32
      %dma_wait3A_239 = tpu.memref_slice %arg7[%add3A_237, %dma_wait3A_238] : memref<200x128xi32, #tpu.memory_space<vmem>> -> memref<1x128xi32, #tpu.memory_space<vmem>>
      %dma_wait3A_240 = tpu.memref_squeeze %dma_wait3A_239 : memref<1x128xi32, #tpu.memory_space<vmem>> -> memref<128xi32, #tpu.memory_space<vmem>>
      %dma_wait3A_241 = arith.constant 0 : i32
      %dma_wait3A_242 = arith.constant 0 : i32
      %dma_wait3A_243 = tpu.memref_slice %arg3[%dma_wait3A_241, %dma_wait3A_242] : memref<1000000x128xf32, #tpu.memory_space<hbm>> -> memref<1000000x128xf32, #tpu.memory_space<hbm>>
      tpu.wait_indirect_dma semaphore(%arg13 : memref<!tpu.dma_semaphore, #tpu.memory_space<semaphore_mem>>) src(%dma_wait3A_243 : memref<1000000x128xf32, #tpu.memory_space<hbm>>) dst(%arg9 : memref<128x128xf32, #tpu.memory_space<vmem>>)
      %gt3A_244 = arith.constant 0 : i32
      %gt3A_245 = arith.cmpi sgt, %scan3A_188, %gt3A_244 : i32
      %convert_element_type3A_246 = arith.extui %gt3A_245 : i1 to i32
      %cond3A_247 = arith.constant 0 : i32
      %cond3A_248 = arith.cmpi ne, %convert_element_type3A_246, %cond3A_247 : i32
      scf.if %cond3A_248 {
        %dma_wait3A_285 = arith.constant 0 : i32
        %dma_wait3A_286 = arith.constant 0 : i32
        %dma_wait3A_287 = tpu.memref_slice %arg11[%dma_wait3A_285, %dma_wait3A_286] : memref<8x1032xf32, #tpu.memory_space<vmem>> -> memref<8x1024xf32, #tpu.memory_space<vmem>>
        %dma_wait3A_288 = arith.constant 0 : i32
        %dma_wait3A_289 = arith.constant 0 : i32
        %dma_wait3A_290 = tpu.memref_slice %arg5[%add3A_237, %dma_wait3A_288, %add3A, %dma_wait3A_289] : memref<200x8x32x1024xf32, #tpu.memory_space<hbm>> -> memref<1x8x1x1024xf32, #tpu.memory_space<hbm>>
        %dma_wait3A_291 = tpu.memref_squeeze %dma_wait3A_290 : memref<1x8x1x1024xf32, #tpu.memory_space<hbm>> -> memref<8x1024xf32, #tpu.memory_space<hbm>>
        %dma_wait3A_292 = arith.constant 0 : i32
        %dma_wait3A_293 = arith.constant 0 : i32
        %dma_wait3A_294 = tpu.memref_slice %arg5[%add3A_237, %dma_wait3A_292, %add3A, %dma_wait3A_293] : memref<200x8x32x1024xf32, #tpu.memory_space<hbm>> -> memref<1x8x1x1024xf32, #tpu.memory_space<hbm>>
        %dma_wait3A_295 = tpu.memref_squeeze %dma_wait3A_294 : memref<1x8x1x1024xf32, #tpu.memory_space<hbm>> -> memref<8x1024xf32, #tpu.memory_space<hbm>>
        %dma_wait3A_296 = arith.constant 0 : i32
        %dma_wait3A_297 = arith.constant 0 : i32
        %dma_wait3A_298 = tpu.memref_slice %arg11[%dma_wait3A_296, %dma_wait3A_297] : memref<8x1032xf32, #tpu.memory_space<vmem>> -> memref<8x1024xf32, #tpu.memory_space<vmem>>
        tpu.wait_dma2 semaphore(%arg15 : memref<!tpu.dma_semaphore, #tpu.memory_space<semaphore_mem>>) src(%dma_wait3A_298 : memref<8x1024xf32, #tpu.memory_space<vmem>>) dst(%dma_wait3A_295 : memref<8x1024xf32, #tpu.memory_space<hbm>>)
      } else {
      }
      %get3A_249 = arith.index_cast %add3A_237 : i32 to index
      %get3A_250 = arith.constant 0 : index
      %get3A_251 = tpu.vector_load %arg6[%get3A_249, %get3A_250] {strides = array<i32>} : memref<200x64xf32, #tpu.memory_space<vmem>>, vector<16xf32>,
      %get3A_252 = arith.index_cast %add3A_237 : i32 to index
      %get3A_253 = arith.constant 16 : index
      %get3A_254 = tpu.vector_load %arg6[%get3A_252, %get3A_253] {strides = array<i32>} : memref<200x64xf32, #tpu.memory_space<vmem>>, vector<16xf32>,
      %get3A_255 = arith.index_cast %add3A_237 : i32 to index
      %get3A_256 = arith.constant 32 : index
      %get3A_257 = tpu.vector_load %arg6[%get3A_255, %get3A_256] {strides = array<i32>} : memref<200x64xf32, #tpu.memory_space<vmem>>, vector<16xf32>,
      %get3A_258 = arith.index_cast %add3A_237 : i32 to index
      %get3A_259 = arith.constant 48 : index
      %get3A_260 = tpu.vector_load %arg6[%get3A_258, %get3A_259] {strides = array<i32>} : memref<200x64xf32, #tpu.memory_space<vmem>>, vector<16xf32>,
      %parallel_loop3A_261 = arith.constant 0 : i32
      %parallel_loop3A_262 = arith.constant 128 : i32
      %parallel_loop3A_263 = arith.constant 8 : i32
      scf.for %parallel_loop3A_285 = %parallel_loop3A_261 to %parallel_loop3A_262 step %parallel_loop3A_263  : i32 {
        %parallel_loop3A_286 = vector.broadcast %parallel_loop3A_285 : i32 to vector<16xi32>
        %parallel_loop3A_287 = arith.addi %parallel_loop3A_286, %and3A_7 : vector<16xi32>
        %parallel_loop3A_288 = arith.addi %parallel_loop3A_286, %add3A_91 : vector<16xi32>
        %parallel_loop3A_289 = tpu.vector_load_idx %arg9[%parallel_loop3A_287, %add3A_52] : memref<128x128xf32, #tpu.memory_space<vmem>>[vector<16xi32>, vector<16xi32>], vector<16xf32>,
        %parallel_loop3A_290 = arith.addf %parallel_loop3A_289, %get3A_251 : vector<16xf32>
        tpu.vector_store_idx %arg11[%add3A_66, %parallel_loop3A_288], %parallel_loop3A_290 : memref<8x1032xf32, #tpu.memory_space<vmem>>[vector<16xi32>, vector<16xi32>], vector<16xf32>,
        %parallel_loop3A_291 = tpu.vector_load_idx %arg9[%parallel_loop3A_287, %add3A_55] : memref<128x128xf32, #tpu.memory_space<vmem>>[vector<16xi32>, vector<16xi32>], vector<16xf32>,
        %parallel_loop3A_292 = arith.addf %parallel_loop3A_291, %get3A_254 : vector<16xf32>
        tpu.vector_store_idx %arg11[%add3A_72, %parallel_loop3A_288], %parallel_loop3A_292 : memref<8x1032xf32, #tpu.memory_space<vmem>>[vector<16xi32>, vector<16xi32>], vector<16xf32>,
        %parallel_loop3A_293 = tpu.vector_load_idx %arg9[%parallel_loop3A_287, %add3A_58] : memref<128x128xf32, #tpu.memory_space<vmem>>[vector<16xi32>, vector<16xi32>], vector<16xf32>,
        %parallel_loop3A_294 = arith.addf %parallel_loop3A_293, %get3A_257 : vector<16xf32>
        tpu.vector_store_idx %arg11[%add3A_78, %parallel_loop3A_288], %parallel_loop3A_294 : memref<8x1032xf32, #tpu.memory_space<vmem>>[vector<16xi32>, vector<16xi32>], vector<16xf32>,
        %parallel_loop3A_295 = tpu.vector_load_idx %arg9[%parallel_loop3A_287, %add3A_61] : memref<128x128xf32, #tpu.memory_space<vmem>>[vector<16xi32>, vector<16xi32>], vector<16xf32>,
        %parallel_loop3A_296 = arith.addf %parallel_loop3A_295, %get3A_260 : vector<16xf32>
        tpu.vector_store_idx %arg11[%add3A_84, %parallel_loop3A_288], %parallel_loop3A_296 : memref<8x1032xf32, #tpu.memory_space<vmem>>[vector<16xi32>, vector<16xi32>], vector<16xf32>,
        %parallel_loop3A_297 = arith.addi %parallel_loop3A_286, %and3A_13 : vector<16xi32>
        %parallel_loop3A_298 = arith.addi %parallel_loop3A_286, %add3A_98 : vector<16xi32>
        %parallel_loop3A_299 = tpu.vector_load_idx %arg9[%parallel_loop3A_297, %add3A_52] : memref<128x128xf32, #tpu.memory_space<vmem>>[vector<16xi32>, vector<16xi32>], vector<16xf32>,
        %parallel_loop3A_300 = arith.addf %parallel_loop3A_299, %get3A_251 : vector<16xf32>
        tpu.vector_store_idx %arg11[%add3A_66, %parallel_loop3A_298], %parallel_loop3A_300 : memref<8x1032xf32, #tpu.memory_space<vmem>>[vector<16xi32>, vector<16xi32>], vector<16xf32>,
        %parallel_loop3A_301 = tpu.vector_load_idx %arg9[%parallel_loop3A_297, %add3A_55] : memref<128x128xf32, #tpu.memory_space<vmem>>[vector<16xi32>, vector<16xi32>], vector<16xf32>,
        %parallel_loop3A_302 = arith.addf %parallel_loop3A_301, %get3A_254 : vector<16xf32>
        tpu.vector_store_idx %arg11[%add3A_72, %parallel_loop3A_298], %parallel_loop3A_302 : memref<8x1032xf32, #tpu.memory_space<vmem>>[vector<16xi32>, vector<16xi32>], vector<16xf32>,
        %parallel_loop3A_303 = tpu.vector_load_idx %arg9[%parallel_loop3A_297, %add3A_58] : memref<128x128xf32, #tpu.memory_space<vmem>>[vector<16xi32>, vector<16xi32>], vector<16xf32>,
        %parallel_loop3A_304 = arith.addf %parallel_loop3A_303, %get3A_257 : vector<16xf32>
        tpu.vector_store_idx %arg11[%add3A_78, %parallel_loop3A_298], %parallel_loop3A_304 : memref<8x1032xf32, #tpu.memory_space<vmem>>[vector<16xi32>, vector<16xi32>], vector<16xf32>,
        %parallel_loop3A_305 = tpu.vector_load_idx %arg9[%parallel_loop3A_297, %add3A_61] : memref<128x128xf32, #tpu.memory_space<vmem>>[vector<16xi32>, vector<16xi32>], vector<16xf32>,
        %parallel_loop3A_306 = arith.addf %parallel_loop3A_305, %get3A_260 : vector<16xf32>
        tpu.vector_store_idx %arg11[%add3A_84, %parallel_loop3A_298], %parallel_loop3A_306 : memref<8x1032xf32, #tpu.memory_space<vmem>>[vector<16xi32>, vector<16xi32>], vector<16xf32>,
        %parallel_loop3A_307 = arith.addi %parallel_loop3A_286, %and3A_19 : vector<16xi32>
        %parallel_loop3A_308 = arith.addi %parallel_loop3A_286, %add3A_105 : vector<16xi32>
        %parallel_loop3A_309 = tpu.vector_load_idx %arg9[%parallel_loop3A_307, %add3A_52] : memref<128x128xf32, #tpu.memory_space<vmem>>[vector<16xi32>, vector<16xi32>], vector<16xf32>,
        %parallel_loop3A_310 = arith.addf %parallel_loop3A_309, %get3A_251 : vector<16xf32>
        tpu.vector_store_idx %arg11[%add3A_66, %parallel_loop3A_308], %parallel_loop3A_310 : memref<8x1032xf32, #tpu.memory_space<vmem>>[vector<16xi32>, vector<16xi32>], vector<16xf32>,
        %parallel_loop3A_311 = tpu.vector_load_idx %arg9[%parallel_loop3A_307, %add3A_55] : memref<128x128xf32, #tpu.memory_space<vmem>>[vector<16xi32>, vector<16xi32>], vector<16xf32>,
        %parallel_loop3A_312 = arith.addf %parallel_loop3A_311, %get3A_254 : vector<16xf32>
        tpu.vector_store_idx %arg11[%add3A_72, %parallel_loop3A_308], %parallel_loop3A_312 : memref<8x1032xf32, #tpu.memory_space<vmem>>[vector<16xi32>, vector<16xi32>], vector<16xf32>,
        %parallel_loop3A_313 = tpu.vector_load_idx %arg9[%parallel_loop3A_307, %add3A_58] : memref<128x128xf32, #tpu.memory_space<vmem>>[vector<16xi32>, vector<16xi32>], vector<16xf32>,
        %parallel_loop3A_314 = arith.addf %parallel_loop3A_313, %get3A_257 : vector<16xf32>
        tpu.vector_store_idx %arg11[%add3A_78, %parallel_loop3A_308], %parallel_loop3A_314 : memref<8x1032xf32, #tpu.memory_space<vmem>>[vector<16xi32>, vector<16xi32>], vector<16xf32>,
        %parallel_loop3A_315 = tpu.vector_load_idx %arg9[%parallel_loop3A_307, %add3A_61] : memref<128x128xf32, #tpu.memory_space<vmem>>[vector<16xi32>, vector<16xi32>], vector<16xf32>,
        %parallel_loop3A_316 = arith.addf %parallel_loop3A_315, %get3A_260 : vector<16xf32>
        tpu.vector_store_idx %arg11[%add3A_84, %parallel_loop3A_308], %parallel_loop3A_316 : memref<8x1032xf32, #tpu.memory_space<vmem>>[vector<16xi32>, vector<16xi32>], vector<16xf32>,
        %parallel_loop3A_317 = arith.addi %parallel_loop3A_286, %and3A_25 : vector<16xi32>
        %parallel_loop3A_318 = arith.addi %parallel_loop3A_286, %add3A_112 : vector<16xi32>
        %parallel_loop3A_319 = tpu.vector_load_idx %arg9[%parallel_loop3A_317, %add3A_52] : memref<128x128xf32, #tpu.memory_space<vmem>>[vector<16xi32>, vector<16xi32>], vector<16xf32>,
        %parallel_loop3A_320 = arith.addf %parallel_loop3A_319, %get3A_251 : vector<16xf32>
        tpu.vector_store_idx %arg11[%add3A_66, %parallel_loop3A_318], %parallel_loop3A_320 : memref<8x1032xf32, #tpu.memory_space<vmem>>[vector<16xi32>, vector<16xi32>], vector<16xf32>,
        %parallel_loop3A_321 = tpu.vector_load_idx %arg9[%parallel_loop3A_317, %add3A_55] : memref<128x128xf32, #tpu.memory_space<vmem>>[vector<16xi32>, vector<16xi32>], vector<16xf32>,
        %parallel_loop3A_322 = arith.addf %parallel_loop3A_321, %get3A_254 : vector<16xf32>
        tpu.vector_store_idx %arg11[%add3A_72, %parallel_loop3A_318], %parallel_loop3A_322 : memref<8x1032xf32, #tpu.memory_space<vmem>>[vector<16xi32>, vector<16xi32>], vector<16xf32>,
        %parallel_loop3A_323 = tpu.vector_load_idx %arg9[%parallel_loop3A_317, %add3A_58] : memref<128x128xf32, #tpu.memory_space<vmem>>[vector<16xi32>, vector<16xi32>], vector<16xf32>,
        %parallel_loop3A_324 = arith.addf %parallel_loop3A_323, %get3A_257 : vector<16xf32>
        tpu.vector_store_idx %arg11[%add3A_78, %parallel_loop3A_318], %parallel_loop3A_324 : memref<8x1032xf32, #tpu.memory_space<vmem>>[vector<16xi32>, vector<16xi32>], vector<16xf32>,
        %parallel_loop3A_325 = tpu.vector_load_idx %arg9[%parallel_loop3A_317, %add3A_61] : memref<128x128xf32, #tpu.memory_space<vmem>>[vector<16xi32>, vector<16xi32>], vector<16xf32>,
        %parallel_loop3A_326 = arith.addf %parallel_loop3A_325, %get3A_260 : vector<16xf32>
        tpu.vector_store_idx %arg11[%add3A_84, %parallel_loop3A_318], %parallel_loop3A_326 : memref<8x1032xf32, #tpu.memory_space<vmem>>[vector<16xi32>, vector<16xi32>], vector<16xf32>,
        %parallel_loop3A_327 = arith.addi %parallel_loop3A_286, %and3A_31 : vector<16xi32>
        %parallel_loop3A_328 = arith.addi %parallel_loop3A_286, %add3A_119 : vector<16xi32>
        %parallel_loop3A_329 = tpu.vector_load_idx %arg9[%parallel_loop3A_327, %add3A_52] : memref<128x128xf32, #tpu.memory_space<vmem>>[vector<16xi32>, vector<16xi32>], vector<16xf32>,
        %parallel_loop3A_330 = arith.addf %parallel_loop3A_329, %get3A_251 : vector<16xf32>
        tpu.vector_store_idx %arg11[%add3A_66, %parallel_loop3A_328], %parallel_loop3A_330 : memref<8x1032xf32, #tpu.memory_space<vmem>>[vector<16xi32>, vector<16xi32>], vector<16xf32>,
        %parallel_loop3A_331 = tpu.vector_load_idx %arg9[%parallel_loop3A_327, %add3A_55] : memref<128x128xf32, #tpu.memory_space<vmem>>[vector<16xi32>, vector<16xi32>], vector<16xf32>,
        %parallel_loop3A_332 = arith.addf %parallel_loop3A_331, %get3A_254 : vector<16xf32>
        tpu.vector_store_idx %arg11[%add3A_72, %parallel_loop3A_328], %parallel_loop3A_332 : memref<8x1032xf32, #tpu.memory_space<vmem>>[vector<16xi32>, vector<16xi32>], vector<16xf32>,
        %parallel_loop3A_333 = tpu.vector_load_idx %arg9[%parallel_loop3A_327, %add3A_58] : memref<128x128xf32, #tpu.memory_space<vmem>>[vector<16xi32>, vector<16xi32>], vector<16xf32>,
        %parallel_loop3A_334 = arith.addf %parallel_loop3A_333, %get3A_257 : vector<16xf32>
        tpu.vector_store_idx %arg11[%add3A_78, %parallel_loop3A_328], %parallel_loop3A_334 : memref<8x1032xf32, #tpu.memory_space<vmem>>[vector<16xi32>, vector<16xi32>], vector<16xf32>,
        %parallel_loop3A_335 = tpu.vector_load_idx %arg9[%parallel_loop3A_327, %add3A_61] : memref<128x128xf32, #tpu.memory_space<vmem>>[vector<16xi32>, vector<16xi32>], vector<16xf32>,
        %parallel_loop3A_336 = arith.addf %parallel_loop3A_335, %get3A_260 : vector<16xf32>
        tpu.vector_store_idx %arg11[%add3A_84, %parallel_loop3A_328], %parallel_loop3A_336 : memref<8x1032xf32, #tpu.memory_space<vmem>>[vector<16xi32>, vector<16xi32>], vector<16xf32>,
        %parallel_loop3A_337 = arith.addi %parallel_loop3A_286, %and3A_37 : vector<16xi32>
        %parallel_loop3A_338 = arith.addi %parallel_loop3A_286, %add3A_126 : vector<16xi32>
        %parallel_loop3A_339 = tpu.vector_load_idx %arg9[%parallel_loop3A_337, %add3A_52] : memref<128x128xf32, #tpu.memory_space<vmem>>[vector<16xi32>, vector<16xi32>], vector<16xf32>,
        %parallel_loop3A_340 = arith.addf %parallel_loop3A_339, %get3A_251 : vector<16xf32>
        tpu.vector_store_idx %arg11[%add3A_66, %parallel_loop3A_338], %parallel_loop3A_340 : memref<8x1032xf32, #tpu.memory_space<vmem>>[vector<16xi32>, vector<16xi32>], vector<16xf32>,
        %parallel_loop3A_341 = tpu.vector_load_idx %arg9[%parallel_loop3A_337, %add3A_55] : memref<128x128xf32, #tpu.memory_space<vmem>>[vector<16xi32>, vector<16xi32>], vector<16xf32>,
        %parallel_loop3A_342 = arith.addf %parallel_loop3A_341, %get3A_254 : vector<16xf32>
        tpu.vector_store_idx %arg11[%add3A_72, %parallel_loop3A_338], %parallel_loop3A_342 : memref<8x1032xf32, #tpu.memory_space<vmem>>[vector<16xi32>, vector<16xi32>], vector<16xf32>,
        %parallel_loop3A_343 = tpu.vector_load_idx %arg9[%parallel_loop3A_337, %add3A_58] : memref<128x128xf32, #tpu.memory_space<vmem>>[vector<16xi32>, vector<16xi32>], vector<16xf32>,
        %parallel_loop3A_344 = arith.addf %parallel_loop3A_343, %get3A_257 : vector<16xf32>
        tpu.vector_store_idx %arg11[%add3A_78, %parallel_loop3A_338], %parallel_loop3A_344 : memref<8x1032xf32, #tpu.memory_space<vmem>>[vector<16xi32>, vector<16xi32>], vector<16xf32>,
        %parallel_loop3A_345 = tpu.vector_load_idx %arg9[%parallel_loop3A_337, %add3A_61] : memref<128x128xf32, #tpu.memory_space<vmem>>[vector<16xi32>, vector<16xi32>], vector<16xf32>,
        %parallel_loop3A_346 = arith.addf %parallel_loop3A_345, %get3A_260 : vector<16xf32>
        tpu.vector_store_idx %arg11[%add3A_84, %parallel_loop3A_338], %parallel_loop3A_346 : memref<8x1032xf32, #tpu.memory_space<vmem>>[vector<16xi32>, vector<16xi32>], vector<16xf32>,
        %parallel_loop3A_347 = arith.addi %parallel_loop3A_286, %and3A_43 : vector<16xi32>
        %parallel_loop3A_348 = arith.addi %parallel_loop3A_286, %add3A_133 : vector<16xi32>
        %parallel_loop3A_349 = tpu.vector_load_idx %arg9[%parallel_loop3A_347, %add3A_52] : memref<128x128xf32, #tpu.memory_space<vmem>>[vector<16xi32>, vector<16xi32>], vector<16xf32>,
        %parallel_loop3A_350 = arith.addf %parallel_loop3A_349, %get3A_251 : vector<16xf32>
        tpu.vector_store_idx %arg11[%add3A_66, %parallel_loop3A_348], %parallel_loop3A_350 : memref<8x1032xf32, #tpu.memory_space<vmem>>[vector<16xi32>, vector<16xi32>], vector<16xf32>,
        %parallel_loop3A_351 = tpu.vector_load_idx %arg9[%parallel_loop3A_347, %add3A_55] : memref<128x128xf32, #tpu.memory_space<vmem>>[vector<16xi32>, vector<16xi32>], vector<16xf32>,
        %parallel_loop3A_352 = arith.addf %parallel_loop3A_351, %get3A_254 : vector<16xf32>
        tpu.vector_store_idx %arg11[%add3A_72, %parallel_loop3A_348], %parallel_loop3A_352 : memref<8x1032xf32, #tpu.memory_space<vmem>>[vector<16xi32>, vector<16xi32>], vector<16xf32>,
        %parallel_loop3A_353 = tpu.vector_load_idx %arg9[%parallel_loop3A_347, %add3A_58] : memref<128x128xf32, #tpu.memory_space<vmem>>[vector<16xi32>, vector<16xi32>], vector<16xf32>,
        %parallel_loop3A_354 = arith.addf %parallel_loop3A_353, %get3A_257 : vector<16xf32>
        tpu.vector_store_idx %arg11[%add3A_78, %parallel_loop3A_348], %parallel_loop3A_354 : memref<8x1032xf32, #tpu.memory_space<vmem>>[vector<16xi32>, vector<16xi32>], vector<16xf32>,
        %parallel_loop3A_355 = tpu.vector_load_idx %arg9[%parallel_loop3A_347, %add3A_61] : memref<128x128xf32, #tpu.memory_space<vmem>>[vector<16xi32>, vector<16xi32>], vector<16xf32>,
        %parallel_loop3A_356 = arith.addf %parallel_loop3A_355, %get3A_260 : vector<16xf32>
        tpu.vector_store_idx %arg11[%add3A_84, %parallel_loop3A_348], %parallel_loop3A_356 : memref<8x1032xf32, #tpu.memory_space<vmem>>[vector<16xi32>, vector<16xi32>], vector<16xf32>,
        %parallel_loop3A_357 = arith.addi %parallel_loop3A_286, %and3A_49 : vector<16xi32>
        %parallel_loop3A_358 = arith.addi %parallel_loop3A_286, %add3A_140 : vector<16xi32>
        %parallel_loop3A_359 = tpu.vector_load_idx %arg9[%parallel_loop3A_357, %add3A_52] : memref<128x128xf32, #tpu.memory_space<vmem>>[vector<16xi32>, vector<16xi32>], vector<16xf32>,
        %parallel_loop3A_360 = arith.addf %parallel_loop3A_359, %get3A_251 : vector<16xf32>
        tpu.vector_store_idx %arg11[%add3A_66, %parallel_loop3A_358], %parallel_loop3A_360 : memref<8x1032xf32, #tpu.memory_space<vmem>>[vector<16xi32>, vector<16xi32>], vector<16xf32>,
        %parallel_loop3A_361 = tpu.vector_load_idx %arg9[%parallel_loop3A_357, %add3A_55] : memref<128x128xf32, #tpu.memory_space<vmem>>[vector<16xi32>, vector<16xi32>], vector<16xf32>,
        %parallel_loop3A_362 = arith.addf %parallel_loop3A_361, %get3A_254 : vector<16xf32>
        tpu.vector_store_idx %arg11[%add3A_72, %parallel_loop3A_358], %parallel_loop3A_362 : memref<8x1032xf32, #tpu.memory_space<vmem>>[vector<16xi32>, vector<16xi32>], vector<16xf32>,
        %parallel_loop3A_363 = tpu.vector_load_idx %arg9[%parallel_loop3A_357, %add3A_58] : memref<128x128xf32, #tpu.memory_space<vmem>>[vector<16xi32>, vector<16xi32>], vector<16xf32>,
        %parallel_loop3A_364 = arith.addf %parallel_loop3A_363, %get3A_257 : vector<16xf32>
        tpu.vector_store_idx %arg11[%add3A_78, %parallel_loop3A_358], %parallel_loop3A_364 : memref<8x1032xf32, #tpu.memory_space<vmem>>[vector<16xi32>, vector<16xi32>], vector<16xf32>,
        %parallel_loop3A_365 = tpu.vector_load_idx %arg9[%parallel_loop3A_357, %add3A_61] : memref<128x128xf32, #tpu.memory_space<vmem>>[vector<16xi32>, vector<16xi32>], vector<16xf32>,
        %parallel_loop3A_366 = arith.addf %parallel_loop3A_365, %get3A_260 : vector<16xf32>
        tpu.vector_store_idx %arg11[%add3A_84, %parallel_loop3A_358], %parallel_loop3A_366 : memref<8x1032xf32, #tpu.memory_space<vmem>>[vector<16xi32>, vector<16xi32>], vector<16xf32>,
      } {sc.loop_unroll_factor = 2 : i64, sc.parallel_access}
      %dma_start3A_264 = arith.constant 0 : i32
      %dma_start3A_265 = arith.constant 0 : i32
      %dma_start3A_266 = tpu.memref_slice %arg11[%dma_start3A_264, %dma_start3A_265] : memref<8x1032xf32, #tpu.memory_space<vmem>> -> memref<8x1024xf32, #tpu.memory_space<vmem>>
      %dma_start3A_267 = arith.constant 0 : i32
      %dma_start3A_268 = arith.constant 0 : i32
      %dma_start3A_269 = tpu.memref_slice %arg5[%add3A_237, %dma_start3A_267, %add3A, %dma_start3A_268] : memref<200x8x32x1024xf32, #tpu.memory_space<hbm>> -> memref<1x8x1x1024xf32, #tpu.memory_space<hbm>>
      %dma_start3A_270 = tpu.memref_squeeze %dma_start3A_269 : memref<1x8x1x1024xf32, #tpu.memory_space<hbm>> -> memref<8x1024xf32, #tpu.memory_space<hbm>>
      %dma_start3A_271 = arith.constant 0 : i32
      %dma_start3A_272 = arith.constant 0 : i32
      %dma_start3A_273 = tpu.memref_slice %arg5[%add3A_237, %dma_start3A_271, %add3A, %dma_start3A_272] : memref<200x8x32x1024xf32, #tpu.memory_space<hbm>> -> memref<1x8x1x1024xf32, #tpu.memory_space<hbm>>
      %dma_start3A_274 = tpu.memref_squeeze %dma_start3A_273 : memref<1x8x1x1024xf32, #tpu.memory_space<hbm>> -> memref<8x1024xf32, #tpu.memory_space<hbm>>
      %dma_start3A_275 = arith.constant 0 : i32
      %dma_start3A_276 = arith.constant 0 : i32
      %dma_start3A_277 = tpu.memref_slice %arg11[%dma_start3A_275, %dma_start3A_276] : memref<8x1032xf32, #tpu.memory_space<vmem>> -> memref<8x1024xf32, #tpu.memory_space<vmem>>
      tpu.enqueue_dma source(%dma_start3A_277 : memref<8x1024xf32, #tpu.memory_space<vmem>>) target(%dma_start3A_274 : memref<8x1024xf32, #tpu.memory_space<hbm>>) target_semaphore(%arg15 : memref<!tpu.dma_semaphore, #tpu.memory_space<semaphore_mem>>)
      %add3A_278 = arith.constant 2 : i32
      %add3A_279 = arith.addi %add3A_237, %add3A_278 : i32
      %lt3A_280 = arith.constant 200 : i32
      %lt3A_281 = arith.cmpi slt, %add3A_279, %lt3A_280 : i32
      %convert_element_type3A_282 = arith.extui %lt3A_281 : i1 to i32
      %cond3A_283 = arith.constant 0 : i32
      %cond3A_284 = arith.cmpi ne, %convert_element_type3A_282, %cond3A_283 : i32
      scf.if %cond3A_284 {
        %add3A_285 = arith.constant 2 : i32
        %add3A_286 = arith.addi %add3A_237, %add3A_285 : i32
        %dma_start3A_287 = arith.constant 0 : i32
        %dma_start3A_288 = tpu.memref_slice %arg7[%add3A_286, %dma_start3A_287] : memref<200x128xi32, #tpu.memory_space<vmem>> -> memref<1x128xi32, #tpu.memory_space<vmem>>
        %dma_start3A_289 = tpu.memref_squeeze %dma_start3A_288 : memref<1x128xi32, #tpu.memory_space<vmem>> -> memref<128xi32, #tpu.memory_space<vmem>>
        %dma_start3A_290 = arith.constant 0 : i32
        %dma_start3A_291 = arith.constant 0 : i32
        %dma_start3A_292 = tpu.memref_slice %arg3[%dma_start3A_290, %dma_start3A_291] : memref<1000000x128xf32, #tpu.memory_space<hbm>> -> memref<1000000x128xf32, #tpu.memory_space<hbm>>
        tpu.enqueue_indirect_dma source(%dma_start3A_292 : memref<1000000x128xf32, #tpu.memory_space<hbm>>) target(%arg9 : memref<128x128xf32, #tpu.memory_space<vmem>>) offsets(%dma_start3A_289 : memref<128xi32, #tpu.memory_space<vmem>>) semaphore(%arg13 : memref<!tpu.dma_semaphore, #tpu.memory_space<semaphore_mem>>)
      } else {
      }
    }
    %scan3A_158 = arith.constant 100 : i32
    %dma_wait3A = arith.constant 198 : i32
    %dma_wait3A_159 = arith.constant 0 : i32
    %dma_wait3A_160 = arith.constant 0 : i32
    %dma_wait3A_161 = tpu.memref_slice %arg10[%dma_wait3A_159, %dma_wait3A_160] : memref<8x1032xf32, #tpu.memory_space<vmem>> -> memref<8x1024xf32, #tpu.memory_space<vmem>>
    %dma_wait3A_162 = arith.constant 0 : i32
    %dma_wait3A_163 = arith.constant 0 : i32
    %dma_wait3A_164 = tpu.memref_slice %arg5[%dma_wait3A, %dma_wait3A_162, %add3A, %dma_wait3A_163] : memref<200x8x32x1024xf32, #tpu.memory_space<hbm>> -> memref<1x8x1x1024xf32, #tpu.memory_space<hbm>>
    %dma_wait3A_165 = tpu.memref_squeeze %dma_wait3A_164 : memref<1x8x1x1024xf32, #tpu.memory_space<hbm>> -> memref<8x1024xf32, #tpu.memory_space<hbm>>
    %dma_wait3A_166 = arith.constant 0 : i32
    %dma_wait3A_167 = arith.constant 0 : i32
    %dma_wait3A_168 = tpu.memref_slice %arg5[%dma_wait3A, %dma_wait3A_166, %add3A, %dma_wait3A_167] : memref<200x8x32x1024xf32, #tpu.memory_space<hbm>> -> memref<1x8x1x1024xf32, #tpu.memory_space<hbm>>
    %dma_wait3A_169 = tpu.memref_squeeze %dma_wait3A_168 : memref<1x8x1x1024xf32, #tpu.memory_space<hbm>> -> memref<8x1024xf32, #tpu.memory_space<hbm>>
    %dma_wait3A_170 = arith.constant 0 : i32
    %dma_wait3A_171 = arith.constant 0 : i32
    %dma_wait3A_172 = tpu.memref_slice %arg10[%dma_wait3A_170, %dma_wait3A_171] : memref<8x1032xf32, #tpu.memory_space<vmem>> -> memref<8x1024xf32, #tpu.memory_space<vmem>>
    tpu.wait_dma2 semaphore(%arg14 : memref<!tpu.dma_semaphore, #tpu.memory_space<semaphore_mem>>) src(%dma_wait3A_172 : memref<8x1024xf32, #tpu.memory_space<vmem>>) dst(%dma_wait3A_169 : memref<8x1024xf32, #tpu.memory_space<hbm>>)
    %dma_wait3A_173 = arith.constant 199 : i32
    %dma_wait3A_174 = arith.constant 0 : i32
    %dma_wait3A_175 = arith.constant 0 : i32
    %dma_wait3A_176 = tpu.memref_slice %arg11[%dma_wait3A_174, %dma_wait3A_175] : memref<8x1032xf32, #tpu.memory_space<vmem>> -> memref<8x1024xf32, #tpu.memory_space<vmem>>
    %dma_wait3A_177 = arith.constant 0 : i32
    %dma_wait3A_178 = arith.constant 0 : i32
    %dma_wait3A_179 = tpu.memref_slice %arg5[%dma_wait3A_173, %dma_wait3A_177, %add3A, %dma_wait3A_178] : memref<200x8x32x1024xf32, #tpu.memory_space<hbm>> -> memref<1x8x1x1024xf32, #tpu.memory_space<hbm>>
    %dma_wait3A_180 = tpu.memref_squeeze %dma_wait3A_179 : memref<1x8x1x1024xf32, #tpu.memory_space<hbm>> -> memref<8x1024xf32, #tpu.memory_space<hbm>>
    %dma_wait3A_181 = arith.constant 0 : i32
    %dma_wait3A_182 = arith.constant 0 : i32
    %dma_wait3A_183 = tpu.memref_slice %arg5[%dma_wait3A_173, %dma_wait3A_181, %add3A, %dma_wait3A_182] : memref<200x8x32x1024xf32, #tpu.memory_space<hbm>> -> memref<1x8x1x1024xf32, #tpu.memory_space<hbm>>
    %dma_wait3A_184 = tpu.memref_squeeze %dma_wait3A_183 : memref<1x8x1x1024xf32, #tpu.memory_space<hbm>> -> memref<8x1024xf32, #tpu.memory_space<hbm>>
    %dma_wait3A_185 = arith.constant 0 : i32
    %dma_wait3A_186 = arith.constant 0 : i32
    %dma_wait3A_187 = tpu.memref_slice %arg11[%dma_wait3A_185, %dma_wait3A_186] : memref<8x1032xf32, #tpu.memory_space<vmem>> -> memref<8x1024xf32, #tpu.memory_space<vmem>>
    tpu.wait_dma2 semaphore(%arg15 : memref<!tpu.dma_semaphore, #tpu.memory_space<semaphore_mem>>) src(%dma_wait3A_187 : memref<8x1024xf32, #tpu.memory_space<vmem>>) dst(%dma_wait3A_184 : memref<8x1024xf32, #tpu.memory_space<hbm>>)
    return
  }
}

</mosaic_0001>

<sc_bundles>
// kernel: kernel.3.cloned.1.call-start
scs
__scs_entry_jumppad:
0x0: {  	(pc) =	sbr.rel $0x88, $3  }
0x1: {  	(tag) =	ssettag $0x0;
	lr =	simm.s32 $0x1  }
0x2: {  	[smem:$0x3F9E] =	sst lr;
	_ =	strace $0xD0000000  }
0x3: {  	_ = 	snop  }
0x4: {  	_ = 	snop  }
0x5: {  	_ = 	snop  }
0x6: {  	_ = 	snop  }
0x7: {  	_ = 	snop  }
__scs_overlays_trampoline_lowered:
0x8: {  	[smem:$0x3FAD] =	sst s0  }
0x9: {  	[smem:$0x3FAE] =	sst s1  }
0xa: {  	[smem:$0x3FAF] =	sst s2  }
0xb: {  	[smem:$0x3FB0] =	sst s3  }
0xc: {  	[smem:$0x3FB1] =	sst s4  }
0xd: {  	[smem:$0x3FB2] =	sst s5  }
0xe: {  	[smem:$0x3FB3] =	sst s6  }
0xf: {  	[smem:$0x3FB4] =	sst s7  }
0x10: {  	[smem:$0x3FB5] =	sst s8  }
0x11: {  	[smem:$0x3FB6] =	sst s9;
	s0 =	simm.s32 @!p0 $0x0  }
0x12: {  	s1 =	sld [smem:$0x3F9C];
	s0 =	simm.s32 @p0 $0x1  }
0x13: {  	[smem:$0x3FB7] =	sst s0;
	s0 =	simm.s32 @!p1 $0x0  }
0x14: {  	s2 =	sld [smem:$0x3F9B];
	s0 =	simm.s32 @p1 $0x1  }
0x15: {  	[smem:$0x3FB8] =	sst s0;
	s0 =	simm.s32 @!p2 $0x0  }
0x16: {  	s3 =	sld [smem:$0x3FDB];
	s0 =	simm.s32 @p2 $0x1  }
0x17: {  	s4 =	simm.s32 $0x1BF5;
	[smem:$0x3FBA] =	sst s0  }
0x18: {  	s0 =	sld [smem:$0x3F9D];
	_ =	swait.ge [sflag:s4], $0x0  }
0x19: {  	s7 =	sld [smem:$0x3F9E]  }
0x1a: {  	s8 =	sadd.s32 $0xFFFFE003, lr  }
0x1b: {  	s9 =	sadd.s32 $0xFFFFFEF7, lr;
	s5 =	simm.s32 $0xFFFFFFFF;
	p2 =	slt.u32 s8, $0xFFFFF086  }
0x1c: {  	p1 =	slt.u32 s9, $0xF7A;
	s5 =	simm.s32 @!p2 $0x0  }
0x1d: {  	s5 =	simm.s32 @p1 $0x1;
	p0 =	seq.s32 s7, s2  }
0x1e: {  	s7 =	smul.u32 @!p0 $0xF7A, s2;
	p2 =	seq.s32 @!p0 s5, $0x0  }
0x1f: {  	s9 =	smul.u32 $0xF7A, s1;
	s8 =	simm.s32 @!p0 $0x1BF5;
	p2 =	por !p2, p0  }
0x20: {  	[sflag:s8] =	ssyncset.s32 @!p0 $0xFFFFF086;
	s6 =	sadd.s32 @!p0 s3, s7;
	s7 =	simm.s32 @!p0 $0x108  }
0x21: {  	s3 =	sadd.s32 s3, s9;
	s6 =	sadd.s32 @!p0 $0x88, s6;
	s7 =	simm.s32 @p2 $0x1082  }
0x22: {  	[simem:s7], [sflag:s8] =	dma.local @!p0 [hbm:s6], $0xF7A  }
0x23: {  	s9 =	sor.u32 $0xD0000000, s2;
	s6 =	simm.s32 $0x108;
	_ =	swait.ge @!p0 [sflag:s8], $0x0  }
0x24: {  	s3 =	sadd.s32 $0x88, s3;
	s6 =	simm.s32 @!p1 $0x1082;
	[sflag:s4] =	ssyncset.s32 $0xFFFFF086  }
0x25: {  	[simem:s6], [sflag:s4] =	dma.local [hbm:s3], $0xF7A  }
0x26: {  	[smem:$0x3F9E] =	sst s1;
	(tag) =	ssettag s2;
	_ =	strace s9  }
0x27: {  	s1 =	sld [smem:$0x3FAE]  }
0x28: {  	s2 =	sld [smem:$0x3FAF]  }
0x29: {  	s4 =	sld [smem:$0x3FB1]  }
0x2a: {  	p0 =	seq.s32 s5, $0x0;
	s5 =	sld [smem:$0x3FB2]  }
0x2b: {  	s6 =	sld [smem:$0x3FB3]  }
0x2c: {  	s7 =	sld [smem:$0x3FB4]  }
0x2d: {  	s3 =	simm.s32 $0x108;
	s8 =	sld [smem:$0x3FB5]  }
0x2e: {  	s3 =	simm.s32 @!p0 $0x1082;
	s9 =	sld [smem:$0x3FB6]  }
0x2f: {  	lr =	sadd.s32 s0, s3;
	s0 =	sld [smem:$0x3FAD]  }
0x30: {  	s3 =	sld [smem:$0x3FB0]  }
0x31: {  	[smem:$0x3FB9] =	sst s10  }
0x32: {  	s10 =	sld [smem:$0x3FB7];
	_ =	sdelay $0x3  }
0x33: {  	p0 =	seq.s32 s10, $0x1;
	s10 =	sld [smem:$0x3FB9];
	_ =	sdelay $0x3  }
0x34: {  	[smem:$0x3FB9] =	sst s10  }
0x35: {  	s10 =	sld [smem:$0x3FB8];
	_ =	sdelay $0x3  }
0x36: {  	p1 =	seq.s32 s10, $0x1;
	s10 =	sld [smem:$0x3FB9];
	_ =	sdelay $0x3  }
0x37: {  	[smem:$0x3FB9] =	sst s10  }
0x38: {  	s10 =	sld [smem:$0x3FBA]  }
0x39: {  	_ = 	snop;
	(pc) =	sbr.ind lr, $3  }
0x3a: {  	_ = 	snop  }
0x3b: {  	_ = 	snop  }
0x3c: {  	p2 =	seq.s32 s10, $0x1;
	s10 =	sld [smem:$0x3FB9]  }
0x3d: {  	_ =	shalt  }
0x3e: {  	_ =	shalt  }
0x3f: {  	_ =	shalt  }
0x40: {  	_ =	shalt  }
0x41: {  	_ =	shalt  }
0x42: {  	_ =	shalt  }
0x43: {  	_ =	shalt  }
0x44: {  	_ =	shalt  }
0x45: {  	_ =	shalt  }
0x46: {  	_ =	shalt  }
0x47: {  	_ =	shalt  }
0x48: {  	_ =	shalt  }
0x49: {  	_ =	shalt  }
0x4a: {  	_ =	shalt  }
0x4b: {  	_ =	shalt  }
0x4c: {  	_ =	shalt  }
0x4d: {  	_ =	shalt  }
0x4e: {  	_ =	shalt  }
0x4f: {  	_ =	shalt  }
0x50: {  	_ =	shalt  }
0x51: {  	_ =	shalt  }
0x52: {  	_ =	shalt  }
0x53: {  	_ =	shalt  }
0x54: {  	_ =	shalt  }
0x55: {  	_ =	shalt  }
0x56: {  	_ =	shalt  }
0x57: {  	_ =	shalt  }
0x58: {  	_ =	shalt  }
0x59: {  	_ =	shalt  }
0x5a: {  	_ =	shalt  }
0x5b: {  	_ =	shalt  }
0x5c: {  	_ =	shalt  }
0x5d: {  	_ =	shalt  }
0x5e: {  	_ =	shalt  }
0x5f: {  	_ =	shalt  }
0x60: {  	_ =	shalt  }
0x61: {  	_ =	shalt  }
0x62: {  	_ =	shalt  }
0x63: {  	_ =	shalt  }
0x64: {  	_ =	shalt  }
0x65: {  	_ =	shalt  }
0x66: {  	_ =	shalt  }
0x67: {  	_ =	shalt  }
0x68: {  	_ =	shalt  }
0x69: {  	_ =	shalt  }
0x6a: {  	_ =	shalt  }
0x6b: {  	_ =	shalt  }
0x6c: {  	_ =	shalt  }
0x6d: {  	_ =	shalt  }
0x6e: {  	_ =	shalt  }
0x6f: {  	_ =	shalt  }
0x70: {  	_ =	shalt  }
0x71: {  	_ =	shalt  }
0x72: {  	_ =	shalt  }
0x73: {  	_ =	shalt  }
0x74: {  	_ =	shalt  }
0x75: {  	_ =	shalt  }
0x76: {  	_ =	shalt  }
0x77: {  	_ =	shalt  }
0x78: {  	_ =	shalt  }
0x79: {  	_ =	shalt  }
0x7a: {  	_ =	shalt  }
0x7b: {  	_ =	shalt  }
0x7c: {  	_ =	shalt  }
0x7d: {  	_ =	shalt  }
0x7e: {  	_ =	shalt  }
0x7f: {  	_ =	shalt  }
0x80: {  	_ =	shalt  }
0x81: {  	_ =	shalt  }
0x82: {  	_ =	shalt  }
0x83: {  	_ =	shalt  }
0x84: {  	_ =	shalt  }
0x85: {  	_ =	shalt  }
0x86: {  	_ =	shalt  }
0x87: {  	_ =	shalt  }
.Lfunc_end0:
.L_simem_size_0:
called_computation_lowered:
.L_overlay_start_0:
0x88: {  	s2 =	sld [smem:$0x3FD9]  }
0x89: {  	s3 =	sld [smem:$0x3FFE];
	_ =	sdelay $0x1  }
0x8a: {  	s1 =	srdreg.scid  }
0x8b: {  	s0 =	sand.u32 $0x1, s1  }
0x8c: {  	s17 =	sshll.u32 s0, $0xA;
	s2 =	sadd.s32 s3, s2  }
0x8d: {  	s2 =	sadd.s32 s2, s17  }
0x8e: {  	[smem:$0x3FC5] =	sst s2  }
0x8f: {  	_ = 	snop  }
0x90: {  	s2 =	sld [smem:$0x3FD0];
	(tm) =	ssettm $0x1  }
0x91: {  	s18 =	sld [smem:$0x3FFB];
	_ =	sdelay $0x3  }
0x92: {  	_ =	strace s18  }
0x93: {  	s3 =	sld [smem:$0x3FFC];
	_ =	sdelay $0x3  }
0x94: {  	_ =	strace s3  }
0x95: {  	s3 =	sld [smem:$0x3FFD];
	_ =	sdelay $0x3  }
0x96: {  	_ =	strace s3  }
0x97: {  	_ =	strace $0x8FFFFFFF  }
0x98: {  	s19 =	sld [smem:$0x3FDB];
	_ =	sdelay $0x1  }
0x99: {  	s4 =	simm.s32 $_scs_section_size  }
0x9a: {  	s5 =	simm.s32 $_size__tile_overlayer_lowered;
	s6 =	simm.s32 $_tile_overlayer_lowered  }
0x9b: {  	s22 =	simm.s32 $0x1BFF;
	s21 =	sshll.u32 s6, $0x1;
	s3 =	sadd.s32 s4, s19  }
0x9c: {  	s7 =	simm.s32 $0x0;
	s20 =	sshll.u32 s5, $0x1;
	s5 =	sadd.s32 s21, s3  }
0x9d: {  	[timem:s7], [sflag:s22] =	dma.local [hbm:s5], s20  }
0x9e: {  	_ =	swait.ge [sflag:s22], s20  }
0x9f: {  	s4 =	ssub.s32 $0x0, s20;
	[sflag:s22] =	ssyncset.done $0x0  }
0xa0: {  	[sflag:s22] =	ssyncadd.s32 s4;
	_ =	sdelay $0x1  }
0xa1: {  	s23 =	simm.s32 $0x1B8B  }
0xa2: {  	_ =	swait.ge [sflag:s23], $0x1  }
0xa3: {  	[sflag:s23] =	ssyncset.done $0x0  }
0xa4: {  	s25 =	simm.s32 $0x1B8E;
	s24 =	sld [smem:$0x3FFE];
	[sflag:s23] =	ssyncadd.s32 $0xFFFFFFFF  }
0xa5: {  	s26 =	simm.s32 $execute0_lowered;
	[smem:$0x3FD2] =	sst s25  }
0xa6: {  	s5 =	sshll.u32 s26, $0x1;
	_ =	strace $0x80000046;
	[dreg:$0x1] =	wrdreg $0xFFFFFFFF  }
0xa7: {  	s28 =	simm.s32 $_size_execute0_lowered;
	s3 =	sadd.s32 s3, s5;
	[dreg:$0x0] =	wrdreg $0x0  }
0xa8: {  	s5 =	sshll.u32 s28, $0x1;
	[dreg:$0x2] =	wrdreg s3  }
0xa9: {  	[dreg:$0x3] =	wrdreg s5  }
0xaa: {  	[dreg:$0x4] =	wrdreg $0xC0  }
0xab: {  	_ =	task [dreg:s7], $0x5FFFF  }
0xac: {  	[dreg:$0x1] =	wrdreg $0xFFFFFFFF  }
0xad: {  	[dreg:$0x0] =	wrdreg $0x60  }
0xae: {  	[dreg:$0x2] =	wrdreg s24  }
0xaf: {  	[dreg:$0x3] =	wrdreg s2  }
0xb0: {  	[dreg:$0x4] =	wrdreg $0x9  }
0xb1: {  	_ =	task.clear_ibuf [dreg:s7], $0x5FFFF;
	_ =	strace $0x90000046  }
0xb2: {  	s29 =	simm.s32 $0x9;
	_ =	strace $0x80000048  }
0xb3: {  	_ =	swait.ge [sflag:s29], $0x1  }
0xb4: {  	[sflag:s29] =	ssyncadd.s32 $0xFFFFFFFF  }
0xb5: {  	_ =	strace $0x90000048  }
0xb6: {  	_ =	sfence  }
0xb7: {  	s30 =	sld [smem:$0x0];
	_ =	sdelay $0x2  }
0xb8: {  	s31 =	sshll.u32 s1, $0xD;
	s1 =	sshrl.u32 s1, $0x2  }
0xb9: {  	s3 =	sand.u32 $0x4000, s31;
	s1 =	sadd.s32 s1, s30  }
0xba: {  	s0 =	sor.u32 s3, s0;
	s1 =	sshll.u32 s1, $0x11  }
0xbb: {  	s0 =	sor.u32 s1, s0  }
0xbc: {  	s0 =	sadd.s32 $0x8F2B, s0  }
0xbd: {  	[sflag:s0] =	ssyncadd.remote.s32 $0x1  }
0xbe: {  	_ =	sfence.sel $0xFFFF  }
0xbf: {  	[dreg:$0x0] =	wrdreg $0xFFFFFFFF;
	(pc) =	sbr.abs _section_cstart, $3  }
0xc0: {  	[dreg:$0x1] =	wrdreg $0xFFFFFFFF  }
0xc1: {  	_ =	task.clear_ibuf [dreg:s7], $0x2FFFF;
	_ =	strace $0x9FFFFFFF  }
0xc2: {  	(tm) =	ssettm $0x7FFFFFFF  }
0xc3: {  	_ =	shalt  }
tec
execute0_lowered:
.L_overlay_start_1:
0x0: {  	(tag) =	ssettag $0x1  }
0x1: {  	v0 =	vimm.s32 $0x300  }
0x2: {  	vm13 =	vcmask $0x300;
	vm12 =	vcmask $0x704;
	vm11 =	vcmask $0xB08  }
0x3: {  	vm10 =	vcmask $0xF0C;
	vm9 =	vcmask $0x1310;
	vm8 =	vcmask $0x1714  }
0x4: {  	vm7 =	vcmask $0x1B18;
	vm6 =	vcmask $0x2320;
	vm5 =	vcmask $0x2724  }
0x5: {  	vm4 =	vcmask $0x2B28;
	vm3 =	vcmask $0x2F2C;
	vm2 =	vcmask $0x3330  }
0x6: {  	v1 =	vimm.s32 $0x280;
	v2 =	vimm.s32 $0x200;
	vm0 =	vcmask $0x3734  }
0x7: {  	vm1 =	vcmask $0x3B38;
	v32 =	vimm.s32 $0x180;
	v34 =	vimm.s32 $0x100  }
0x8: {  	v35 =	vimm.s32 $0x80;
	v38 =	vimm.s32 $0x0;
	v40 =	vimm.s32 $0x788  }
0x9: {  	v41 =	vimm.s32 $0xF98;
	v7 =	vlaneseq.u32;
	vm14 =	vcmask $0x1F1C  }
0xa: {  	v45 =	vimm.s32 $0x17A8;
	v46 =	vimm.s32 $0x1FB8;
	v47 =	vimm.s32 $0x789  }
0xb: {  	v48 =	vimm.s32 $0xF99;
	v49 =	vimm.s32 $0x17A9;
	v50 =	vimm.s32 $0x1FB9  }
0xc: {  	v51 =	vimm.s32 $0x78A;
	v52 =	vimm.s32 $0xF9A;
	v53 =	vimm.s32 $0x17AA  }
0xd: {  	v55 =	vimm.s32 $0x1FBA;
	v56 =	vimm.s32 $0x78B;
	v57 =	vimm.s32 $0xF9B  }
0xe: {  	v58 =	vimm.s32 $0x17AB;
	v59 =	vimm.s32 $0x1FBB;
	v61 =	vimm.s32 $0x78C  }
0xf: {  	v0 =	vsel vm13, $0x380, v0;
	v1 =	vsel vm13, $0x300, v1;
	v2 =	vsel vm13, $0x280, v2  }
0x10: {  	v44 =	vand.u32 $0x7, v7;
	v0 =	vsel vm12, $0x0, v0;
	v1 =	vsel vm12, $0x380, v1  }
0x11: {  	v2 =	vsel vm12, $0x300, v2;
	v25 =	vmul.u32 $0x80, v44;
	v44 =	vimm.s32 $0x78D  }
0x12: {  	v0 =	vsel vm11, $0x80, v0;
	v1 =	vsel vm11, $0x0, v1;
	v2 =	vsel vm11, $0x380, v2  }
0x13: {  	v0 =	vsel vm10, $0x100, v0;
	v62 =	vsel vm10, $0x80, v1;
	v63 =	vsel vm10, $0x0, v2  }
0x14: {  	v2 =	vsel vm13, $0x200, v32;
	v0 =	vsel vm9, $0x180, v0;
	v1 =	vsel vm9, $0x80, v63  }
0x15: {  	v2 =	vsel vm12, $0x280, v2;
	v63 =	vimm.s32 $0xF9C;
	v0 =	vsel vm8, $0x200, v0  }
0x16: {  	v1 =	vsel vm8, $0x100, v1;
	v2 =	vsel vm11, $0x300, v2;
	v0 =	vsel vm7, $0x280, v0  }
0x17: {  	v1 =	vsel vm7, $0x180, v1;
	v2 =	vsel vm10, $0x380, v2;
	v0 =	vsel vm6, $0x380, v0  }
0x18: {  	v1 =	vsel vm6, $0x280, v1;
	v2 =	vsel vm9, $0x0, v2;
	v0 =	vsel vm5, $0x0, v0  }
0x19: {  	v1 =	vsel vm5, $0x300, v1;
	v2 =	vsel vm8, $0x80, v2;
	v0 =	vsel vm4, $0x80, v0  }
0x1a: {  	v1 =	vsel vm4, $0x380, v1;
	v2 =	vsel vm7, $0x100, v2;
	v0 =	vsel vm3, $0x100, v0  }
0x1b: {  	v1 =	vsel vm3, $0x0, v1;
	v2 =	vsel vm6, $0x200, v2;
	v0 =	vsel vm2, $0x180, v0  }
0x1c: {  	v1 =	vsel vm2, $0x80, v1;
	v33 =	vsel vm5, $0x280, v2;
	v2 =	vsel vm13, $0x100, v35  }
0x1d: {  	v0 =	vsel vm0, $0x200, v0;
	v1 =	vsel vm0, $0x100, v1;
	v2 =	vsel vm12, $0x180, v2  }
0x1e: {  	v13 =	vsel vm1, $0x280, v0;
	v0 =	vsel vm9, $0x100, v62;
	v60 =	vsel vm1, $0x180, v1  }
0x1f: {  	v1 =	vsel vm13, $0x180, v34;
	v2 =	vsel vm11, $0x200, v2;
	v34 =	vmul.u32 $0x81, v7  }
0x20: {  	v0 =	vsel vm8, $0x180, v0;
	v1 =	vsel vm12, $0x200, v1;
	v37 =	vsel vm10, $0x280, v2  }
0x21: {  	v2 =	vsel vm13, $0x80, v38;
	v0 =	vsel vm7, $0x200, v0;
	v1 =	vsel vm11, $0x280, v1  }
0x22: {  	v2 =	vsel vm12, $0x100, v2;
	v35 =	vadd.s32 $0x810, v34;
	v0 =	vsel vm6, $0x300, v0  }
0x23: {  	v36 =	vsel vm10, $0x300, v1;
	v1 =	vsel vm9, $0x300, v37;
	v2 =	vsel vm11, $0x180, v2  }
0x24: {  	v37 =	vadd.s32 $0x1830, v34;
	v0 =	vsel vm5, $0x380, v0;
	v1 =	vsel vm8, $0x380, v1  }
0x25: {  	v2 =	vsel vm10, $0x200, v2;
	v0 =	vsel vm4, $0x0, v0;
	v1 =	vsel vm7, $0x0, v1  }
0x26: {  	v2 =	vsel vm9, $0x280, v2;
	v0 =	vsel vm3, $0x80, v0;
	v1 =	vsel vm6, $0x100, v1  }
0x27: {  	v2 =	vsel vm8, $0x300, v2;
	v0 =	vsel vm2, $0x100, v0;
	v1 =	vsel vm5, $0x180, v1  }
0x28: {  	v2 =	vsel vm7, $0x380, v2;
	v0 =	vsel vm0, $0x180, v0;
	v1 =	vsel vm4, $0x200, v1  }
0x29: {  	v2 =	vsel vm6, $0x80, v2;
	v16 =	vsel vm1, $0x200, v0;
	v0 =	vsel vm4, $0x300, v33  }
0x2a: {  	v1 =	vsel vm3, $0x280, v1;
	v39 =	vsel vm5, $0x100, v2;
	v2 =	vsel vm13, $0x811, v41  }
0x2b: {  	v0 =	vsel vm3, $0x380, v0;
	v1 =	vsel vm2, $0x300, v1;
	v2 =	vsel vm12, $0x892, v2  }
0x2c: {  	v0 =	vsel vm2, $0x0, v0;
	v1 =	vsel vm0, $0x380, v1;
	v2 =	vsel vm11, $0x913, v2  }
0x2d: {  	v0 =	vsel vm0, $0x80, v0;
	v31 =	vsel vm1, $0x0, v1;
	v1 =	vsel vm13, $0x1, v40  }
0x2e: {  	v43 =	vsel vm10, $0x994, v2;
	v2 =	vsel vm13, $0x2, v47;
	v19 =	vsel vm1, $0x100, v0  }
0x2f: {  	v0 =	vsel vm9, $0x380, v36;
	v1 =	vsel vm12, $0x82, v1;
	v36 =	vadd.s32 $0x1020, v34  }
0x30: {  	v2 =	vsel vm12, $0x83, v2;
	v0 =	vsel vm8, $0x0, v0;
	v1 =	vsel vm11, $0x103, v1  }
0x31: {  	v2 =	vsel vm11, $0x104, v2;
	v0 =	vsel vm7, $0x80, v0;
	v42 =	vsel vm10, $0x184, v1  }
0x32: {  	v1 =	vsel vm9, $0xA15, v43;
	v2 =	vsel vm10, $0x185, v2;
	v43 =	vimm.s32 $0x1FBC  }
0x33: {  	v0 =	vsel vm6, $0x180, v0;
	v1 =	vsel vm8, $0xA96, v1;
	v2 =	vsel vm9, $0x206, v2  }
0x34: {  	v0 =	vsel vm5, $0x200, v0;
	v1 =	vsel vm7, $0xB17, v1;
	v2 =	vsel vm8, $0x287, v2  }
0x35: {  	v0 =	vsel vm4, $0x280, v0;
	v1 =	vsel vm14, $0xB90, v1;
	v2 =	vsel vm7, $0x300, v2  }
0x36: {  	v0 =	vsel vm3, $0x300, v0;
	v1 =	vsel vm6, $0xC19, v1;
	v2 =	vsel vm14, $0x381, v2  }
0x37: {  	v0 =	vsel vm2, $0x380, v0;
	v1 =	vsel vm5, $0xC9A, v1;
	v2 =	vsel vm6, $0x40A, v2  }
0x38: {  	v0 =	vsel vm0, $0x0, v0;
	v1 =	vsel vm4, $0xD1B, v1;
	v2 =	vsel vm5, $0x48B, v2  }
0x39: {  	v18 =	vsel vm1, $0x80, v0;
	v0 =	vsel vm4, $0x180, v39;
	v1 =	vsel vm3, $0xD9C, v1  }
0x3a: {  	v2 =	vsel vm4, $0x50C, v2;
	v0 =	vsel vm3, $0x200, v0;
	v1 =	vsel vm2, $0xE1D, v1  }
0x3b: {  	v2 =	vsel vm3, $0x58D, v2;
	v0 =	vsel vm2, $0x280, v0;
	v1 =	vsel vm0, $0xE9E, v1  }
0x3c: {  	v2 =	vsel vm2, $0x60E, v2;
	v0 =	vsel vm0, $0x300, v0;
	v39 =	vsel vm1, $0xF1F, v1  }
0x3d: {  	v1 =	vsel vm13, $0x1831, v46;
	v2 =	vsel vm0, $0x68F, v2;
	v46 =	vimm.s32 $0xF9D  }
0x3e: {  	v32 =	vsel vm1, $0x380, v0;
	v0 =	vsel vm9, $0x205, v42;
	v1 =	vsel vm12, $0x18B2, v1  }
0x3f: {  	v54 =	vsel vm1, $0x708, v2;
	v2 =	vsel vm13, $0x1832, v50;
	v42 =	vimm.s32 $0x17AC  }
0x40: {  	v50 =	vimm.s32 $0x1FBD;
	v0 =	vsel vm8, $0x286, v0;
	v1 =	vsel vm11, $0x1933, v1  }
0x41: {  	v2 =	vsel vm12, $0x18B3, v2;
	v0 =	vsel vm7, $0x307, v0;
	v1 =	vsel vm10, $0x19B4, v1  }
0x42: {  	v2 =	vsel vm11, $0x1934, v2;
	v0 =	vsel vm14, $0x380, v0;
	v1 =	vsel vm9, $0x1A35, v1  }
0x43: {  	v2 =	vsel vm10, $0x19B5, v2;
	v0 =	vsel vm6, $0x409, v0;
	v1 =	vsel vm8, $0x1AB6, v1  }
0x44: {  	v2 =	vsel vm9, $0x1A36, v2;
	v0 =	vsel vm5, $0x48A, v0;
	v1 =	vsel vm7, $0x1B37, v1  }
0x45: {  	v2 =	vsel vm8, $0x1AB7, v2;
	v0 =	vsel vm4, $0x50B, v0;
	v1 =	vsel vm14, $0x1BB0, v1  }
0x46: {  	v2 =	vsel vm7, $0x1B30, v2;
	v0 =	vsel vm3, $0x58C, v0;
	v1 =	vsel vm6, $0x1C39, v1  }
0x47: {  	v2 =	vsel vm14, $0x1BB1, v2;
	v0 =	vsel vm2, $0x60D, v0;
	v1 =	vsel vm5, $0x1CBA, v1  }
0x48: {  	v2 =	vsel vm6, $0x1C3A, v2;
	v0 =	vsel vm0, $0x68E, v0;
	v1 =	vsel vm4, $0x1D3B, v1  }
0x49: {  	v2 =	vsel vm5, $0x1CBB, v2;
	v38 =	vsel vm1, $0x70F, v0;
	v0 =	vsel vm13, $0x1021, v45  }
0x4a: {  	v1 =	vsel vm3, $0x1DBC, v1;
	v2 =	vsel vm4, $0x1D3C, v2;
	v0 =	vsel vm12, $0x10A2, v0  }
0x4b: {  	v1 =	vsel vm2, $0x1E3D, v1;
	v2 =	vsel vm3, $0x1DBD, v2;
	v0 =	vsel vm11, $0x1123, v0  }
0x4c: {  	v1 =	vsel vm0, $0x1EBE, v1;
	v2 =	vsel vm2, $0x1E3E, v2;
	v0 =	vsel vm10, $0x11A4, v0  }
0x4d: {  	v41 =	vsel vm1, $0x1F3F, v1;
	v1 =	vsel vm13, $0x1022, v49;
	v2 =	vsel vm0, $0x1EBF, v2  }
0x4e: {  	v49 =	vimm.s32 $0x17AD;
	v0 =	vsel vm9, $0x1225, v0;
	v1 =	vsel vm12, $0x10A3, v1  }
0x4f: {  	v20 =	vsel vm1, $0x1F38, v2;
	v2 =	vsel vm13, $0x1023, v53;
	v53 =	vimm.s32 $0x17AE  }
0x50: {  	v0 =	vsel vm8, $0x12A6, v0;
	v1 =	vsel vm11, $0x1124, v1;
	v2 =	vsel vm12, $0x10A4, v2  }
0x51: {  	v0 =	vsel vm7, $0x1327, v0;
	v1 =	vsel vm10, $0x11A5, v1;
	v2 =	vsel vm11, $0x1125, v2  }
0x52: {  	v0 =	vsel vm14, $0x13A0, v0;
	v1 =	vsel vm9, $0x1226, v1;
	v2 =	vsel vm10, $0x11A6, v2  }
0x53: {  	v0 =	vsel vm6, $0x1429, v0;
	v1 =	vsel vm8, $0x12A7, v1;
	v2 =	vsel vm9, $0x1227, v2  }
0x54: {  	v0 =	vsel vm5, $0x14AA, v0;
	v1 =	vsel vm7, $0x1320, v1;
	v2 =	vsel vm8, $0x12A0, v2  }
0x55: {  	v0 =	vsel vm4, $0x152B, v0;
	v1 =	vsel vm14, $0x13A1, v1;
	v2 =	vsel vm7, $0x1321, v2  }
0x56: {  	v0 =	vsel vm3, $0x15AC, v0;
	v1 =	vsel vm6, $0x142A, v1;
	v2 =	vsel vm14, $0x13A2, v2  }
0x57: {  	v0 =	vsel vm2, $0x162D, v0;
	v1 =	vsel vm5, $0x14AB, v1;
	v2 =	vsel vm6, $0x142B, v2  }
0x58: {  	v0 =	vsel vm0, $0x16AE, v0;
	v1 =	vsel vm4, $0x152C, v1;
	v2 =	vsel vm5, $0x14AC, v2  }
0x59: {  	v40 =	vsel vm1, $0x172F, v0;
	v0 =	vsel vm13, $0x812, v48;
	v1 =	vsel vm3, $0x15AD, v1  }
0x5a: {  	v2 =	vsel vm4, $0x152D, v2;
	v0 =	vsel vm12, $0x893, v0;
	v1 =	vsel vm2, $0x162E, v1  }
0x5b: {  	v2 =	vsel vm3, $0x15AE, v2;
	v0 =	vsel vm11, $0x914, v0;
	v1 =	vsel vm0, $0x16AF, v1  }
0x5c: {  	v2 =	vsel vm2, $0x162F, v2;
	v0 =	vsel vm10, $0x995, v0;
	v21 =	vsel vm1, $0x1728, v1  }
0x5d: {  	v1 =	vsel vm13, $0x813, v52;
	v2 =	vsel vm0, $0x16A8, v2;
	v0 =	vsel vm9, $0xA16, v0  }
0x5e: {  	v52 =	vimm.s32 $0xF9E;
	v1 =	vsel vm12, $0x894, v1;
	v0 =	vsel vm8, $0xA97, v0  }
0x5f: {  	v22 =	vsel vm1, $0x1729, v2;
	v2 =	vsel vm13, $0x814, v57;
	v0 =	vsel vm7, $0xB10, v0  }
0x60: {  	v57 =	vimm.s32 $0x38F;
	v1 =	vsel vm11, $0x915, v1;
	v0 =	vsel vm14, $0xB91, v0  }
0x61: {  	v2 =	vsel vm12, $0x895, v2;
	v1 =	vsel vm10, $0x996, v1;
	v0 =	vsel vm6, $0xC1A, v0  }
0x62: {  	v2 =	vsel vm11, $0x916, v2;
	v1 =	vsel vm9, $0xA17, v1;
	v0 =	vsel vm5, $0xC9B, v0  }
0x63: {  	v2 =	vsel vm10, $0x997, v2;
	v1 =	vsel vm8, $0xA90, v1;
	v0 =	vsel vm4, $0xD1C, v0  }
0x64: {  	v2 =	vsel vm9, $0xA10, v2;
	v1 =	vsel vm7, $0xB11, v1;
	v0 =	vsel vm3, $0xD9D, v0  }
0x65: {  	v2 =	vsel vm8, $0xA91, v2;
	v1 =	vsel vm14, $0xB92, v1;
	v0 =	vsel vm2, $0xE1E, v0  }
0x66: {  	v2 =	vsel vm7, $0xB12, v2;
	v1 =	vsel vm6, $0xC1B, v1;
	v0 =	vsel vm0, $0xE9F, v0  }
0x67: {  	v2 =	vsel vm14, $0xB93, v2;
	v17 =	vsel vm1, $0xF18, v0;
	v0 =	vsel vm13, $0x3, v51  }
0x68: {  	v1 =	vsel vm5, $0xC9C, v1;
	v2 =	vsel vm6, $0xC1C, v2;
	v0 =	vsel vm12, $0x84, v0  }
0x69: {  	v1 =	vsel vm4, $0xD1D, v1;
	v2 =	vsel vm5, $0xC9D, v2;
	v0 =	vsel vm11, $0x105, v0  }
0x6a: {  	v1 =	vsel vm3, $0xD9E, v1;
	v2 =	vsel vm4, $0xD1E, v2;
	v0 =	vsel vm10, $0x186, v0  }
0x6b: {  	v51 =	vimm.s32 $0x78E;
	v1 =	vsel vm2, $0xE1F, v1;
	v0 =	vsel vm9, $0x207, v0  }
0x6c: {  	v2 =	vsel vm3, $0xD9F, v2;
	v1 =	vsel vm0, $0xE98, v1;
	v0 =	vsel vm8, $0x280, v0  }
0x6d: {  	v2 =	vsel vm2, $0xE18, v2;
	v23 =	vsel vm1, $0xF19, v1;
	v0 =	vsel vm7, $0x301, v0  }
0x6e: {  	v1 =	vsel vm13, $0x4, v56;
	v2 =	vsel vm0, $0xE99, v2;
	v0 =	vsel vm14, $0x382, v0  }
0x6f: {  	v56 =	vimm.s32 $0x1FBE;
	v1 =	vsel vm12, $0x85, v1;
	v0 =	vsel vm6, $0x40B, v0  }
0x70: {  	v48 =	vsel vm1, $0xF1A, v2;
	v2 =	vsel vm13, $0x5, v61;
	v0 =	vsel vm5, $0x48C, v0  }
0x71: {  	v1 =	vsel vm11, $0x106, v1;
	v2 =	vsel vm12, $0x86, v2;
	v0 =	vsel vm4, $0x50D, v0  }
0x72: {  	v1 =	vsel vm10, $0x187, v1;
	v2 =	vsel vm11, $0x107, v2;
	v0 =	vsel vm3, $0x58E, v0  }
0x73: {  	v1 =	vsel vm9, $0x200, v1;
	v2 =	vsel vm10, $0x180, v2;
	v0 =	vsel vm2, $0x60F, v0  }
0x74: {  	v1 =	vsel vm8, $0x281, v1;
	v2 =	vsel vm9, $0x201, v2;
	v0 =	vsel vm0, $0x688, v0  }
0x75: {  	v1 =	vsel vm7, $0x302, v1;
	v33 =	vsel vm1, $0x709, v0;
	v0 =	vsel vm13, $0x1833, v55  }
0x76: {  	v2 =	vsel vm8, $0x282, v2;
	v1 =	vsel vm14, $0x383, v1;
	v0 =	vsel vm12, $0x18B4, v0  }
0x77: {  	v2 =	vsel vm7, $0x303, v2;
	v1 =	vsel vm6, $0x40C, v1;
	v0 =	vsel vm11, $0x1935, v0  }
0x78: {  	v2 =	vsel vm14, $0x384, v2;
	v1 =	vsel vm5, $0x48D, v1;
	v0 =	vsel vm10, $0x19B6, v0  }
0x79: {  	v2 =	vsel vm6, $0x40D, v2;
	v1 =	vsel vm4, $0x50E, v1;
	v0 =	vsel vm9, $0x1A37, v0  }
0x7a: {  	v2 =	vsel vm5, $0x48E, v2;
	v1 =	vsel vm3, $0x58F, v1;
	v0 =	vsel vm8, $0x1AB0, v0  }
0x7b: {  	v2 =	vsel vm4, $0x50F, v2;
	v1 =	vsel vm2, $0x608, v1;
	v0 =	vsel vm7, $0x1B31, v0  }
0x7c: {  	v2 =	vsel vm3, $0x588, v2;
	v1 =	vsel vm0, $0x689, v1;
	v0 =	vsel vm14, $0x1BB2, v0  }
0x7d: {  	v2 =	vsel vm2, $0x609, v2;
	v62 =	vsel vm1, $0x70A, v1;
	v0 =	vsel vm6, $0x1C3B, v0  }
0x7e: {  	v1 =	vsel vm13, $0x1834, v59;
	v2 =	vsel vm0, $0x68A, v2;
	v0 =	vsel vm5, $0x1CBC, v0  }
0x7f: {  	v59 =	vimm.s32 $0x3AF;
	v1 =	vsel vm12, $0x18B5, v1;
	v0 =	vsel vm4, $0x1D3D, v0  }
0x80: {  	v45 =	vsel vm1, $0x70B, v2;
	v2 =	vsel vm13, $0x1835, v43;
	v0 =	vsel vm3, $0x1DBE, v0  }
0x81: {  	v1 =	vsel vm11, $0x1936, v1;
	v2 =	vsel vm12, $0x18B6, v2;
	v0 =	vsel vm2, $0x1E3F, v0  }
0x82: {  	v1 =	vsel vm10, $0x19B7, v1;
	v2 =	vsel vm11, $0x1937, v2;
	v0 =	vsel vm0, $0x1EB8, v0  }
0x83: {  	v1 =	vsel vm9, $0x1A30, v1;
	v28 =	vsel vm1, $0x1F39, v0;
	v0 =	vsel vm13, $0x1024, v58  }
0x84: {  	v2 =	vsel vm10, $0x19B0, v2;
	v1 =	vsel vm8, $0x1AB1, v1;
	v0 =	vsel vm12, $0x10A5, v0  }
0x85: {  	v2 =	vsel vm9, $0x1A31, v2;
	v1 =	vsel vm7, $0x1B32, v1;
	v0 =	vsel vm11, $0x1126, v0  }
0x86: {  	v2 =	vsel vm8, $0x1AB2, v2;
	v1 =	vsel vm14, $0x1BB3, v1;
	v0 =	vsel vm10, $0x11A7, v0  }
0x87: {  	v2 =	vsel vm7, $0x1B33, v2;
	v1 =	vsel vm6, $0x1C3C, v1;
	v0 =	vsel vm9, $0x1220, v0  }
0x88: {  	v2 =	vsel vm14, $0x1BB4, v2;
	v1 =	vsel vm5, $0x1CBD, v1;
	v0 =	vsel vm8, $0x12A1, v0  }
0x89: {  	v2 =	vsel vm6, $0x1C3D, v2;
	v1 =	vsel vm4, $0x1D3E, v1;
	v0 =	vsel vm7, $0x1322, v0  }
0x8a: {  	v2 =	vsel vm5, $0x1CBE, v2;
	v1 =	vsel vm3, $0x1DBF, v1;
	v0 =	vsel vm14, $0x13A3, v0  }
0x8b: {  	v2 =	vsel vm4, $0x1D3F, v2;
	v58 =	vimm.s32 $0x39F;
	v0 =	vsel vm6, $0x142C, v0  }
0x8c: {  	v1 =	vsel vm2, $0x1E38, v1;
	v2 =	vsel vm3, $0x1DB8, v2;
	v0 =	vsel vm5, $0x14AD, v0  }
0x8d: {  	v1 =	vsel vm0, $0x1EB9, v1;
	v2 =	vsel vm2, $0x1E39, v2;
	v0 =	vsel vm4, $0x152E, v0  }
0x8e: {  	v24 =	vsel vm1, $0x1F3A, v1;
	v1 =	vsel vm13, $0x1025, v42;
	v0 =	vsel vm3, $0x15AF, v0  }
0x8f: {  	v2 =	vsel vm0, $0x1EBA, v2;
	v1 =	vsel vm12, $0x10A6, v1;
	v0 =	vsel vm2, $0x1628, v0  }
0x90: {  	v27 =	vsel vm1, $0x1F3B, v2;
	v2 =	vsel vm13, $0x1026, v49;
	v0 =	vsel vm0, $0x16A9, v0  }
0x91: {  	v1 =	vsel vm11, $0x1127, v1;
	v55 =	vsel vm1, $0x172A, v0;
	v0 =	vsel vm13, $0x815, v63  }
0x92: {  	v2 =	vsel vm12, $0x10A7, v2;
	v1 =	vsel vm10, $0x11A0, v1;
	v0 =	vsel vm12, $0x896, v0  }
0x93: {  	v2 =	vsel vm11, $0x1120, v2;
	v1 =	vsel vm9, $0x1221, v1;
	v0 =	vsel vm11, $0x917, v0  }
0x94: {  	v2 =	vsel vm10, $0x11A1, v2;
	v1 =	vsel vm8, $0x12A2, v1;
	v0 =	vsel vm10, $0x990, v0  }
0x95: {  	v2 =	vsel vm9, $0x1222, v2;
	v1 =	vsel vm7, $0x1323, v1;
	v0 =	vsel vm9, $0xA11, v0  }
0x96: {  	v2 =	vsel vm8, $0x12A3, v2;
	v1 =	vsel vm14, $0x13A4, v1;
	v0 =	vsel vm8, $0xA92, v0  }
0x97: {  	v2 =	vsel vm7, $0x1324, v2;
	v1 =	vsel vm6, $0x142D, v1;
	v0 =	vsel vm7, $0xB13, v0  }
0x98: {  	v2 =	vsel vm14, $0x13A5, v2;
	v1 =	vsel vm5, $0x14AE, v1;
	v0 =	vsel vm14, $0xB94, v0  }
0x99: {  	v2 =	vsel vm6, $0x142E, v2;
	v1 =	vsel vm4, $0x152F, v1;
	v0 =	vsel vm6, $0xC1D, v0  }
0x9a: {  	v2 =	vsel vm5, $0x14AF, v2;
	v1 =	vsel vm3, $0x15A8, v1;
	v0 =	vsel vm5, $0xC9E, v0  }
0x9b: {  	v2 =	vsel vm4, $0x1528, v2;
	v63 =	vimm.s32 $0x3BF;
	v0 =	vsel vm4, $0xD1F, v0  }
0x9c: {  	v1 =	vsel vm2, $0x1629, v1;
	v2 =	vsel vm3, $0x15A9, v2;
	v0 =	vsel vm3, $0xD98, v0  }
0x9d: {  	v1 =	vsel vm0, $0x16AA, v1;
	v2 =	vsel vm2, $0x162A, v2;
	v0 =	vsel vm2, $0xE19, v0  }
0x9e: {  	v47 =	vsel vm1, $0x172B, v1;
	v1 =	vsel vm13, $0x816, v46;
	v0 =	vsel vm0, $0xE9A, v0  }
0x9f: {  	v1 =	vsel vm12, $0x897, v1;
	v30 =	vsel vm1, $0xF1B, v0;
	v0 =	vsel vm13, $0x6, v44  }
0xa0: {  	v2 =	vsel vm0, $0x16AB, v2;
	v1 =	vsel vm11, $0x910, v1;
	v0 =	vsel vm12, $0x87, v0  }
0xa1: {  	v3 =	vsel vm1, $0x172C, v2;
	v1 =	vsel vm10, $0x991, v1;
	v0 =	vsel vm11, $0x100, v0  }
0xa2: {  	v2 =	vsel vm13, $0x817, v52;
	v1 =	vsel vm9, $0xA12, v1;
	v0 =	vsel vm10, $0x181, v0  }
0xa3: {  	v2 =	vsel vm12, $0x890, v2;
	v1 =	vsel vm8, $0xA93, v1;
	v0 =	vsel vm9, $0x202, v0  }
0xa4: {  	v2 =	vsel vm11, $0x911, v2;
	v1 =	vsel vm7, $0xB14, v1;
	v0 =	vsel vm8, $0x283, v0  }
0xa5: {  	v2 =	vsel vm10, $0x992, v2;
	v1 =	vsel vm14, $0xB95, v1;
	v0 =	vsel vm7, $0x304, v0  }
0xa6: {  	v2 =	vsel vm9, $0xA13, v2;
	v1 =	vsel vm6, $0xC1E, v1;
	v0 =	vsel vm14, $0x385, v0  }
0xa7: {  	v2 =	vsel vm8, $0xA94, v2;
	v1 =	vsel vm5, $0xC9F, v1;
	v0 =	vsel vm6, $0x40E, v0  }
0xa8: {  	v2 =	vsel vm7, $0xB15, v2;
	v1 =	vsel vm4, $0xD18, v1;
	v0 =	vsel vm5, $0x48F, v0  }
0xa9: {  	v2 =	vsel vm14, $0xB96, v2;
	v1 =	vsel vm3, $0xD99, v1;
	v0 =	vsel vm4, $0x508, v0  }
0xaa: {  	v2 =	vsel vm6, $0xC1F, v2;
	v1 =	vsel vm2, $0xE1A, v1;
	v0 =	vsel vm3, $0x589, v0  }
0xab: {  	s0 =	rddreg [dreg:$0x0];
	s3 =	simm.s32 $0x0;
	v2 =	vsel vm5, $0xC98, v2;
	v1 =	vsel vm0, $0xE9B, v1;
	v0 =	vsel vm2, $0x60A, v0  }
0xac: {  	[smem:$0x7FF] =	sst s3;
	v43 =	vsel vm1, $0xF1C, v1;
	v1 =	vsel vm13, $0x7, v51;
	v0 =	vsel vm0, $0x68B, v0  }
0xad: {  	s1 =	rddreg [dreg:$0x1];
	_ =	strace $0x80000047;
	[tilespmem:$0x1FE20] =	vst v25;
	v1 =	vsel vm12, $0x80, v1;
	v61 =	vsel vm1, $0x70C, v0;
	v0 =	vsel vm13, $0x1836, v50  }
0xae: {  	[tilespmem:$0x1FF50] =	vst v60;
	v2 =	vsel vm4, $0xD19, v2;
	v1 =	vsel vm11, $0x101, v1;
	v0 =	vsel vm12, $0x18B7, v0  }
0xaf: {  	[tilespmem:$0x1FF60] =	vst v13;
	v2 =	vsel vm3, $0xD9A, v2;
	v1 =	vsel vm10, $0x182, v1;
	v0 =	vsel vm11, $0x1930, v0  }
0xb0: {  	[tilespmem:$0x1FD70] =	vst v34;
	v2 =	vsel vm2, $0xE1B, v2;
	v1 =	vsel vm9, $0x203, v1;
	v0 =	vsel vm10, $0x19B1, v0  }
0xb1: {  	[tilespmem:$0x1FD80] =	vst v35;
	v2 =	vsel vm0, $0xE9C, v2;
	v1 =	vsel vm8, $0x284, v1;
	v0 =	vsel vm9, $0x1A32, v0  }
0xb2: {  	[tilespmem:$0x1FDA0] =	vst v37;
	v5 =	vsel vm1, $0xF1D, v2;
	v1 =	vsel vm7, $0x305, v1;
	v0 =	vsel vm8, $0x1AB3, v0  }
0xb3: {  	[tilespmem:$0x1FF10] =	vst v16;
	v2 =	vsel vm13, $0x0, v57;
	v1 =	vsel vm14, $0x386, v1;
	v0 =	vsel vm7, $0x1B34, v0  }
0xb4: {  	[tilespmem:$0x1FD50] =	vst v31;
	v2 =	vsel vm12, $0x81, v2;
	v1 =	vsel vm6, $0x40F, v1;
	v0 =	vsel vm14, $0x1BB5, v0  }
0xb5: {  	[tilespmem:$0x1FD90] =	vst v36;
	v2 =	vsel vm11, $0x102, v2;
	v1 =	vsel vm5, $0x488, v1;
	v0 =	vsel vm6, $0x1C3E, v0  }
0xb6: {  	[tilespmem:$0x1FF40] =	vst v19;
	v2 =	vsel vm10, $0x183, v2;
	v1 =	vsel vm4, $0x509, v1;
	v0 =	vsel vm5, $0x1CBF, v0  }
0xb7: {  	[tilespmem:$0x1FD40] =	vst v18;
	v2 =	vsel vm9, $0x204, v2;
	v1 =	vsel vm3, $0x58A, v1;
	v0 =	vsel vm4, $0x1D38, v0  }
0xb8: {  	[tilespmem:$0x1FDC0] =	vst v39;
	v2 =	vsel vm8, $0x285, v2;
	v1 =	vsel vm2, $0x60B, v1;
	v0 =	vsel vm3, $0x1DB9, v0  }
0xb9: {  	[tilespmem:$0x1FD60] =	vst v32;
	v2 =	vsel vm7, $0x306, v2;
	v1 =	vsel vm0, $0x68C, v1;
	v0 =	vsel vm2, $0x1E3A, v0  }
0xba: {  	[tilespmem:$0x1FDF0] =	vst v54;
	v42 =	vsel vm1, $0x70D, v1;
	v1 =	vsel vm13, $0x1837, v56;
	v0 =	vsel vm0, $0x1EBB, v0  }
0xbb: {  	[tilespmem:$0x1FDB0] =	vst v38;
	v1 =	vsel vm12, $0x18B0, v1;
	v4 =	vsel vm1, $0x1F3C, v0;
	v0 =	vsel vm13, $0x1027, v53  }
0xbc: {  	[tilespmem:$0x1FDE0] =	vst v41;
	v2 =	vsel vm14, $0x387, v2;
	v1 =	vsel vm11, $0x1931, v1;
	v0 =	vsel vm12, $0x10A0, v0  }
0xbd: {  	[tilespmem:$0x1FE30] =	vst v20;
	v2 =	vsel vm6, $0x8, v2;
	v1 =	vsel vm10, $0x19B2, v1;
	v0 =	vsel vm11, $0x1121, v0  }
0xbe: {  	[tilespmem:$0x1FDD0] =	vst v40;
	v2 =	vsel vm5, $0x89, v2;
	v1 =	vsel vm9, $0x1A33, v1;
	v0 =	vsel vm10, $0x11A2, v0  }
0xbf: {  	[tilespmem:$0x1FE10] =	vst v21;
	v2 =	vsel vm4, $0x10A, v2;
	v1 =	vsel vm8, $0x1AB4, v1;
	v0 =	vsel vm9, $0x1223, v0  }
0xc0: {  	[tilespmem:$0x1FF00] =	vst v22;
	v2 =	vsel vm3, $0x18B, v2;
	v1 =	vsel vm7, $0x1B35, v1;
	v0 =	vsel vm8, $0x12A4, v0  }
0xc1: {  	[tilespmem:$0x1FE00] =	vst v17;
	v2 =	vsel vm2, $0x20C, v2;
	v1 =	vsel vm14, $0x1BB6, v1;
	v0 =	vsel vm7, $0x1325, v0  }
0xc2: {  	[tilespmem:$0x1FFE0] =	vst v23;
	v2 =	vsel vm0, $0x28D, v2;
	v1 =	vsel vm6, $0x1C3F, v1;
	v0 =	vsel vm14, $0x13A6, v0  }
0xc3: {  	[tilespmem:$0x1FF20] =	vst v48;
	v26 =	vsel vm1, $0x30E, v2;
	v1 =	vsel vm5, $0x1CB8, v1;
	v0 =	vsel vm6, $0x142F, v0  }
0xc4: {  	[tilespmem:$0x1FFF0] =	vst v33;
	v2 =	vsel vm13, $0x30, v63;
	v1 =	vsel vm4, $0x1D39, v1;
	v0 =	vsel vm5, $0x14A8, v0  }
0xc5: {  	[tilespmem:$0x1FEF0] =	vst v62;
	v2 =	vsel vm12, $0xB1, v2;
	v1 =	vsel vm3, $0x1DBA, v1;
	v0 =	vsel vm4, $0x1529, v0  }
0xc6: {  	[tilespmem:$0x1FEE0] =	vst v45;
	v2 =	vsel vm11, $0x132, v2;
	v1 =	vsel vm2, $0x1E3B, v1;
	v0 =	vsel vm3, $0x15AA, v0  }
0xc7: {  	[tilespmem:$0x1FF30] =	vst v28;
	v2 =	vsel vm10, $0x1B3, v2;
	v1 =	vsel vm0, $0x1EBC, v1;
	v0 =	vsel vm2, $0x162B, v0  }
0xc8: {  	[tilespmem:$0x1FF90] =	vst v24;
	v8 =	vsel vm1, $0x1F3D, v1;
	v1 =	vsel vm13, $0x20, v59;
	v0 =	vsel vm0, $0x16AC, v0  }
0xc9: {  	[tilespmem:$0x1FFB0] =	vst v27;
	v1 =	vsel vm12, $0xA1, v1;
	v6 =	vsel vm1, $0x172D, v0;
	v0 =	vsel vm13, $0x10, v58  }
0xca: {  	[tilespmem:$0x1FFD0] =	vst v55;
	v2 =	vsel vm9, $0x234, v2;
	v1 =	vsel vm11, $0x122, v1;
	v0 =	vsel vm12, $0x91, v0  }
0xcb: {  	[tilespmem:$0x1FF80] =	vst v47;
	v2 =	vsel vm8, $0x2B5, v2;
	v1 =	vsel vm10, $0x1A3, v1;
	v0 =	vsel vm11, $0x112, v0  }
0xcc: {  	s13 =	simm.s32 $0x9600;
	[tilespmem:$0x1FE40] =	vst v3;
	v2 =	vsel vm7, $0x336, v2;
	v1 =	vsel vm9, $0x224, v1;
	v0 =	vsel vm10, $0x193, v0  }
0xcd: {  	s15 =	simm.s32 $0xD600;
	s17 =	simm.s32 $0x11600;
	[tilespmem:$0x1FFC0] =	vst v30;
	v2 =	vsel vm14, $0x3B7, v2;
	v1 =	vsel vm8, $0x2A5, v1;
	v0 =	vsel vm9, $0x214, v0  }
0xce: {  	s2 =	srdreg.scid;
	s23 =	simm.s32 $0x12E30;
	s24 =	simm.s32 $0x13238;
	[tilespmem:$0x1FF70] =	vst v43;
	v2 =	vsel vm6, $0x38, v2;
	v1 =	vsel vm7, $0x326, v1;
	v0 =	vsel vm8, $0x295, v0  }
0xcf: {  	s4 =	stileid.u32;
	s28 =	simm.s32 $0x13A48;
	s29 =	simm.s32 $0x13E50;
	[tilespmem:$0x1FE60] =	vst v5;
	v2 =	vsel vm5, $0xB9, v2;
	v1 =	vsel vm14, $0x3A7, v1;
	v0 =	vsel vm7, $0x316, v0  }
0xd0: {  	s30 =	simm.s32 $0x14258;
	s2 =	sand.u32 $0x1, s2;
	s4 =	sshll.u32 s4, $0x1;
	[tilespmem:$0x1FFA0] =	vst v61;
	v2 =	vsel vm4, $0x13A, v2;
	v1 =	vsel vm6, $0x28, v1;
	v0 =	vsel vm14, $0x397, v0  }
0xd1: {  	s31 =	simm.s32 $0x14660;
	s11 =	simm.s32 $0x15278;
	s5 =	sor.u32 s2, s4;
	[tilespmem:$0x1FED0] =	vst v42;
	v2 =	vsel vm3, $0x1BB, v2;
	v1 =	vsel vm5, $0xA9, v1;
	v0 =	vsel vm6, $0x18, v0  }
0xd2: {  	s10 =	simm.s32 $0x80;
	s4 =	sadd.s32 $0xF5C400, s0;
	s6 =	sshll.u32 s5, $0x4;
	[tilespmem:$0x1FE90] =	vst v26;
	v2 =	vsel vm2, $0x23C, v2;
	v1 =	vsel vm4, $0x12A, v1;
	v0 =	vsel vm5, $0x99, v0  }
0xd3: {  	s16 =	simm.s32 $0x1;
	s6 =	sadd.s32 s6, s0;
	s0 =	sadd.s32 $0xF5BC00, s0;
	[tilespmem:$0x1FE50] =	vst v4;
	v2 =	vsel vm0, $0x2BD, v2;
	v1 =	vsel vm3, $0x1AB, v1;
	v0 =	vsel vm4, $0x11A, v0  }
.Ltmp0:
0xd4: {  	s8 =	simm.s32 $0x0;
	s2 =	ssub.s32 $0x2, s2;
	v59 =	vsel vm1, $0x33E, v2;
	[tilespmem:$0x1FE80] =	vst v8;
	v1 =	vsel vm2, $0x22C, v1;
	v0 =	vsel vm3, $0x19B, v0;
	(pc) =	sbr.rel .LBB2_1-.Ltmp0, $4  }
0xd5: {  	s25 =	sshrl.u32 s2, $0x1;
	s7 =	sshll.u32 s5, $0xA;
	[dreg:$0x3] =	wrdreg s0;
	[tilespmem:$0x1FEC0] =	vst v59;
	v1 =	vsel vm0, $0x2AD, v1;
	v0 =	vsel vm2, $0x21C, v0  }
0xd6: {  	s0 =	ssub.s32 s2, s25;
	s26 =	sadd.s32 $0xF42C00, s6;
	s25 =	simm.s32 $0x2;
	[tilespmem:$0x1FE70] =	vst v6;
	v29 =	vsel vm1, $0x32E, v1;
	v0 =	vsel vm0, $0x29D, v0  }
0xd7: {  	s2 =	simm.s32 $0x14E70;
	[dreg:$0x4] =	wrdreg s26;
	s0 =	smax.u32 s0, $0x1;
	[tilespmem:$0x1FEB0] =	vst v29;
	v9 =	vsel vm1, $0x31E, v0  }
0xd8: {  	v10 =	vor.u32 $0x10, v7;
	v12 =	vor.u32 $0x20, v7;
	v14 =	vor.u32 $0x30, v7;
	s26 =	simm.s32 $0x13640;
	[dreg:$0x5] =	wrdreg s0;
	s0 =	simm.s32 $0x14A68;
	[tilespmem:$0x1FEA0] =	vst v9  }
.LBB2_8:
0xd9: {  	s5 =	simm.s32 $0x3  }
0xda: {  	_ =	swait.ge [sflag:s5], $0x2000  }
0xdb: {  	[sflag:s5] =	ssyncset.done $0x0  }
0xdc: {  	s6 =	simm.s32 $0x4;
	[sflag:s5] =	ssyncadd.s32 $0xFFFFE000  }
0xdd: {  	_ =	swait.ge [sflag:s6], $0x2000  }
0xde: {  	v18 =	vld [tilespmem:$0x1FD40]  }
0xdf: {  	v31 =	vld [tilespmem:$0x1FD50]  }
0xe0: {  	v32 =	vld [tilespmem:$0x1FD60]  }
0xe1: {  	v25 =	vld [tilespmem:$0x1FE20]  }
0xe2: {  	v34 =	vld [tilespmem:$0x1FD70]  }
0xe3: {  	v35 =	vld [tilespmem:$0x1FD80]  }
0xe4: {  	v36 =	vld [tilespmem:$0x1FD90]  }
0xe5: {  	v37 =	vld [tilespmem:$0x1FDA0]  }
0xe6: {  	v38 =	vld [tilespmem:$0x1FDB0]  }
0xe7: {  	v39 =	vld [tilespmem:$0x1FDC0]  }
0xe8: {  	v40 =	vld [tilespmem:$0x1FDD0]  }
0xe9: {  	v41 =	vld [tilespmem:$0x1FDE0]  }
0xea: {  	s8 =	rddreg [dreg:$0x6];
	v54 =	vld [tilespmem:$0x1FDF0]  }
0xeb: {  	s22 =	rddreg [dreg:$0x5];
	v17 =	vld [tilespmem:$0x1FE00];
	s8 =	sadd.s32 $0x1, s8  }
0xec: {  	v21 =	vld [tilespmem:$0x1FE10];
	p0 =	sne.s32 s8, s22  }
.Ltmp1:
0xed: {  	v20 =	vld [tilespmem:$0x1FE30];
	(pc) =	sbr.rel @!p0 .LBB2_9-.Ltmp1, $4  }
0xee: {  	v26 =	vld [tilespmem:$0x1FE90]  }
0xef: {  	v9 =	vld [tilespmem:$0x1FEA0]  }
0xf0: {  	[sflag:s6] =	ssyncset.done $0x0;
	v29 =	vld [tilespmem:$0x1FEB0]  }
0xf1: {  	v23 =	vmov v46;
	v24 =	vmov v30;
	v30 =	vmov v58;
	v59 =	vld [tilespmem:$0x1FEC0];
	[sflag:s6] =	ssyncadd.s32 $0xFFFFE000  }
.LBB2_1:
0xf2: {  	[dreg:$0x6] =	wrdreg s8  }
0xf3: {  	s5 =	rddreg [dreg:$0x3];
	s6 =	simm.s32 $0x5  }
0xf4: {  	[tilespmem:s3], [sflag:$0x5] =	stream.linear.gather [hbm4b:s5+s3], $0x3200, $0x38;
	[tilespmem:$0x15680] =	vst v63  }
0xf5: {  	_ =	swait.ge [sflag:s6], $0x3200  }
0xf6: {  	s21 =	simm.s32 $0x1000;
	[sflag:s6] =	ssyncset.done $0x0  }
0xf7: {  	s9 =	simm.s32 $0x3200;
	s20 =	rddreg [dreg:$0x4];
	[sflag:s6] =	ssyncadd.s32 $0xFFFFCE00  }
0xf8: {  	[tilespmem:s9], [sflag:$0x5] =	stream.strided.gather [hbm4b:s20+s10], $0x6400, s21, s10, $0x38;
	[tilespmem:$0x15680] =	vst v63  }
0xf9: {  	_ =	swait.ge [sflag:s6], $0x6400  }
0xfa: {  	[sflag:s6] =	ssyncset.done $0x0  }
0xfb: {  	[sflag:s6] =	ssyncadd.s32 $0xFFFF9C00  }
0xfc: {  	[tilespmem:s13], [sflag:$0x1] =	stream.indirect.gather [hbm4b:s4+s10], $0x80, s9, s10, $0xb8;
	[tilespmem:$0x15680] =	vst v63  }
0xfd: {  	s22 =	simm.s32 $0x3280;
	s6 =	simm.s32 $0x0  }
0xfe: {  	[tilespmem:s15], [sflag:$0x2] =	stream.indirect.gather [hbm4b:s4+s10], $0x80, s22, s10, $0xb8;
	[tilespmem:$0x15680] =	vst v63  }
.LBB2_2:
0xff: {  	s12 =	simm.s32 $0x8  }
0x100: {  	_ =	swait.ge [sflag:s16], $0x4000;
	v0 =	vmov s12  }
0x101: {  	p0 =	seq.s32 s6, $0x0;
	s8 =	simm.s32 $0x0;
	[sflag:s16] =	ssyncset.done $0x0;
	v57 =	vshll.u32 v0, $0x7  }
0x102: {  	s5 =	simm.s32 @!p0 $0x3;
	v1 =	vmov s8;
	[sflag:s16] =	ssyncadd.s32 $0xFFFFC000;
	v0 =	vor.u32 v26, v57  }
0x103: {  	v55 =	vshll.u32 v1, $0x7;
	_ =	swait.ge @!p0 [sflag:s5], $0x2000  }
0x104: {  	s9 =	sshll.u32 s6, $0x7;
	v1 =	vor.u32 v25, v55;
	[sflag:s5] =	ssyncset.done @!p0 $0x0  }
0x105: {  	s22 =	sand.u32 $0x3FFFFF80, s9;
	v2 =	vor.u32 v7, v1;
	[sflag:s5] =	ssyncadd.s32 @!p0 $0xFFFFE000  }
0x106: {  	v51 =	vld [tilespmem:s22+$0x0]  }
0x107: {  	v0 =	vld.idx.msk [tilespmem:v0+s13+$0x0], $0xffff;
	_ =	sdelay $0x1  }
0x108: {  	v3 =	vadd.s32 s12, v34  }
0x109: {  	v4 =	vor.u32 v9, v57;
	v2 =	vld.idx.msk [tilespmem:v2+s13+$0x0], $0xffff;
	_ =	sdelay $0x1  }
0x10a: {  	v5 =	vor.u32 s8, v34;
	v50 =	vld [tilespmem:s22+$0x10];
	v0 =	vadd.f32 v0, v51  }
0x10b: {  	v6 =	vor.u32 v10, v1;
	v49 =	vld [tilespmem:s22+$0x20]  }
0x10c: {  	v58 =	vmov v48;
	v48 =	vld [tilespmem:s22+$0x30];
	[tilespmem:v3+s17+$0x0] =	vst.idx.msk $0xffff, v0  }
0x10d: {  	v2 =	vadd.f32 v2, v51;
	v0 =	vld.idx.msk [tilespmem:v4+s13+$0x0], $0xffff;
	_ =	sdelay $0x1  }
0x10e: {  	v3 =	vadd.s32 s12, v35;
	[tilespmem:v5+s17+$0x0] =	vst.idx.msk $0xffff, v2  }
0x10f: {  	v2 =	vor.u32 v29, v57;
	v4 =	vld.idx.msk [tilespmem:v6+s13+$0x0], $0xffff;
	_ =	sdelay $0x1  }
0x110: {  	v5 =	vadd.s32 s8, v35;
	v0 =	vadd.f32 v0, v50  }
0x111: {  	v6 =	vor.u32 v12, v1  }
0x112: {  	[tilespmem:v3+s17+$0x0] =	vst.idx.msk $0xffff, v0  }
0x113: {  	v0 =	vld.idx.msk [tilespmem:v2+s13+$0x0], $0xffff;
	v2 =	vadd.f32 v4, v50;
	_ =	sdelay $0x1  }
0x114: {  	v3 =	vadd.s32 s12, v36;
	[tilespmem:v5+s17+$0x0] =	vst.idx.msk $0xffff, v2  }
0x115: {  	v2 =	vor.u32 v59, v57;
	v4 =	vld.idx.msk [tilespmem:v6+s13+$0x0], $0xffff;
	_ =	sdelay $0x1  }
0x116: {  	v5 =	vadd.s32 s8, v36;
	v0 =	vadd.f32 v0, v49  }
0x117: {  	v1 =	vor.u32 v14, v1  }
0x118: {  	[tilespmem:v3+s17+$0x0] =	vst.idx.msk $0xffff, v0  }
0x119: {  	v0 =	vld.idx.msk [tilespmem:v2+s13+$0x0], $0xffff;
	v2 =	vadd.f32 v4, v49;
	_ =	sdelay $0x1  }
0x11a: {  	v3 =	vor.u32 v32, v57;
	v4 =	vadd.s32 s12, v37;
	[tilespmem:v5+s17+$0x0] =	vst.idx.msk $0xffff, v2  }
0x11b: {  	v2 =	vor.u32 v7, v3;
	v1 =	vld.idx.msk [tilespmem:v1+s13+$0x0], $0xffff;
	_ =	sdelay $0x1  }
0x11c: {  	v6 =	vor.u32 v32, v55;
	v5 =	vadd.s32 s8, v37;
	v0 =	vadd.f32 v0, v48  }
0x11d: {  	v8 =	vor.u32 v7, v6  }
0x11e: {  	[tilespmem:v4+s17+$0x0] =	vst.idx.msk $0xffff, v0  }
0x11f: {  	v0 =	vld.idx.msk [tilespmem:v2+s13+$0x0], $0xffff;
	v1 =	vadd.f32 v1, v48;
	_ =	sdelay $0x1  }
0x120: {  	v2 =	vadd.s32 s12, v38;
	[tilespmem:v5+s17+$0x0] =	vst.idx.msk $0xffff, v1  }
0x121: {  	v1 =	vor.u32 v10, v3;
	v4 =	vld.idx.msk [tilespmem:v8+s13+$0x0], $0xffff;
	_ =	sdelay $0x1  }
0x122: {  	v5 =	vor.u32 s8, v38;
	v0 =	vadd.f32 v0, v51  }
0x123: {  	v8 =	vor.u32 v10, v6  }
0x124: {  	[tilespmem:v2+s17+$0x0] =	vst.idx.msk $0xffff, v0  }
0x125: {  	v0 =	vld.idx.msk [tilespmem:v1+s13+$0x0], $0xffff;
	v1 =	vadd.f32 v4, v51;
	_ =	sdelay $0x1  }
0x126: {  	v2 =	vadd.s32 s12, v39;
	[tilespmem:v5+s17+$0x0] =	vst.idx.msk $0xffff, v1  }
0x127: {  	v1 =	vor.u32 v12, v3;
	v4 =	vld.idx.msk [tilespmem:v8+s13+$0x0], $0xffff;
	_ =	sdelay $0x1  }
0x128: {  	v5 =	vadd.s32 s8, v39;
	v0 =	vadd.f32 v0, v50  }
0x129: {  	v8 =	vor.u32 v12, v6  }
0x12a: {  	[tilespmem:v2+s17+$0x0] =	vst.idx.msk $0xffff, v0  }
0x12b: {  	v0 =	vld.idx.msk [tilespmem:v1+s13+$0x0], $0xffff;
	v1 =	vadd.f32 v4, v50;
	_ =	sdelay $0x1  }
0x12c: {  	v2 =	vadd.s32 s12, v40;
	[tilespmem:v5+s17+$0x0] =	vst.idx.msk $0xffff, v1  }
0x12d: {  	v3 =	vor.u32 v14, v3;
	v1 =	vld.idx.msk [tilespmem:v8+s13+$0x0], $0xffff;
	_ =	sdelay $0x1  }
0x12e: {  	v4 =	vadd.s32 s8, v40;
	v0 =	vadd.f32 v0, v49  }
0x12f: {  	v5 =	vor.u32 v14, v6  }
0x130: {  	[tilespmem:v2+s17+$0x0] =	vst.idx.msk $0xffff, v0  }
0x131: {  	v0 =	vld.idx.msk [tilespmem:v3+s13+$0x0], $0xffff;
	v1 =	vadd.f32 v1, v49;
	_ =	sdelay $0x1  }
0x132: {  	v2 =	vadd.s32 s12, v41;
	v3 =	vor.u32 v31, v57;
	[tilespmem:v4+s17+$0x0] =	vst.idx.msk $0xffff, v1  }
0x133: {  	v4 =	vor.u32 v7, v3;
	v1 =	vld.idx.msk [tilespmem:v5+s13+$0x0], $0xffff;
	_ =	sdelay $0x1  }
0x134: {  	s9 =	simm.s32 $0x18;
	v6 =	vor.u32 v31, v55;
	v5 =	vadd.s32 s8, v41;
	v0 =	vadd.f32 v0, v48  }
0x135: {  	v42 =	vmov v9;
	v8 =	vmov s9;
	v9 =	vor.u32 v7, v6  }
0x136: {  	v52 =	vshll.u32 v8, $0x7;
	[tilespmem:v2+s17+$0x0] =	vst.idx.msk $0xffff, v0  }
0x137: {  	s14 =	simm.s32 $0x10;
	v0 =	vor.u32 v26, v52;
	v2 =	vld.idx.msk [tilespmem:v4+s13+$0x0], $0xffff;
	v1 =	vadd.f32 v1, v48  }
0x138: {  	v4 =	vmov s14  }
0x139: {  	v8 =	vadd.s32 s12, v54;
	v53 =	vshll.u32 v4, $0x7;
	[tilespmem:v5+s17+$0x0] =	vst.idx.msk $0xffff, v1  }
0x13a: {  	v4 =	vor.u32 v10, v3;
	v5 =	vor.u32 v25, v53;
	v1 =	vld.idx.msk [tilespmem:v9+s13+$0x0], $0xffff  }
0x13b: {  	v9 =	vor.u32 v7, v5  }
0x13c: {  	v11 =	vor.u32 s8, v54;
	v0 =	vld.idx.msk [tilespmem:v0+s13+$0x0], $0xffff;
	v2 =	vadd.f32 v2, v51  }
0x13d: {  	v13 =	vor.u32 v10, v6  }
0x13e: {  	v15 =	vadd.s32 s9, v34;
	[tilespmem:v8+s17+$0x0] =	vst.idx.msk $0xffff, v2  }
0x13f: {  	v2 =	vor.u32 v42, v52;
	v4 =	vld.idx.msk [tilespmem:v4+s13+$0x0], $0xffff;
	v1 =	vadd.f32 v1, v51  }
0x140: {  	v8 =	vld.idx.msk [tilespmem:v9+s13+$0x0], $0xffff  }
0x141: {  	v9 =	vadd.s32 s12, v17;
	v0 =	vadd.f32 v0, v51;
	[tilespmem:v11+s17+$0x0] =	vst.idx.msk $0xffff, v1  }
0x142: {  	v11 =	vor.u32 v12, v3;
	v1 =	vld.idx.msk [tilespmem:v13+s13+$0x0], $0xffff;
	v13 =	vor.u32 s14, v34  }
0x143: {  	[tilespmem:v15+s17+$0x0] =	vst.idx.msk $0xffff, v0;
	v0 =	vor.u32 v10, v5  }
0x144: {  	v15 =	vadd.s32 s8, v17;
	v2 =	vld.idx.msk [tilespmem:v2+s13+$0x0], $0xffff;
	v4 =	vadd.f32 v4, v50  }
0x145: {  	v16 =	vor.u32 v12, v6;
	v8 =	vadd.f32 v8, v51  }
0x146: {  	v45 =	vmov v17;
	v17 =	vadd.s32 s9, v35;
	[tilespmem:v9+s17+$0x0] =	vst.idx.msk $0xffff, v4  }
0x147: {  	v4 =	vor.u32 v29, v52;
	v9 =	vld.idx.msk [tilespmem:v11+s13+$0x0], $0xffff;
	[tilespmem:v13+s17+$0x0] =	vst.idx.msk $0xffff, v8;
	v1 =	vadd.f32 v1, v50  }
0x148: {  	v0 =	vld.idx.msk [tilespmem:v0+s13+$0x0], $0xffff  }
0x149: {  	v8 =	vadd.s32 s12, v21;
	v2 =	vadd.f32 v2, v50;
	[tilespmem:v15+s17+$0x0] =	vst.idx.msk $0xffff, v1  }
0x14a: {  	v3 =	vor.u32 v14, v3;
	v11 =	vadd.s32 s14, v35;
	v1 =	vld.idx.msk [tilespmem:v16+s13+$0x0], $0xffff  }
0x14b: {  	[tilespmem:v17+s17+$0x0] =	vst.idx.msk $0xffff, v2;
	v2 =	vor.u32 v12, v5  }
0x14c: {  	v13 =	vadd.s32 s8, v21;
	v4 =	vld.idx.msk [tilespmem:v4+s13+$0x0], $0xffff;
	v9 =	vadd.f32 v9, v49  }
0x14d: {  	v6 =	vor.u32 v14, v6;
	v0 =	vadd.f32 v0, v50  }
0x14e: {  	v15 =	vadd.s32 s9, v36;
	[tilespmem:v8+s17+$0x0] =	vst.idx.msk $0xffff, v9  }
0x14f: {  	v8 =	vor.u32 v59, v52;
	v3 =	vld.idx.msk [tilespmem:v3+s13+$0x0], $0xffff;
	[tilespmem:v11+s17+$0x0] =	vst.idx.msk $0xffff, v0;
	v0 =	vadd.f32 v1, v49  }
0x150: {  	v1 =	vld.idx.msk [tilespmem:v2+s13+$0x0], $0xffff  }
0x151: {  	v9 =	vadd.s32 s12, v20;
	v2 =	vor.u32 v18, v57;
	v4 =	vadd.f32 v4, v49;
	[tilespmem:v13+s17+$0x0] =	vst.idx.msk $0xffff, v0  }
0x152: {  	v11 =	vadd.s32 s14, v36;
	v0 =	vld.idx.msk [tilespmem:v6+s13+$0x0], $0xffff;
	v6 =	vor.u32 v7, v2  }
0x153: {  	[tilespmem:v15+s17+$0x0] =	vst.idx.msk $0xffff, v4;
	v4 =	vor.u32 v14, v5  }
0x154: {  	v13 =	vor.u32 v18, v55;
	v5 =	vld.idx.msk [tilespmem:v8+s13+$0x0], $0xffff;
	v8 =	vadd.s32 s8, v20;
	v3 =	vadd.f32 v3, v48  }
0x155: {  	v15 =	vor.u32 v7, v13;
	v1 =	vadd.f32 v1, v49  }
0x156: {  	v16 =	vor.u32 v32, v52;
	[tilespmem:v9+s17+$0x0] =	vst.idx.msk $0xffff, v3  }
0x157: {  	v3 =	vadd.s32 s9, v37;
	[tilespmem:v11+s17+$0x0] =	vst.idx.msk $0xffff, v1;
	v0 =	vadd.f32 v0, v48;
	v1 =	vld.idx.msk [tilespmem:v6+s13+$0x0], $0xffff  }
0x158: {  	v6 =	vor.u32 v7, v16;
	v4 =	vld.idx.msk [tilespmem:v4+s13+$0x0], $0xffff  }
0x159: {  	v9 =	vadd.s32 s12, v33;
	v11 =	vadd.s32 s14, v37;
	[tilespmem:v8+s17+$0x0] =	vst.idx.msk $0xffff, v0  }
0x15a: {  	v5 =	vadd.f32 v5, v48;
	v8 =	vor.u32 v10, v2;
	v0 =	vld.idx.msk [tilespmem:v15+s13+$0x0], $0xffff;
	v15 =	vor.u32 v32, v53  }
0x15b: {  	v17 =	vor.u32 v7, v15  }
0x15c: {  	[tilespmem:v3+s17+$0x0] =	vst.idx.msk $0xffff, v5;
	v3 =	vor.u32 s8, v33;
	v1 =	vadd.f32 v1, v51  }
0x15d: {  	v5 =	vld.idx.msk [tilespmem:v6+s13+$0x0], $0xffff;
	v6 =	vor.u32 v10, v13;
	v4 =	vadd.f32 v4, v48  }
0x15e: {  	[tilespmem:v9+s17+$0x0] =	vst.idx.msk $0xffff, v1  }
0x15f: {  	v1 =	vadd.s32 s9, v38;
	[tilespmem:v11+s17+$0x0] =	vst.idx.msk $0xffff, v4;
	v0 =	vadd.f32 v0, v51;
	v4 =	vld.idx.msk [tilespmem:v8+s13+$0x0], $0xffff  }
0x160: {  	v8 =	vor.u32 v10, v16;
	v9 =	vld.idx.msk [tilespmem:v17+s13+$0x0], $0xffff  }
0x161: {  	v11 =	vadd.s32 s12, v23;
	[tilespmem:v3+s17+$0x0] =	vst.idx.msk $0xffff, v0  }
0x162: {  	v0 =	vadd.f32 v5, v51;
	v5 =	vor.u32 v12, v2;
	v3 =	vld.idx.msk [tilespmem:v6+s13+$0x0], $0xffff;
	v6 =	vor.u32 s14, v38  }
0x163: {  	v17 =	vor.u32 v10, v15  }
0x164: {  	[tilespmem:v1+s17+$0x0] =	vst.idx.msk $0xffff, v0;
	v0 =	vadd.s32 s8, v23;
	v1 =	vadd.f32 v4, v50  }
0x165: {  	v4 =	vld.idx.msk [tilespmem:v8+s13+$0x0], $0xffff;
	v8 =	vadd.f32 v9, v51;
	v9 =	vor.u32 v12, v13  }
0x166: {  	[tilespmem:v11+s17+$0x0] =	vst.idx.msk $0xffff, v1  }
0x167: {  	v1 =	vadd.s32 s9, v39;
	[tilespmem:v6+s17+$0x0] =	vst.idx.msk $0xffff, v8;
	v3 =	vadd.f32 v3, v50;
	v5 =	vld.idx.msk [tilespmem:v5+s13+$0x0], $0xffff  }
0x168: {  	v6 =	vor.u32 v12, v16;
	v8 =	vld.idx.msk [tilespmem:v17+s13+$0x0], $0xffff  }
0x169: {  	[tilespmem:v0+s17+$0x0] =	vst.idx.msk $0xffff, v3;
	v0 =	vadd.s32 s12, v22  }
0x16a: {  	v2 =	vor.u32 v14, v2;
	v3 =	vadd.f32 v4, v50;
	v4 =	vld.idx.msk [tilespmem:v9+s13+$0x0], $0xffff  }
0x16b: {  	v9 =	vadd.s32 s14, v39  }
0x16c: {  	v11 =	vor.u32 v12, v15;
	[tilespmem:v1+s17+$0x0] =	vst.idx.msk $0xffff, v3;
	v1 =	vadd.s32 s8, v22;
	v3 =	vadd.f32 v5, v49  }
0x16d: {  	v5 =	vld.idx.msk [tilespmem:v6+s13+$0x0], $0xffff;
	v6 =	vadd.f32 v8, v50;
	v8 =	vor.u32 v14, v13  }
0x16e: {  	[tilespmem:v0+s17+$0x0] =	vst.idx.msk $0xffff, v3  }
0x16f: {  	v0 =	vadd.s32 s9, v40;
	v3 =	vadd.f32 v4, v49;
	v2 =	vld.idx.msk [tilespmem:v2+s13+$0x0], $0xffff  }
0x170: {  	s5 =	simm.s32 $0x28;
	[tilespmem:v9+s17+$0x0] =	vst.idx.msk $0xffff, v6;
	v9 =	vor.u32 v14, v16  }
0x171: {  	v4 =	vmov s5;
	v6 =	vld.idx.msk [tilespmem:v11+s13+$0x0], $0xffff;
	[tilespmem:v1+s17+$0x0] =	vst.idx.msk $0xffff, v3;
	v1 =	vadd.s32 s12, v28;
	v3 =	vor.u32 v19, v57  }
0x172: {  	v43 =	vmovc v54;
	v54 =	vshll.u32 v4, $0x7;
	v4 =	vadd.f32 v5, v49;
	v5 =	vld.idx.msk [tilespmem:v8+s13+$0x0], $0xffff;
	v11 =	vor.u32 v7, v3  }
0x173: {  	v13 =	vor.u32 v26, v54;
	v8 =	vadd.s32 s14, v40  }
0x174: {  	v15 =	vor.u32 v14, v15;
	[tilespmem:v0+s17+$0x0] =	vst.idx.msk $0xffff, v4;
	v0 =	vadd.s32 s8, v28;
	v2 =	vadd.f32 v2, v48  }
0x175: {  	v4 =	vor.u32 v19, v55  }
0x176: {  	v9 =	vld.idx.msk [tilespmem:v9+s13+$0x0], $0xffff;
	v16 =	vor.u32 v7, v4;
	v6 =	vadd.f32 v6, v49;
	[tilespmem:v1+s17+$0x0] =	vst.idx.msk $0xffff, v2  }
0x177: {  	v2 =	vadd.f32 v5, v48;
	v5 =	vld.idx.msk [tilespmem:v11+s13+$0x0], $0xffff  }
0x178: {  	v17 =	vadd.s32 s9, v41;
	[tilespmem:v8+s17+$0x0] =	vst.idx.msk $0xffff, v6;
	v11 =	vld.idx.msk [tilespmem:v13+s13+$0x0], $0xffff  }
0x179: {  	v1 =	vor.u32 v31, v52;
	v6 =	vld.idx.msk [tilespmem:v15+s13+$0x0], $0xffff;
	[tilespmem:v0+s17+$0x0] =	vst.idx.msk $0xffff, v2;
	v0 =	vadd.s32 s12, v62  }
0x17a: {  	v26 =	vmov v18;
	v18 =	vadd.s32 s5, v34;
	v8 =	vor.u32 v7, v1  }
0x17b: {  	v63 =	vmovc v19;
	v15 =	vadd.s32 s14, v41;
	v2 =	vor.u32 v10, v3;
	v9 =	vadd.f32 v9, v48;
	v13 =	vld.idx.msk [tilespmem:v16+s13+$0x0], $0xffff  }
0x17c: {  	v46 =	vmovc v20;
	v20 =	vor.u32 v42, v54;
	v16 =	vor.u32 v31, v53;
	v5 =	vadd.f32 v5, v51  }
0x17d: {  	v19 =	vor.u32 v7, v16;
	[tilespmem:v17+s17+$0x0] =	vst.idx.msk $0xffff, v9;
	v9 =	vor.u32 s8, v62;
	v11 =	vadd.f32 v11, v51  }
0x17e: {  	v6 =	vadd.f32 v6, v48;
	[tilespmem:v0+s17+$0x0] =	vst.idx.msk $0xffff, v5  }
0x17f: {  	v8 =	vld.idx.msk [tilespmem:v8+s13+$0x0], $0xffff;
	[tilespmem:v18+s17+$0x0] =	vst.idx.msk $0xffff, v11  }
0x180: {  	s18 =	simm.s32 $0x20;
	[tilespmem:v15+s17+$0x0] =	vst.idx.msk $0xffff, v6;
	v6 =	vadd.f32 v13, v51;
	v2 =	vld.idx.msk [tilespmem:v2+s13+$0x0], $0xffff  }
0x181: {  	v17 =	vor.u32 v10, v4;
	v0 =	vmov s18;
	v5 =	vadd.s32 s9, v43;
	v15 =	vld.idx.msk [tilespmem:v20+s13+$0x0], $0xffff  }
0x182: {  	v56 =	vshll.u32 v0, $0x7;
	v0 =	vld.idx.msk [tilespmem:v19+s13+$0x0], $0xffff;
	[tilespmem:v9+s17+$0x0] =	vst.idx.msk $0xffff, v6;
	v6 =	vadd.s32 s12, v58  }
0x183: {  	v11 =	vor.u32 v10, v1;
	v20 =	vadd.s32 s5, v35;
	v13 =	vor.u32 v25, v56  }
0x184: {  	v19 =	vor.u32 s14, v43;
	v9 =	vor.u32 v7, v13;
	v8 =	vadd.f32 v8, v51  }
0x185: {  	v47 =	vmov v27;
	v2 =	vadd.f32 v2, v50  }
0x186: {  	v18 =	vor.u32 v12, v3;
	v17 =	vld.idx.msk [tilespmem:v17+s13+$0x0], $0xffff;
	[tilespmem:v5+s17+$0x0] =	vst.idx.msk $0xffff, v8;
	v15 =	vadd.f32 v15, v50  }
0x187: {  	v27 =	vmov v21;
	v21 =	vor.u32 v10, v16;
	v0 =	vadd.f32 v0, v51;
	[tilespmem:v6+s17+$0x0] =	vst.idx.msk $0xffff, v2  }
0x188: {  	v5 =	vadd.s32 s8, v58;
	v8 =	vld.idx.msk [tilespmem:v11+s13+$0x0], $0xffff;
	[tilespmem:v20+s17+$0x0] =	vst.idx.msk $0xffff, v15  }
0x189: {  	v11 =	vor.u32 v12, v4;
	v9 =	vld.idx.msk [tilespmem:v9+s13+$0x0], $0xffff;
	[tilespmem:v19+s17+$0x0] =	vst.idx.msk $0xffff, v0  }
0x18a: {  	v44 =	vor.u32 v29, v54;
	v29 =	vld [tilespmem:$0x1FFD0]  }
0x18b: {  	v2 =	vadd.s32 s9, v45;
	v0 =	vadd.f32 v17, v50;
	v6 =	vld.idx.msk [tilespmem:v18+s13+$0x0], $0xffff  }
0x18c: {  	v18 =	vor.u32 s18, v34;
	v15 =	vld.idx.msk [tilespmem:v21+s13+$0x0], $0xffff  }
0x18d: {  	[tilespmem:v5+s17+$0x0] =	vst.idx.msk $0xffff, v0;
	v0 =	vor.u32 v10, v13  }
0x18e: {  	v17 =	vor.u32 v12, v1;
	v5 =	vadd.f32 v8, v50;
	v8 =	vld.idx.msk [tilespmem:v11+s13+$0x0], $0xffff;
	v11 =	vadd.s32 s14, v45  }
0x18f: {  	v58 =	vor.u32 v12, v16;
	v9 =	vadd.f32 v9, v51;
	v19 =	vadd.s32 s12, v29  }
0x190: {  	v3 =	vor.u32 v14, v3;
	[tilespmem:v2+s17+$0x0] =	vst.idx.msk $0xffff, v5  }
0x191: {  	v20 =	vld.idx.msk [tilespmem:v44+s13+$0x0], $0xffff;
	v2 =	vadd.s32 s8, v29;
	[tilespmem:v18+s17+$0x0] =	vst.idx.msk $0xffff, v9;
	v9 =	vadd.f32 v15, v50  }
0x192: {  	v5 =	vadd.f32 v6, v49;
	v0 =	vld.idx.msk [tilespmem:v0+s13+$0x0], $0xffff  }
0x193: {  	v4 =	vor.u32 v14, v4;
	v21 =	vadd.s32 s5, v36;
	v6 =	vld.idx.msk [tilespmem:v17+s13+$0x0], $0xffff;
	[tilespmem:v11+s17+$0x0] =	vst.idx.msk $0xffff, v9  }
0x194: {  	v8 =	vadd.f32 v8, v49;
	v11 =	vadd.s32 s18, v35;
	v9 =	vld.idx.msk [tilespmem:v58+s13+$0x0], $0xffff;
	[tilespmem:v19+s17+$0x0] =	vst.idx.msk $0xffff, v5  }
0x195: {  	v15 =	vor.u32 v59, v54;
	v5 =	vadd.s32 s9, v27;
	v3 =	vld.idx.msk [tilespmem:v3+s13+$0x0], $0xffff  }
0x196: {  	v17 =	vadd.f32 v20, v49;
	v18 =	vadd.s32 s14, v27;
	[tilespmem:v2+s17+$0x0] =	vst.idx.msk $0xffff, v8;
	v8 =	vor.u32 v12, v13  }
0x197: {  	v1 =	vor.u32 v14, v1;
	v2 =	vadd.s32 s12, v24;
	v0 =	vadd.f32 v0, v50  }
0x198: {  	v16 =	vor.u32 v14, v16;
	[tilespmem:v21+s17+$0x0] =	vst.idx.msk $0xffff, v17;
	v6 =	vadd.f32 v6, v49  }
0x199: {  	v17 =	vor.u32 v60, v57;
	v4 =	vld.idx.msk [tilespmem:v4+s13+$0x0], $0xffff;
	[tilespmem:v11+s17+$0x0] =	vst.idx.msk $0xffff, v0;
	v0 =	vadd.f32 v9, v49  }
0x19a: {  	v19 =	vor.u32 v7, v17;
	v15 =	vld.idx.msk [tilespmem:v15+s13+$0x0], $0xffff;
	[tilespmem:v5+s17+$0x0] =	vst.idx.msk $0xffff, v6;
	v3 =	vadd.f32 v3, v48  }
0x19b: {  	v5 =	vadd.s32 s8, v24;
	v6 =	vor.u32 v60, v55;
	v8 =	vld.idx.msk [tilespmem:v8+s13+$0x0], $0xffff;
	[tilespmem:v18+s17+$0x0] =	vst.idx.msk $0xffff, v0  }
0x19c: {  	v1 =	vld.idx.msk [tilespmem:v1+s13+$0x0], $0xffff;
	v9 =	vor.u32 v7, v6;
	[tilespmem:v2+s17+$0x0] =	vst.idx.msk $0xffff, v3  }
0x19d: {  	v21 =	vadd.s32 s5, v37;
	v24 =	vld [tilespmem:$0x1FEE0]  }
0x19e: {  	v0 =	vadd.f32 v4, v48;
	v16 =	vld.idx.msk [tilespmem:v16+s13+$0x0], $0xffff  }
0x19f: {  	v20 =	vor.u32 v26, v52;
	v11 =	vor.u32 v32, v54;
	v2 =	vadd.s32 s9, v46;
	v3 =	vld.idx.msk [tilespmem:v19+s13+$0x0], $0xffff  }
0x1a0: {  	v18 =	vor.u32 v7, v20;
	v15 =	vadd.f32 v15, v48;
	v19 =	vadd.s32 s18, v36;
	[tilespmem:v5+s17+$0x0] =	vst.idx.msk $0xffff, v0  }
0x1a1: {  	v4 =	vor.u32 v7, v11;
	v0 =	vor.u32 v14, v13;
	v5 =	vld.idx.msk [tilespmem:v9+s13+$0x0], $0xffff;
	v9 =	vadd.s32 s14, v46  }
0x1a2: {  	[tilespmem:v21+s17+$0x0] =	vst.idx.msk $0xffff, v15;
	v13 =	vor.u32 v26, v53;
	v1 =	vadd.f32 v1, v48;
	v59 =	vadd.s32 s12, v24  }
0x1a3: {  	v21 =	vor.u32 v10, v17;
	v8 =	vadd.f32 v8, v49;
	v15 =	vor.u32 v7, v13  }
0x1a4: {  	[tilespmem:v2+s17+$0x0] =	vst.idx.msk $0xffff, v1;
	v1 =	vor.u32 s8, v24;
	v2 =	vadd.f32 v3, v51;
	v3 =	vadd.f32 v16, v48  }
0x1a5: {  	[tilespmem:v19+s17+$0x0] =	vst.idx.msk $0xffff, v8;
	v8 =	vld.idx.msk [tilespmem:v18+s13+$0x0], $0xffff;
	v16 =	vor.u32 v10, v6  }
0x1a6: {  	v0 =	vld.idx.msk [tilespmem:v0+s13+$0x0], $0xffff;
	[tilespmem:v9+s17+$0x0] =	vst.idx.msk $0xffff, v3  }
0x1a7: {  	v3 =	vadd.f32 v5, v51;
	[tilespmem:v59+s17+$0x0] =	vst.idx.msk $0xffff, v2;
	v2 =	vld.idx.msk [tilespmem:v4+s13+$0x0], $0xffff;
	v4 =	vadd.s32 s9, v33  }
0x1a8: {  	v5 =	vld.idx.msk [tilespmem:v15+s13+$0x0], $0xffff;
	v15 =	vadd.s32 s18, v37  }
0x1a9: {  	[tilespmem:v1+s17+$0x0] =	vst.idx.msk $0xffff, v3;
	v19 =	vld.idx.msk [tilespmem:v21+s13+$0x0], $0xffff;
	v21 =	vadd.s32 s5, v38  }
0x1aa: {  	v58 =	vor.u32 s14, v33;
	v18 =	vor.u32 v32, v56;
	v8 =	vadd.f32 v8, v51;
	v16 =	vld.idx.msk [tilespmem:v16+s13+$0x0], $0xffff  }
0x1ab: {  	v1 =	vor.u32 v7, v18;
	v59 =	vadd.s32 s12, v30;
	v0 =	vadd.f32 v0, v48  }
0x1ac: {  	v9 =	vor.u32 v10, v20;
	v2 =	vadd.f32 v2, v51;
	[tilespmem:v4+s17+$0x0] =	vst.idx.msk $0xffff, v8;
	v4 =	vadd.s32 s8, v30  }
0x1ad: {  	[tilespmem:v15+s17+$0x0] =	vst.idx.msk $0xffff, v0;
	v0 =	vadd.f32 v5, v51  }
0x1ae: {  	v3 =	vor.u32 v10, v11;
	[tilespmem:v21+s17+$0x0] =	vst.idx.msk $0xffff, v2;
	v2 =	vadd.f32 v19, v50  }
0x1af: {  	v33 =	vor.u32 v10, v13;
	[tilespmem:v58+s17+$0x0] =	vst.idx.msk $0xffff, v0;
	v0 =	vadd.f32 v16, v50  }
0x1b0: {  	v8 =	vor.u32 v12, v17;
	v1 =	vld.idx.msk [tilespmem:v1+s13+$0x0], $0xffff;
	[tilespmem:v59+s17+$0x0] =	vst.idx.msk $0xffff, v2  }
0x1b1: {  	v5 =	vld.idx.msk [tilespmem:v9+s13+$0x0], $0xffff;
	v9 =	vor.u32 v12, v6;
	[tilespmem:v4+s17+$0x0] =	vst.idx.msk $0xffff, v0  }
0x1b2: {  	v15 =	vadd.s32 s9, v23;
	v21 =	vadd.s32 s14, v23;
	v23 =	vld [tilespmem:$0x1FF80]  }
0x1b3: {  	v3 =	vld.idx.msk [tilespmem:v3+s13+$0x0], $0xffff  }
0x1b4: {  	v16 =	vld.idx.msk [tilespmem:v33+s13+$0x0], $0xffff;
	v2 =	vor.u32 s18, v38  }
0x1b5: {  	v19 =	vor.u32 v12, v20;
	v0 =	vld.idx.msk [tilespmem:v8+s13+$0x0], $0xffff;
	v8 =	vadd.s32 s5, v39  }
0x1b6: {  	v9 =	vld.idx.msk [tilespmem:v9+s13+$0x0], $0xffff;
	v5 =	vadd.f32 v5, v50  }
0x1b7: {  	v29 =	vmovc v46;
	v4 =	vor.u32 v10, v18;
	v1 =	vadd.f32 v1, v51;
	v33 =	vadd.s32 s12, v23  }
0x1b8: {  	v58 =	vor.u32 v12, v13;
	v46 =	vld [tilespmem:$0x1FED0];
	v3 =	vadd.f32 v3, v50;
	[tilespmem:v15+s17+$0x0] =	vst.idx.msk $0xffff, v5;
	v5 =	vadd.s32 s8, v23  }
0x1b9: {  	[tilespmem:v2+s17+$0x0] =	vst.idx.msk $0xffff, v1;
	v2 =	vadd.f32 v16, v50  }
0x1ba: {  	v15 =	vld.idx.msk [tilespmem:v19+s13+$0x0], $0xffff;
	v16 =	vor.u32 v12, v11;
	[tilespmem:v8+s17+$0x0] =	vst.idx.msk $0xffff, v3;
	v0 =	vadd.f32 v0, v49  }
0x1bb: {  	v17 =	vor.u32 v14, v17;
	v24 =	vld [tilespmem:$0x1FF70];
	[tilespmem:v21+s17+$0x0] =	vst.idx.msk $0xffff, v2;
	v3 =	vadd.f32 v9, v49  }
0x1bc: {  	v4 =	vld.idx.msk [tilespmem:v4+s13+$0x0], $0xffff;
	[tilespmem:v33+s17+$0x0] =	vst.idx.msk $0xffff, v0  }
0x1bd: {  	v6 =	vor.u32 v14, v6;
	v9 =	vld.idx.msk [tilespmem:v58+s13+$0x0], $0xffff;
	[tilespmem:v5+s17+$0x0] =	vst.idx.msk $0xffff, v3  }
0x1be: {  	v2 =	vadd.s32 s9, v22;
	v3 =	vld [tilespmem:$0x1FE90]  }
0x1bf: {  	s19 =	simm.s32 $0x38;
	v16 =	vld.idx.msk [tilespmem:v16+s13+$0x0], $0xffff;
	v0 =	vadd.s32 s18, v39  }
0x1c0: {  	v19 =	vor.u32 v14, v20;
	v8 =	vmov s19;
	v21 =	vadd.s32 s14, v22;
	v5 =	vld.idx.msk [tilespmem:v17+s13+$0x0], $0xffff  }
0x1c1: {  	v58 =	vshll.u32 v8, $0x7;
	v8 =	vor.u32 v12, v18;
	v15 =	vadd.f32 v15, v49;
	v22 =	vld [tilespmem:$0x1FF10]  }
0x1c2: {  	v13 =	vor.u32 v14, v13;
	v20 =	vadd.s32 s12, v47;
	v4 =	vadd.f32 v4, v50;
	v6 =	vld.idx.msk [tilespmem:v6+s13+$0x0], $0xffff  }
0x1c3: {  	[tilespmem:v2+s17+$0x0] =	vst.idx.msk $0xffff, v15;
	v17 =	vor.u32 v3, v58  }
0x1c4: {  	v15 =	vadd.s32 s8, v47;
	[tilespmem:v0+s17+$0x0] =	vst.idx.msk $0xffff, v4;
	v0 =	vadd.f32 v9, v49  }
0x1c5: {  	v44 =	vadd.s32 s5, v40;
	v4 =	vld.idx.msk [tilespmem:v19+s13+$0x0], $0xffff;
	v5 =	vadd.f32 v5, v48  }
0x1c6: {  	v16 =	vadd.f32 v16, v49;
	v3 =	vor.u32 v22, v57;
	v8 =	vld.idx.msk [tilespmem:v8+s13+$0x0], $0xffff;
	[tilespmem:v21+s17+$0x0] =	vst.idx.msk $0xffff, v0  }
0x1c7: {  	v0 =	vadd.f32 v6, v48;
	[tilespmem:v20+s17+$0x0] =	vst.idx.msk $0xffff, v5;
	v5 =	vld.idx.msk [tilespmem:v13+s13+$0x0], $0xffff;
	v13 =	vadd.s32 s19, v34  }
0x1c8: {  	v2 =	vor.u32 v22, v55;
	v22 =	vmov v62;
	v45 =	vor.u32 v7, v3;
	v62 =	vld.idx.msk [tilespmem:v17+s13+$0x0], $0xffff;
	[tilespmem:$0x1FD30] =	vst v13  }
0x1c9: {  	[tilespmem:v15+s17+$0x0] =	vst.idx.msk $0xffff, v0  }
0x1ca: {  	v11 =	vor.u32 v14, v11;
	[tilespmem:v44+s17+$0x0] =	vst.idx.msk $0xffff, v16  }
0x1cb: {  	v9 =	vor.u32 v7, v2;
	v16 =	vld [tilespmem:$0x1FF60];
	_ =	sdelay $0x1  }
0x1cc: {  	v6 =	vadd.s32 s9, v28;
	v0 =	vld.idx.msk [tilespmem:v45+s13+$0x0], $0xffff  }
0x1cd: {  	v13 =	vadd.s32 s18, v40  }
0x1ce: {  	v33 =	vadd.s32 s12, v61;
	v11 =	vld.idx.msk [tilespmem:v11+s13+$0x0], $0xffff  }
0x1cf: {  	v4 =	vadd.f32 v4, v48;
	v9 =	vld.idx.msk [tilespmem:v9+s13+$0x0], $0xffff;
	v57 =	vor.u32 v16, v57;
	v16 =	vadd.s32 s14, v28  }
0x1d0: {  	v30 =	vadd.s32 s5, v41;
	v8 =	vadd.f32 v8, v49  }
0x1d1: {  	[tilespmem:v6+s17+$0x0] =	vst.idx.msk $0xffff, v4;
	v4 =	vor.u32 s8, v61;
	v0 =	vadd.f32 v0, v51  }
0x1d2: {  	v5 =	vadd.f32 v5, v48;
	[tilespmem:v13+s17+$0x0] =	vst.idx.msk $0xffff, v8  }
0x1d3: {  	v15 =	vor.u32 v14, v18;
	v11 =	vadd.f32 v11, v48;
	[tilespmem:v33+s17+$0x0] =	vst.idx.msk $0xffff, v0  }
0x1d4: {  	[tilespmem:v16+s17+$0x0] =	vst.idx.msk $0xffff, v5;
	v5 =	vadd.f32 v9, v51  }
0x1d5: {  	v47 =	vor.u32 v63, v52;
	[tilespmem:v30+s17+$0x0] =	vst.idx.msk $0xffff, v11  }
0x1d6: {  	v21 =	vor.u32 v7, v47;
	[tilespmem:v4+s17+$0x0] =	vst.idx.msk $0xffff, v5  }
0x1d7: {  	v44 =	vor.u32 v31, v54;
	v5 =	vld [tilespmem:$0x1FD30]  }
0x1d8: {  	v63 =	vor.u32 v63, v53;
	v19 =	vld.idx.msk [tilespmem:v15+s13+$0x0], $0xffff;
	v15 =	vor.u32 v7, v44  }
0x1d9: {  	v18 =	vor.u32 v7, v63  }
0x1da: {  	v61 =	vor.u32 v10, v3  }
0x1db: {  	v59 =	vadd.s32 s12, v46;
	v46 =	vld.idx.msk [tilespmem:v21+s13+$0x0], $0xffff  }
0x1dc: {  	v17 =	vor.u32 v42, v58  }
0x1dd: {  	v20 =	vadd.s32 s9, v22;
	v13 =	vor.u32 v10, v2;
	v15 =	vld.idx.msk [tilespmem:v15+s13+$0x0], $0xffff;
	v9 =	vadd.f32 v62, v51  }
0x1de: {  	v23 =	vor.u32 v10, v47;
	v0 =	vadd.s32 s18, v41;
	v28 =	vld.idx.msk [tilespmem:v18+s13+$0x0], $0xffff  }
0x1df: {  	v60 =	vor.u32 v60, v52;
	v4 =	vld.idx.msk [tilespmem:v61+s13+$0x0], $0xffff;
	[tilespmem:v5+s17+$0x0] =	vst.idx.msk $0xffff, v9  }
0x1e0: {  	v1 =	vadd.s32 s12, v24;
	v45 =	vor.u32 v31, v56;
	v9 =	vadd.f32 v46, v51;
	v5 =	vld [tilespmem:$0x1FEB0]  }
0x1e1: {  	v42 =	vmovc v43;
	v6 =	vadd.s32 s5, v43;
	v8 =	vor.u32 v7, v45;
	v16 =	vld.idx.msk [tilespmem:v17+s13+$0x0], $0xffff;
	v17 =	vadd.f32 v19, v48  }
0x1e2: {  	v21 =	vor.u32 s14, v22;
	v11 =	vadd.s32 s19, v35;
	v62 =	vor.u32 v26, v54;
	v13 =	vld.idx.msk [tilespmem:v13+s13+$0x0], $0xffff;
	[tilespmem:v20+s17+$0x0] =	vst.idx.msk $0xffff, v9  }
0x1e3: {  	v18 =	vor.u32 v12, v3;
	v61 =	vor.u32 v12, v2;
	[tilespmem:v0+s17+$0x0] =	vst.idx.msk $0xffff, v17;
	v17 =	vld.idx.msk [tilespmem:v23+s13+$0x0], $0xffff  }
0x1e4: {  	s21 =	simm.s32 $0x30;
	v33 =	vmovc v27;
	v46 =	vadd.f32 v28, v51;
	v19 =	vor.u32 v10, v63;
	v9 =	vor.u32 v12, v47;
	v43 =	vld [tilespmem:$0x1FE00]  }
0x1e5: {  	s20 =	sshll.u32 s6, $0x1;
	s22 =	simm.s32 $0x40;
	v27 =	vmovc v29;
	v30 =	vmovc v26;
	v20 =	vadd.s32 s8, v24;
	v0 =	vmov s21;
	v28 =	vld [tilespmem:$0x1FE60];
	v5 =	vor.u32 v5, v58  }
.LBB2_3:
0x1e6: {  	_ =	sdelay $0x1  }
0x1e7: {  	v0 =	vshll.u32 v0, $0x7  }
0x1e8: {  	v24 =	vadd.f32 v4, v50;
	v4 =	vor.u32 v25, v0;
	v25 =	vld [tilespmem:$0x1FF20];
	_ =	sdelay $0x1  }
0x1e9: {  	v22 =	vld.idx.msk [tilespmem:v8+s13+$0x0], $0xffff;
	v23 =	vor.u32 v10, v44;
	[tilespmem:v21+s17+$0x0] =	vst.idx.msk $0xffff, v46;
	v13 =	vadd.f32 v13, v50  }
0x1ea: {  	v26 =	vld [tilespmem:$0x1FE40];
	v15 =	vadd.f32 v15, v51;
	[tilespmem:v1+s17+$0x0] =	vst.idx.msk $0xffff, v24  }
0x1eb: {  	v19 =	vld.idx.msk [tilespmem:v19+s13+$0x0], $0xffff;
	v1 =	vadd.f32 v16, v50;
	[tilespmem:v20+s17+$0x0] =	vst.idx.msk $0xffff, v13  }
0x1ec: {  	v8 =	vmov v58;
	v58 =	vor.u32 v7, v4;
	v13 =	vld.idx.msk [tilespmem:v18+s13+$0x0], $0xffff;
	[tilespmem:v6+s17+$0x0] =	vst.idx.msk $0xffff, v15;
	v21 =	vadd.s32 s9, v25  }
0x1ed: {  	v16 =	vor.u32 s18, v42;
	v6 =	vld.idx.msk [tilespmem:v61+s13+$0x0], $0xffff;
	[tilespmem:v11+s17+$0x0] =	vst.idx.msk $0xffff, v1  }
0x1ee: {  	v20 =	vor.u32 v10, v45;
	v1 =	vld.idx.msk [tilespmem:v23+s13+$0x0], $0xffff  }
0x1ef: {  	v15 =	vadd.f32 v17, v50;
	v5 =	vld.idx.msk [tilespmem:v5+s13+$0x0], $0xffff;
	v11 =	vadd.s32 s14, v25  }
0x1f0: {  	v24 =	vor.u32 v12, v63;
	v22 =	vadd.f32 v22, v51;
	v18 =	vadd.s32 s12, v26;
	v23 =	vld [tilespmem:$0x1FEC0]  }
0x1f1: {  	v3 =	vor.u32 v14, v3;
	v58 =	vld.idx.msk [tilespmem:v58+s13+$0x0], $0xffff;
	[tilespmem:v21+s17+$0x0] =	vst.idx.msk $0xffff, v15;
	v15 =	vadd.s32 s8, v26  }
0x1f2: {  	v2 =	vor.u32 v14, v2;
	v61 =	vadd.s32 s5, v43;
	v25 =	vld [tilespmem:$0x1FFD0];
	[tilespmem:v16+s17+$0x0] =	vst.idx.msk $0xffff, v22;
	v16 =	vadd.f32 v19, v50  }
0x1f3: {  	v22 =	vor.u32 s21, v34;
	v19 =	vld.idx.msk [tilespmem:v20+s13+$0x0], $0xffff;
	v13 =	vadd.f32 v13, v49  }
0x1f4: {  	v6 =	vadd.f32 v6, v49;
	[tilespmem:v11+s17+$0x0] =	vst.idx.msk $0xffff, v16;
	v9 =	vld.idx.msk [tilespmem:v9+s13+$0x0], $0xffff  }
0x1f5: {  	v1 =	vadd.f32 v1, v50;
	v24 =	vld.idx.msk [tilespmem:v24+s13+$0x0], $0xffff;
	[tilespmem:v18+s17+$0x0] =	vst.idx.msk $0xffff, v13  }
0x1f6: {  	[tilespmem:v15+s17+$0x0] =	vst.idx.msk $0xffff, v6;
	v6 =	vld.idx.msk [tilespmem:v3+s13+$0x0], $0xffff;
	v3 =	vadd.f32 v58, v51  }
0x1f7: {  	v20 =	vor.u32 v12, v44;
	[tilespmem:v61+s17+$0x0] =	vst.idx.msk $0xffff, v1;
	v1 =	vld.idx.msk [tilespmem:v2+s13+$0x0], $0xffff  }
0x1f8: {  	[tilespmem:v22+s17+$0x0] =	vst.idx.msk $0xffff, v3;
	v3 =	vld [tilespmem:$0x1FE50]  }
0x1f9: {  	v17 =	vadd.s32 s9, v25;
	v16 =	vor.u32 v10, v4  }
0x1fa: {  	v47 =	vor.u32 v14, v47;
	v26 =	vld [tilespmem:$0x1FF60];
	v18 =	vadd.s32 s18, v43  }
0x1fb: {  	v23 =	vor.u32 v23, v8;
	v13 =	vadd.s32 s19, v36;
	v15 =	vor.u32 v12, v45  }
0x1fc: {  	v2 =	vadd.f32 v5, v49;
	v5 =	vld.idx.msk [tilespmem:v20+s13+$0x0], $0xffff;
	v20 =	vadd.s32 s14, v25;
	v9 =	vadd.f32 v9, v49  }
0x1fd: {  	v19 =	vadd.f32 v19, v50;
	v25 =	vld [tilespmem:$0x1FF90];
	v22 =	vor.u32 v14, v63;
	v58 =	vadd.s32 s12, v3  }
0x1fe: {  	v11 =	vor.u32 v7, v57;
	v61 =	vadd.s32 s5, v33;
	v16 =	vld.idx.msk [tilespmem:v16+s13+$0x0], $0xffff;
	[tilespmem:v17+s17+$0x0] =	vst.idx.msk $0xffff, v9;
	v9 =	vadd.s32 s8, v3  }
0x1ff: {  	[tilespmem:v18+s17+$0x0] =	vst.idx.msk $0xffff, v19;
	v17 =	vadd.f32 v24, v49;
	v18 =	vld.idx.msk [tilespmem:v47+s13+$0x0], $0xffff;
	v3 =	vor.u32 v26, v55  }
0x200: {  	[tilespmem:v13+s17+$0x0] =	vst.idx.msk $0xffff, v2;
	v2 =	vld.idx.msk [tilespmem:v15+s13+$0x0], $0xffff;
	v6 =	vadd.f32 v6, v48;
	v19 =	vor.u32 v7, v3  }
0x201: {  	v23 =	vld.idx.msk [tilespmem:v23+s13+$0x0], $0xffff;
	[tilespmem:v20+s17+$0x0] =	vst.idx.msk $0xffff, v17;
	v1 =	vadd.f32 v1, v48  }
0x202: {  	v5 =	vadd.f32 v5, v49;
	v22 =	vld.idx.msk [tilespmem:v22+s13+$0x0], $0xffff;
	[tilespmem:v58+s17+$0x0] =	vst.idx.msk $0xffff, v6  }
0x203: {  	[tilespmem:v9+s17+$0x0] =	vst.idx.msk $0xffff, v1;
	v9 =	vld.idx.msk [tilespmem:v11+s13+$0x0], $0xffff  }
0x204: {  	[tilespmem:v61+s17+$0x0] =	vst.idx.msk $0xffff, v5;
	v61 =	vld [tilespmem:$0x1FF50]  }
0x205: {  	v15 =	vadd.s32 s21, v35;
	v5 =	vld.idx.msk [tilespmem:v19+s13+$0x0], $0xffff  }
0x206: {  	v13 =	vor.u32 v14, v44;
	v17 =	vadd.s32 s9, v25;
	v19 =	vadd.s32 s14, v25;
	v25 =	vld [tilespmem:$0x1FED0]  }
0x207: {  	v46 =	vor.u32 v32, v8;
	v20 =	vor.u32 v12, v4;
	v6 =	vadd.s32 s18, v33  }
0x208: {  	v21 =	vor.u32 v10, v57;
	v24 =	vor.u32 v7, v60;
	v11 =	vadd.f32 v16, v50  }
0x209: {  	v29 =	vld [tilespmem:$0x1FFF0];
	v18 =	vadd.f32 v18, v48;
	v16 =	vor.u32 v14, v45;
	v1 =	vor.u32 v61, v53  }
0x20a: {  	v63 =	vadd.s32 s21, v36;
	v2 =	vadd.f32 v2, v49;
	v58 =	vld [tilespmem:$0x1FEE0];
	[tilespmem:v15+s17+$0x0] =	vst.idx.msk $0xffff, v11;
	v15 =	vor.u32 v7, v1  }
0x20b: {  	v47 =	vor.u32 v7, v62;
	v45 =	vadd.s32 s19, v37;
	v13 =	vld.idx.msk [tilespmem:v13+s13+$0x0], $0xffff;
	[tilespmem:v17+s17+$0x0] =	vst.idx.msk $0xffff, v18;
	v18 =	vor.u32 s8, v25  }
0x20c: {  	v20 =	vld.idx.msk [tilespmem:v20+s13+$0x0], $0xffff;
	[tilespmem:v6+s17+$0x0] =	vst.idx.msk $0xffff, v2;
	v2 =	vadd.f32 v22, v48;
	v22 =	vor.u32 v10, v3  }
0x20d: {  	v11 =	vadd.s32 s5, v27;
	v6 =	vld.idx.msk [tilespmem:v24+s13+$0x0], $0xffff;
	v24 =	vor.u32 v7, v46;
	v9 =	vadd.f32 v9, v51  }
0x20e: {  	v4 =	vor.u32 v14, v4;
	v16 =	vld.idx.msk [tilespmem:v16+s13+$0x0], $0xffff;
	v5 =	vadd.f32 v5, v51;
	[tilespmem:v19+s17+$0x0] =	vst.idx.msk $0xffff, v2  }
0x20f: {  	v23 =	vadd.f32 v23, v48;
	v17 =	vor.u32 v10, v60;
	[tilespmem:v59+s17+$0x0] =	vst.idx.msk $0xffff, v9;
	v15 =	vld.idx.msk [tilespmem:v15+s13+$0x0], $0xffff  }
0x210: {  	v44 =	vadd.s32 s9, v58;
	v13 =	vadd.f32 v13, v48;
	[tilespmem:v18+s17+$0x0] =	vst.idx.msk $0xffff, v5;
	v5 =	vld.idx.msk [tilespmem:v21+s13+$0x0], $0xffff  }
0x211: {  	v2 =	vor.u32 v30, v56;
	v9 =	vadd.s32 s18, v27;
	[tilespmem:v45+s17+$0x0] =	vst.idx.msk $0xffff, v23;
	v21 =	vld.idx.msk [tilespmem:v22+s13+$0x0], $0xffff  }
0x212: {  	v55 =	vmov v53;
	v19 =	vadd.f32 v20, v49;
	v22 =	vld.idx.msk [tilespmem:v24+s13+$0x0], $0xffff;
	[tilespmem:v11+s17+$0x0] =	vst.idx.msk $0xffff, v13;
	v13 =	vadd.s32 s12, v28  }
0x213: {  	v53 =	vmovc v56;
	v56 =	vld [tilespmem:$0x1FE80];
	v20 =	vor.u32 v7, v2;
	v6 =	vadd.f32 v6, v51;
	v16 =	vadd.f32 v16, v48  }
0x214: {  	v23 =	vor.u32 v10, v1;
	v11 =	vor.u32 s14, v58;
	[tilespmem:v63+s17+$0x0] =	vst.idx.msk $0xffff, v19;
	v19 =	vld.idx.msk [tilespmem:v47+s13+$0x0], $0xffff  }
0x215: {  	v24 =	vld.idx.msk [tilespmem:v4+s13+$0x0], $0xffff;
	[tilespmem:v44+s17+$0x0] =	vst.idx.msk $0xffff, v6;
	v6 =	vadd.s32 s8, v28;
	v5 =	vadd.f32 v5, v50  }
0x216: {  	v44 =	vor.u32 v12, v57;
	[tilespmem:v9+s17+$0x0] =	vst.idx.msk $0xffff, v16;
	v9 =	vadd.f32 v15, v51;
	v15 =	vld.idx.msk [tilespmem:v17+s13+$0x0], $0xffff  }
0x217: {  	v45 =	vadd.s32 s5, v29;
	v16 =	vor.u32 v12, v3;
	[tilespmem:v13+s17+$0x0] =	vst.idx.msk $0xffff, v5;
	v5 =	vor.u32 s18, v29;
	v29 =	vld [tilespmem:$0x1FFC0]  }
0x218: {  	v63 =	vadd.s32 s21, v37;
	v47 =	vor.u32 v10, v62;
	v20 =	vld.idx.msk [tilespmem:v20+s13+$0x0], $0xffff  }
0x219: {  	v59 =	vld [tilespmem:$0x1FE70];
	v4 =	vor.u32 v32, v0;
	v17 =	vadd.s32 s19, v38;
	[tilespmem:v11+s17+$0x0] =	vst.idx.msk $0xffff, v9;
	v9 =	vadd.f32 v21, v50  }
0x21a: {  	v22 =	vadd.f32 v22, v51;
	v11 =	vor.u32 v7, v4;
	v13 =	vadd.f32 v19, v51;
	v23 =	vld.idx.msk [tilespmem:v23+s13+$0x0], $0xffff  }
0x21b: {  	v21 =	vor.u32 v10, v46;
	[tilespmem:v6+s17+$0x0] =	vst.idx.msk $0xffff, v9;
	v6 =	vld.idx.msk [tilespmem:v44+s13+$0x0], $0xffff;
	v9 =	vadd.f32 v24, v48  }
0x21c: {  	v24 =	vor.u32 v10, v2;
	[tilespmem:v45+s17+$0x0] =	vst.idx.msk $0xffff, v13;
	v16 =	vld.idx.msk [tilespmem:v16+s13+$0x0], $0xffff;
	v13 =	vadd.s32 s14, v29  }
0x21d: {  	[tilespmem:v63+s17+$0x0] =	vst.idx.msk $0xffff, v9;
	v9 =	vadd.f32 v20, v51;
	v19 =	vadd.s32 s9, v29;
	v29 =	vld [tilespmem:$0x1FFE0]  }
0x21e: {  	v18 =	vadd.s32 s12, v59;
	v20 =	vld.idx.msk [tilespmem:v47+s13+$0x0], $0xffff;
	[tilespmem:v17+s17+$0x0] =	vst.idx.msk $0xffff, v22  }
0x21f: {  	v58 =	vor.u32 v12, v60;
	v11 =	vld.idx.msk [tilespmem:v11+s13+$0x0], $0xffff;
	[tilespmem:v5+s17+$0x0] =	vst.idx.msk $0xffff, v9;
	v5 =	vadd.f32 v23, v50  }
0x220: {  	v44 =	vor.u32 v14, v57;
	v15 =	vadd.f32 v15, v50;
	v63 =	vor.u32 v12, v1;
	v21 =	vld.idx.msk [tilespmem:v21+s13+$0x0], $0xffff  }
0x221: {  	v22 =	vadd.s32 s8, v59;
	v9 =	vld.idx.msk [tilespmem:v24+s13+$0x0], $0xffff;
	[tilespmem:v13+s17+$0x0] =	vst.idx.msk $0xffff, v5;
	v13 =	vadd.f32 v16, v49;
	v16 =	vadd.s32 s12, v56;
	s12 =	smov.u32 s9  }
0x222: {  	v3 =	vor.u32 v14, v3;
	v17 =	vadd.s32 s5, v29;
	v59 =	vadd.s32 s12, v25;
	v25 =	vld [tilespmem:$0x1FF80]  }
0x223: {  	v23 =	vor.u32 v12, v62;
	v6 =	vadd.f32 v6, v49;
	[tilespmem:v19+s17+$0x0] =	vst.idx.msk $0xffff, v15;
	v15 =	vor.u32 s21, v38;
	s9 =	smov.u32 s5;
	s5 =	smov.u32 s19  }
0x224: {  	v19 =	vor.u32 v10, v4;
	v5 =	vld.idx.msk [tilespmem:v58+s13+$0x0], $0xffff;
	v24 =	vadd.s32 s5, v39  }
0x225: {  	v11 =	vadd.f32 v11, v51;
	v45 =	vld.idx.msk [tilespmem:v63+s13+$0x0], $0xffff;
	[tilespmem:v18+s17+$0x0] =	vst.idx.msk $0xffff, v6;
	v18 =	vadd.f32 v20, v50  }
0x226: {  	v21 =	vadd.f32 v21, v50;
	v6 =	vadd.s32 s18, v29;
	[tilespmem:v22+s17+$0x0] =	vst.idx.msk $0xffff, v13;
	v13 =	vld.idx.msk [tilespmem:v44+s13+$0x0], $0xffff  }
0x227: {  	v22 =	vor.u32 v12, v2;
	v3 =	vld.idx.msk [tilespmem:v3+s13+$0x0], $0xffff;
	[tilespmem:v17+s17+$0x0] =	vst.idx.msk $0xffff, v18;
	v20 =	vadd.s32 s12, v25  }
0x228: {  	[tilespmem:v15+s17+$0x0] =	vst.idx.msk $0xffff, v11;
	v17 =	vadd.s32 s14, v25;
	v11 =	vld.idx.msk [tilespmem:v23+s13+$0x0], $0xffff  }
0x229: {  	v9 =	vadd.f32 v9, v50;
	v15 =	vor.u32 v14, v1;
	[tilespmem:v24+s17+$0x0] =	vst.idx.msk $0xffff, v21;
	v24 =	vld [tilespmem:$0x1FF00]  }
0x22a: {  	v18 =	vld.idx.msk [tilespmem:v19+s13+$0x0], $0xffff;
	v5 =	vadd.f32 v5, v49;
	v19 =	vadd.s32 s8, v56  }
0x22b: {  	[tilespmem:v6+s17+$0x0] =	vst.idx.msk $0xffff, v9;
	v9 =	vadd.f32 v45, v49;
	v25 =	vld [tilespmem:$0x1FFB0]  }
0x22c: {  	v63 =	vor.u32 v14, v60;
	v60 =	vor.u32 v12, v46;
	v22 =	vld.idx.msk [tilespmem:v22+s13+$0x0], $0xffff;
	[tilespmem:v20+s17+$0x0] =	vst.idx.msk $0xffff, v5  }
0x22d: {  	s19 =	sadd.s32 $0x8, s22;
	v3 =	vadd.f32 v3, v48;
	v5 =	vadd.f32 v13, v48;
	[tilespmem:v17+s17+$0x0] =	vst.idx.msk $0xffff, v9;
	v13 =	vld [tilespmem:$0x1FE90]  }
0x22e: {  	s8 =	smov.u32 s14;
	s14 =	smov.u32 s18;
	s18 =	smov.u32 s21;
	v56 =	vmov v0;
	v0 =	vmov s19;
	v6 =	vadd.s32 s9, v24;
	v15 =	vld.idx.msk [tilespmem:v15+s13+$0x0], $0xffff  }
0x22f: {  	v58 =	vshll.u32 v0, $0x7;
	v0 =	vadd.s32 s18, v39;
	[tilespmem:v19+s17+$0x0] =	vst.idx.msk $0xffff, v3;
	v19 =	vor.u32 v14, v2;
	v2 =	vld [tilespmem:$0x1FF10]  }
0x230: {  	v17 =	vor.u32 v12, v4  }
0x231: {  	v23 =	vor.u32 v14, v62;
	v11 =	vadd.f32 v11, v49;
	v9 =	vld.idx.msk [tilespmem:v63+s13+$0x0], $0xffff;
	[tilespmem:v16+s17+$0x0] =	vst.idx.msk $0xffff, v5  }
0x232: {  	v20 =	vadd.s32 s14, v24;
	v18 =	vadd.f32 v18, v50;
	v5 =	vld.idx.msk [tilespmem:v60+s13+$0x0], $0xffff  }
0x233: {  	v21 =	vadd.s32 s12, v25;
	[tilespmem:v6+s17+$0x0] =	vst.idx.msk $0xffff, v11;
	v6 =	vadd.s32 s8, v25;
	v25 =	vld [tilespmem:$0x1FF30]  }
0x234: {  	v45 =	vld [tilespmem:$0x1FFA0];
	[tilespmem:v0+s17+$0x0] =	vst.idx.msk $0xffff, v18;
	v13 =	vor.u32 v13, v58;
	v3 =	vor.u32 v2, v52  }
0x235: {  	v0 =	vadd.f32 v22, v49;
	v17 =	vld.idx.msk [tilespmem:v17+s13+$0x0], $0xffff;
	v2 =	vor.u32 v2, v55;
	v11 =	vor.u32 v7, v3  }
0x236: {  	v16 =	vadd.s32 s5, v40;
	v18 =	vld.idx.msk [tilespmem:v23+s13+$0x0], $0xffff;
	v22 =	vor.u32 v7, v2  }
0x237: {  	v63 =	vld [tilespmem:$0x1FF40];
	[tilespmem:v20+s17+$0x0] =	vst.idx.msk $0xffff, v0;
	v20 =	vadd.s32 s18, v40;
	v9 =	vadd.f32 v9, v48  }
0x238: {  	v23 =	vor.u32 v14, v46;
	v15 =	vadd.f32 v15, v48;
	v19 =	vld.idx.msk [tilespmem:v19+s13+$0x0], $0xffff;
	v0 =	vadd.s32 s9, v25  }
0x239: {  	v4 =	vor.u32 v14, v4;
	v5 =	vadd.f32 v5, v49;
	v13 =	vld.idx.msk [tilespmem:v13+s13+$0x0], $0xffff;
	[tilespmem:v21+s17+$0x0] =	vst.idx.msk $0xffff, v9  }
0x23a: {  	[tilespmem:v6+s17+$0x0] =	vst.idx.msk $0xffff, v15;
	v15 =	vadd.s32 s14, v25;
	v17 =	vadd.f32 v17, v49;
	v6 =	vld.idx.msk [tilespmem:v11+s13+$0x0], $0xffff  }
0x23b: {  	[tilespmem:v16+s17+$0x0] =	vst.idx.msk $0xffff, v5;
	v5 =	vld.idx.msk [tilespmem:v22+s13+$0x0], $0xffff;
	v16 =	vadd.f32 v18, v48  }
0x23c: {  	v47 =	vor.u32 v63, v54;
	v63 =	vor.u32 v63, v53;
	[tilespmem:v20+s17+$0x0] =	vst.idx.msk $0xffff, v17;
	v20 =	vld [tilespmem:$0x1FEA0]  }
0x23d: {  	v21 =	vor.u32 v7, v47;
	v11 =	vld.idx.msk [tilespmem:v23+s13+$0x0], $0xffff;
	[tilespmem:v0+s17+$0x0] =	vst.idx.msk $0xffff, v16;
	v16 =	vadd.f32 v19, v48  }
0x23e: {  	v57 =	vor.u32 v26, v52;
	v24 =	vadd.s32 s12, v45;
	v18 =	vor.u32 v7, v63;
	v22 =	vld.idx.msk [tilespmem:v4+s13+$0x0], $0xffff  }
0x23f: {  	v52 =	vmovc v54;
	v54 =	vmov v8;
	v8 =	vor.u32 v10, v3;
	v0 =	vor.u32 s8, v45;
	[tilespmem:v15+s17+$0x0] =	vst.idx.msk $0xffff, v16;
	v16 =	vld [tilespmem:$0x1FEF0]  }
0x240: {  	v46 =	vadd.s32 s5, v41;
	v60 =	vor.u32 v61, v52;
	v44 =	vor.u32 v31, v54  }
0x241: {  	v29 =	vld [tilespmem:$0x1FF70];
	v9 =	vadd.s32 s19, v34;
	v19 =	vor.u32 v10, v2;
	v4 =	vadd.f32 v6, v51  }
0x242: {  	v61 =	vor.u32 v10, v47;
	v17 =	vld.idx.msk [tilespmem:v21+s13+$0x0], $0xffff;
	v21 =	vor.u32 v7, v44;
	v5 =	vadd.f32 v5, v51  }
0x243: {  	v20 =	vor.u32 v20, v58;
	v11 =	vadd.f32 v11, v48;
	v25 =	vld.idx.msk [tilespmem:v18+s13+$0x0], $0xffff;
	[tilespmem:v24+s17+$0x0] =	vst.idx.msk $0xffff, v4  }
0x244: {  	v15 =	vadd.f32 v13, v51;
	[tilespmem:v0+s17+$0x0] =	vst.idx.msk $0xffff, v5;
	v4 =	vld.idx.msk [tilespmem:v8+s13+$0x0], $0xffff;
	v23 =	vadd.s32 s9, v16  }
0x245: {  	p1 =	slt.u32 s22, $0x70;
	v62 =	vor.u32 v30, v54;
	v45 =	vor.u32 v31, v56;
	v24 =	vadd.s32 s18, v41;
	[tilespmem:v46+s17+$0x0] =	vst.idx.msk $0xffff, v11;
	v5 =	vld [tilespmem:$0x1FEB0]  }
.Ltmp2:
0x246: {  	v1 =	vadd.s32 s12, v29;
	v6 =	vadd.s32 s5, v42;
	v18 =	vor.u32 v12, v3;
	v13 =	vld.idx.msk [tilespmem:v19+s13+$0x0], $0xffff;
	[tilespmem:v9+s17+$0x0] =	vst.idx.msk $0xffff, v15;
	(pc) =	sbr.rel @p1 .LBB2_3-.Ltmp2, $4  }
0x247: {  	v8 =	vor.u32 v7, v45;
	v11 =	vadd.s32 s19, v35;
	v0 =	vadd.f32 v17, v51;
	v15 =	vld.idx.msk [tilespmem:v21+s13+$0x0], $0xffff  }
0x248: {  	v17 =	vadd.f32 v22, v48;
	v19 =	vor.u32 v10, v63;
	v21 =	vor.u32 s14, v16;
	v16 =	vld.idx.msk [tilespmem:v20+s13+$0x0], $0xffff  }
0x249: {  	s21 =	smov.u32 s22;
	v9 =	vor.u32 v12, v47;
	v20 =	vadd.s32 s8, v29;
	v46 =	vadd.f32 v25, v51;
	v25 =	vld [tilespmem:$0x1FE20];
	[tilespmem:v23+s17+$0x0] =	vst.idx.msk $0xffff, v0  }
0x24a: {  	s22 =	sadd.s32 $0x10, s22;
	[tilespmem:v24+s17+$0x0] =	vst.idx.msk $0xffff, v17;
	v5 =	vor.u32 v5, v58;
	v0 =	vmov s21;
	v17 =	vld.idx.msk [tilespmem:v61+s13+$0x0], $0xffff;
	v61 =	vor.u32 v12, v2  }
0x24b: {  	_ =	sdelay $0x2  }
0x24c: {  	v4 =	vadd.f32 v4, v50  }
0x24d: {  	[tilespmem:v21+s17+$0x0] =	vst.idx.msk $0xffff, v46  }
0x24e: {  	[tilespmem:v1+s17+$0x0] =	vst.idx.msk $0xffff, v4  }
0x24f: {  	v29 =	vld [tilespmem:$0x1FF20]  }
0x250: {  	v26 =	vshll.u32 v0, $0x7  }
0x251: {  	v8 =	vld.idx.msk [tilespmem:v8+s13+$0x0], $0xffff;
	v13 =	vadd.f32 v13, v50;
	v22 =	vor.u32 v25, v26  }
0x252: {  	v4 =	vadd.f32 v15, v51;
	v23 =	vor.u32 v7, v22  }
0x253: {  	v16 =	vadd.f32 v16, v50;
	[tilespmem:v20+s17+$0x0] =	vst.idx.msk $0xffff, v13;
	v13 =	vor.u32 s18, v42  }
0x254: {  	v21 =	vor.u32 v10, v44;
	v15 =	vld.idx.msk [tilespmem:v19+s13+$0x0], $0xffff;
	[tilespmem:v6+s17+$0x0] =	vst.idx.msk $0xffff, v4;
	v1 =	vadd.s32 s9, v29  }
0x255: {  	v18 =	vld.idx.msk [tilespmem:v18+s13+$0x0], $0xffff;
	[tilespmem:v11+s17+$0x0] =	vst.idx.msk $0xffff, v16  }
0x256: {  	v20 =	vor.u32 v10, v45;
	v0 =	vld [tilespmem:$0x1FE40];
	v8 =	vadd.f32 v8, v51  }
0x257: {  	v11 =	vadd.f32 v17, v50;
	v19 =	vld.idx.msk [tilespmem:v23+s13+$0x0], $0xffff  }
0x258: {  	v6 =	vld.idx.msk [tilespmem:v61+s13+$0x0], $0xffff;
	v4 =	vadd.s32 s14, v29;
	[tilespmem:v13+s17+$0x0] =	vst.idx.msk $0xffff, v8  }
0x259: {  	v16 =	vor.u32 s21, v34;
	v21 =	vld.idx.msk [tilespmem:v21+s13+$0x0], $0xffff;
	[tilespmem:v1+s17+$0x0] =	vst.idx.msk $0xffff, v11  }
0x25a: {  	v23 =	vor.u32 v10, v22;
	v61 =	vld [tilespmem:$0x1FFD0]  }
0x25b: {  	v15 =	vadd.f32 v15, v50;
	v20 =	vld.idx.msk [tilespmem:v20+s13+$0x0], $0xffff;
	v17 =	vadd.s32 s12, v0  }
0x25c: {  	v11 =	vadd.s32 s8, v0;
	v8 =	vld.idx.msk [tilespmem:v9+s13+$0x0], $0xffff;
	v9 =	vadd.f32 v19, v51  }
0x25d: {  	v19 =	vadd.s32 s5, v43;
	[tilespmem:v4+s17+$0x0] =	vst.idx.msk $0xffff, v15  }
0x25e: {  	v4 =	vld.idx.msk [tilespmem:v5+s13+$0x0], $0xffff;
	v15 =	vadd.f32 v18, v49;
	[tilespmem:v16+s17+$0x0] =	vst.idx.msk $0xffff, v9;
	v9 =	vadd.s32 s18, v43  }
0x25f: {  	v6 =	vadd.f32 v6, v49;
	v18 =	vld.idx.msk [tilespmem:v23+s13+$0x0], $0xffff;
	v13 =	vadd.s32 s9, v61  }
0x260: {  	v21 =	vadd.f32 v21, v50;
	[tilespmem:v17+s17+$0x0] =	vst.idx.msk $0xffff, v15;
	v15 =	vadd.s32 s19, v36  }
0x261: {  	[tilespmem:v11+s17+$0x0] =	vst.idx.msk $0xffff, v6;
	v11 =	vadd.f32 v20, v50;
	v6 =	vadd.f32 v8, v49;
	v8 =	vadd.s32 s21, v35  }
0x262: {  	[tilespmem:v19+s17+$0x0] =	vst.idx.msk $0xffff, v21  }
0x263: {  	v17 =	vor.u32 v12, v22;
	v19 =	vadd.f32 v4, v49;
	[tilespmem:v9+s17+$0x0] =	vst.idx.msk $0xffff, v11  }
0x264: {  	[tilespmem:v13+s17+$0x0] =	vst.idx.msk $0xffff, v6;
	v6 =	vadd.f32 v18, v50  }
0x265: {  	[tilespmem:v15+s17+$0x0] =	vst.idx.msk $0xffff, v19  }
0x266: {  	[tilespmem:v8+s17+$0x0] =	vst.idx.msk $0xffff, v6  }
0x267: {  	v0 =	vld [tilespmem:$0x1FEC0]  }
0x268: {  	v6 =	vld.idx.msk [tilespmem:v17+s13+$0x0], $0xffff;
	_ =	sdelay $0x1  }
0x269: {  	v9 =	vadd.s32 s21, v36  }
0x26a: {  	v11 =	vor.u32 v14, v22  }
0x26b: {  	v8 =	vor.u32 v0, v58  }
0x26c: {  	v16 =	vor.u32 v14, v47;
	v6 =	vadd.f32 v6, v49;
	_ =	sdelay $0x1  }
0x26d: {  	[tilespmem:v9+s17+$0x0] =	vst.idx.msk $0xffff, v6  }
0x26e: {  	v6 =	vld.idx.msk [tilespmem:v11+s13+$0x0], $0xffff  }
0x26f: {  	v8 =	vld.idx.msk [tilespmem:v8+s13+$0x0], $0xffff  }
0x270: {  	v15 =	vadd.s32 s21, v37;
	v4 =	vld.idx.msk [tilespmem:v16+s13+$0x0], $0xffff;
	v16 =	vor.u32 v32, v26  }
0x271: {  	v17 =	vor.u32 v7, v16;
	v9 =	vor.u32 v32, v58;
	v11 =	vadd.s32 s19, v37  }
0x272: {  	v13 =	vor.u32 v7, v9  }
0x273: {  	v6 =	vadd.f32 v6, v48  }
0x274: {  	v8 =	vadd.f32 v8, v48  }
0x275: {  	[tilespmem:v15+s17+$0x0] =	vst.idx.msk $0xffff, v6  }
0x276: {  	v6 =	vld.idx.msk [tilespmem:v17+s13+$0x0], $0xffff;
	[tilespmem:v11+s17+$0x0] =	vst.idx.msk $0xffff, v8  }
0x277: {  	v8 =	vld.idx.msk [tilespmem:v13+s13+$0x0], $0xffff  }
0x278: {  	v15 =	vor.u32 s21, v38  }
0x279: {  	v17 =	vor.u32 v10, v16;
	v11 =	vadd.s32 s19, v38  }
0x27a: {  	v13 =	vor.u32 v10, v9  }
0x27b: {  	v6 =	vadd.f32 v6, v51  }
0x27c: {  	v8 =	vadd.f32 v8, v51  }
0x27d: {  	[tilespmem:v15+s17+$0x0] =	vst.idx.msk $0xffff, v6  }
0x27e: {  	v6 =	vld.idx.msk [tilespmem:v17+s13+$0x0], $0xffff;
	[tilespmem:v11+s17+$0x0] =	vst.idx.msk $0xffff, v8  }
0x27f: {  	v8 =	vld.idx.msk [tilespmem:v13+s13+$0x0], $0xffff  }
0x280: {  	v15 =	vadd.s32 s21, v39  }
0x281: {  	v17 =	vor.u32 v12, v16;
	v11 =	vadd.s32 s19, v39  }
0x282: {  	v13 =	vor.u32 v12, v9  }
0x283: {  	v6 =	vadd.f32 v6, v50  }
0x284: {  	v8 =	vadd.f32 v8, v50  }
0x285: {  	[tilespmem:v15+s17+$0x0] =	vst.idx.msk $0xffff, v6  }
0x286: {  	v6 =	vld.idx.msk [tilespmem:v17+s13+$0x0], $0xffff;
	[tilespmem:v11+s17+$0x0] =	vst.idx.msk $0xffff, v8  }
0x287: {  	v8 =	vld.idx.msk [tilespmem:v13+s13+$0x0], $0xffff  }
0x288: {  	v13 =	vadd.s32 s21, v40  }
0x289: {  	v15 =	vor.u32 v14, v16;
	v11 =	vadd.s32 s19, v40  }
0x28a: {  	v9 =	vor.u32 v14, v9  }
0x28b: {  	v6 =	vadd.f32 v6, v49  }
0x28c: {  	v8 =	vadd.f32 v8, v49  }
0x28d: {  	[tilespmem:v13+s17+$0x0] =	vst.idx.msk $0xffff, v6  }
0x28e: {  	v6 =	vld.idx.msk [tilespmem:v15+s13+$0x0], $0xffff;
	[tilespmem:v11+s17+$0x0] =	vst.idx.msk $0xffff, v8  }
0x28f: {  	v8 =	vld.idx.msk [tilespmem:v9+s13+$0x0], $0xffff  }
0x290: {  	v16 =	vor.u32 v31, v26;
	v15 =	vadd.s32 s21, v41  }
0x291: {  	v17 =	vor.u32 v7, v16;
	v11 =	vor.u32 v31, v58;
	v9 =	vadd.s32 s19, v41  }
0x292: {  	v13 =	vor.u32 v7, v11  }
0x293: {  	v6 =	vadd.f32 v6, v48  }
0x294: {  	v8 =	vadd.f32 v8, v48  }
0x295: {  	[tilespmem:v15+s17+$0x0] =	vst.idx.msk $0xffff, v6  }
0x296: {  	v6 =	vld.idx.msk [tilespmem:v17+s13+$0x0], $0xffff;
	[tilespmem:v9+s17+$0x0] =	vst.idx.msk $0xffff, v8  }
0x297: {  	v8 =	vld.idx.msk [tilespmem:v13+s13+$0x0], $0xffff  }
0x298: {  	v15 =	vor.u32 s21, v42  }
0x299: {  	v17 =	vor.u32 v10, v16;
	v9 =	vadd.s32 s19, v42  }
0x29a: {  	v13 =	vor.u32 v10, v11  }
0x29b: {  	v5 =	vor.u32 v12, v44;
	v6 =	vadd.f32 v6, v51  }
0x29c: {  	v8 =	vadd.f32 v8, v51  }
0x29d: {  	[tilespmem:v15+s17+$0x0] =	vst.idx.msk $0xffff, v6  }
0x29e: {  	v6 =	vld.idx.msk [tilespmem:v17+s13+$0x0], $0xffff;
	[tilespmem:v9+s17+$0x0] =	vst.idx.msk $0xffff, v8  }
0x29f: {  	v9 =	vor.u32 v12, v45;
	v8 =	vld.idx.msk [tilespmem:v13+s13+$0x0], $0xffff  }
0x2a0: {  	v5 =	vld.idx.msk [tilespmem:v5+s13+$0x0], $0xffff;
	v17 =	vadd.s32 s21, v43  }
0x2a1: {  	v18 =	vor.u32 v12, v16;
	v13 =	vadd.s32 s19, v43  }
0x2a2: {  	v19 =	vadd.s32 s5, v33;
	v15 =	vor.u32 v12, v11  }
0x2a3: {  	v20 =	vor.u32 v14, v44;
	v6 =	vadd.f32 v6, v50  }
0x2a4: {  	v9 =	vld.idx.msk [tilespmem:v9+s13+$0x0], $0xffff;
	v8 =	vadd.f32 v8, v50  }
0x2a5: {  	v3 =	vor.u32 v14, v3;
	v5 =	vadd.f32 v5, v49;
	[tilespmem:v17+s17+$0x0] =	vst.idx.msk $0xffff, v6  }
0x2a6: {  	v1 =	vor.u32 v12, v63;
	v6 =	vadd.s32 s18, v33;
	[tilespmem:v13+s17+$0x0] =	vst.idx.msk $0xffff, v8;
	v13 =	vld.idx.msk [tilespmem:v18+s13+$0x0], $0xffff  }
0x2a7: {  	v24 =	vor.u32 v14, v2;
	[tilespmem:v19+s17+$0x0] =	vst.idx.msk $0xffff, v5;
	v8 =	vld.idx.msk [tilespmem:v15+s13+$0x0], $0xffff  }
0x2a8: {  	v5 =	vor.u32 v14, v11;
	v11 =	vadd.s32 s21, v33;
	v18 =	vld.idx.msk [tilespmem:v20+s13+$0x0], $0xffff;
	v15 =	vor.u32 v14, v45  }
0x2a9: {  	v16 =	vor.u32 v14, v16;
	v17 =	vadd.s32 s19, v33;
	v9 =	vadd.f32 v9, v49  }
0x2aa: {  	v3 =	vld.idx.msk [tilespmem:v3+s13+$0x0], $0xffff;
	v19 =	vadd.s32 s5, v27  }
0x2ab: {  	v2 =	vld.idx.msk [tilespmem:v1+s13+$0x0], $0xffff;
	[tilespmem:v6+s17+$0x0] =	vst.idx.msk $0xffff, v9;
	v6 =	vadd.f32 v13, v49  }
0x2ac: {  	v1 =	vld.idx.msk [tilespmem:v24+s13+$0x0], $0xffff;
	v8 =	vadd.f32 v8, v49  }
0x2ad: {  	v9 =	vld.idx.msk [tilespmem:v15+s13+$0x0], $0xffff;
	[tilespmem:v11+s17+$0x0] =	vst.idx.msk $0xffff, v6;
	v6 =	vadd.f32 v18, v48  }
0x2ae: {  	v13 =	vor.u32 v7, v62;
	[tilespmem:v17+s17+$0x0] =	vst.idx.msk $0xffff, v8;
	v15 =	vld.idx.msk [tilespmem:v16+s13+$0x0], $0xffff  }
0x2af: {  	v5 =	vld.idx.msk [tilespmem:v5+s13+$0x0], $0xffff;
	[tilespmem:v19+s17+$0x0] =	vst.idx.msk $0xffff, v6  }
0x2b0: {  	v8 =	vadd.s32 s18, v27;
	v0 =	vld [tilespmem:$0x1FFF0]  }
0x2b1: {  	v11 =	vor.u32 v30, v56  }
0x2b2: {  	v16 =	vor.u32 v7, v11;
	v19 =	vadd.s32 s21, v27  }
0x2b3: {  	v18 =	vadd.s32 s19, v27;
	v17 =	vor.u32 v30, v58;
	v13 =	vld.idx.msk [tilespmem:v13+s13+$0x0], $0xffff;
	v9 =	vadd.f32 v9, v48  }
0x2b4: {  	v20 =	vor.u32 v30, v26;
	v6 =	vor.u32 v7, v17  }
0x2b5: {  	v21 =	vor.u32 v7, v20;
	[tilespmem:v8+s17+$0x0] =	vst.idx.msk $0xffff, v9;
	v8 =	vadd.f32 v15, v48;
	v22 =	vadd.s32 s5, v0  }
0x2b6: {  	v5 =	vadd.f32 v5, v48  }
0x2b7: {  	v9 =	vld.idx.msk [tilespmem:v16+s13+$0x0], $0xffff;
	[tilespmem:v19+s17+$0x0] =	vst.idx.msk $0xffff, v8  }
0x2b8: {  	v8 =	vadd.f32 v13, v51;
	[tilespmem:v18+s17+$0x0] =	vst.idx.msk $0xffff, v5  }
0x2b9: {  	v15 =	vor.u32 v10, v62;
	v5 =	vld.idx.msk [tilespmem:v6+s13+$0x0], $0xffff;
	v6 =	vor.u32 s18, v0  }
0x2ba: {  	v16 =	vor.u32 v10, v11;
	v13 =	vld.idx.msk [tilespmem:v21+s13+$0x0], $0xffff;
	[tilespmem:v22+s17+$0x0] =	vst.idx.msk $0xffff, v8  }
0x2bb: {  	v19 =	vor.u32 s21, v0;
	v18 =	vadd.s32 s19, v0;
	v0 =	vld [tilespmem:$0x1FFE0]  }
0x2bc: {  	v9 =	vadd.f32 v9, v51;
	_ =	sdelay $0x1  }
0x2bd: {  	v8 =	vor.u32 v10, v17;
	v15 =	vld.idx.msk [tilespmem:v15+s13+$0x0], $0xffff;
	[tilespmem:v6+s17+$0x0] =	vst.idx.msk $0xffff, v9  }
0x2be: {  	v6 =	vadd.f32 v13, v51;
	v9 =	vld.idx.msk [tilespmem:v16+s13+$0x0], $0xffff  }
0x2bf: {  	v5 =	vadd.f32 v5, v51;
	v22 =	vadd.s32 s5, v0  }
0x2c0: {  	v21 =	vor.u32 v10, v20;
	[tilespmem:v19+s17+$0x0] =	vst.idx.msk $0xffff, v6;
	v6 =	vadd.s32 s18, v0  }
0x2c1: {  	[tilespmem:v18+s17+$0x0] =	vst.idx.msk $0xffff, v5  }
0x2c2: {  	v5 =	vld.idx.msk [tilespmem:v8+s13+$0x0], $0xffff;
	v8 =	vadd.f32 v15, v50  }
0x2c3: {  	v9 =	vadd.f32 v9, v50  }
0x2c4: {  	v13 =	vor.u32 v12, v62;
	[tilespmem:v22+s17+$0x0] =	vst.idx.msk $0xffff, v8  }
0x2c5: {  	v16 =	vor.u32 v12, v11;
	v15 =	vld.idx.msk [tilespmem:v21+s13+$0x0], $0xffff;
	[tilespmem:v6+s17+$0x0] =	vst.idx.msk $0xffff, v9  }
0x2c6: {  	v18 =	vadd.s32 s19, v0;
	v22 =	vld [tilespmem:$0x1FF00]  }
0x2c7: {  	v8 =	vor.u32 v12, v17;
	_ =	sdelay $0x1  }
0x2c8: {  	v19 =	vadd.s32 s21, v0;
	v5 =	vadd.f32 v5, v50;
	v13 =	vld.idx.msk [tilespmem:v13+s13+$0x0], $0xffff  }
0x2c9: {  	v9 =	vadd.f32 v15, v50;
	v15 =	vld.idx.msk [tilespmem:v16+s13+$0x0], $0xffff  }
0x2ca: {  	[tilespmem:v18+s17+$0x0] =	vst.idx.msk $0xffff, v5;
	v6 =	vadd.s32 s5, v22  }
0x2cb: {  	v21 =	vor.u32 v12, v20;
	v5 =	vld.idx.msk [tilespmem:v8+s13+$0x0], $0xffff;
	v8 =	vadd.s32 s18, v22;
	_ =	sdelay $0x1  }
0x2cc: {  	[tilespmem:v19+s17+$0x0] =	vst.idx.msk $0xffff, v9;
	v9 =	vadd.f32 v13, v49  }
0x2cd: {  	v15 =	vadd.f32 v15, v49  }
0x2ce: {  	v16 =	vor.u32 v14, v62;
	[tilespmem:v6+s17+$0x0] =	vst.idx.msk $0xffff, v9  }
0x2cf: {  	v13 =	vld.idx.msk [tilespmem:v21+s13+$0x0], $0xffff;
	[tilespmem:v8+s17+$0x0] =	vst.idx.msk $0xffff, v15  }
0x2d0: {  	v11 =	vor.u32 v14, v11;
	v18 =	vadd.s32 s19, v22;
	v0 =	vld [tilespmem:$0x1FF30]  }
0x2d1: {  	v6 =	vor.u32 v14, v17;
	v21 =	vld [tilespmem:$0x1FF40]  }
0x2d2: {  	v9 =	vadd.s32 s21, v22  }
0x2d3: {  	v5 =	vadd.f32 v5, v49;
	v17 =	vor.u32 v14, v20;
	v16 =	vld.idx.msk [tilespmem:v16+s13+$0x0], $0xffff;
	_ =	sdelay $0x1  }
0x2d4: {  	v13 =	vadd.f32 v13, v49;
	v11 =	vld.idx.msk [tilespmem:v11+s13+$0x0], $0xffff;
	[tilespmem:v18+s17+$0x0] =	vst.idx.msk $0xffff, v5;
	v8 =	vadd.s32 s5, v0  }
0x2d5: {  	v5 =	vld.idx.msk [tilespmem:v6+s13+$0x0], $0xffff;
	v15 =	vor.u32 v21, v54  }
0x2d6: {  	[tilespmem:v9+s17+$0x0] =	vst.idx.msk $0xffff, v13;
	v6 =	vadd.s32 s18, v0;
	v19 =	vor.u32 v7, v15  }
0x2d7: {  	v13 =	vadd.f32 v16, v48;
	v16 =	vld.idx.msk [tilespmem:v17+s13+$0x0], $0xffff;
	v18 =	vadd.s32 s19, v0  }
0x2d8: {  	v20 =	vor.u32 v21, v58  }
0x2d9: {  	v11 =	vadd.f32 v11, v48;
	[tilespmem:v8+s17+$0x0] =	vst.idx.msk $0xffff, v13;
	v8 =	vor.u32 v7, v20;
	v13 =	vadd.s32 s21, v0  }
0x2da: {  	v5 =	vadd.f32 v5, v48  }
0x2db: {  	v9 =	vor.u32 v21, v56;
	[tilespmem:v6+s17+$0x0] =	vst.idx.msk $0xffff, v11;
	v19 =	vld.idx.msk [tilespmem:v19+s13+$0x0], $0xffff  }
0x2dc: {  	v17 =	vor.u32 v7, v9;
	v11 =	vadd.f32 v16, v48;
	v0 =	vld [tilespmem:$0x1FEF0];
	[tilespmem:v18+s17+$0x0] =	vst.idx.msk $0xffff, v5  }
0x2dd: {  	v5 =	vor.u32 v14, v63;
	v63 =	vld [tilespmem:$0x1FE50]  }
0x2de: {  	v44 =	vld.idx.msk [tilespmem:v8+s13+$0x0], $0xffff;
	[tilespmem:v13+s17+$0x0] =	vst.idx.msk $0xffff, v11  }
0x2df: {  	v8 =	vld [tilespmem:$0x1FF60]  }
0x2e0: {  	v21 =	vor.u32 v21, v26;
	v16 =	vadd.s32 s14, v61  }
0x2e1: {  	v22 =	vor.u32 v7, v21;
	v17 =	vld.idx.msk [tilespmem:v17+s13+$0x0], $0xffff;
	v6 =	vadd.s32 s5, v0  }
0x2e2: {  	v18 =	vadd.s32 s12, v63  }
0x2e3: {  	v2 =	vadd.f32 v2, v49;
	v24 =	vor.u32 v10, v15;
	v11 =	vor.u32 s18, v0  }
0x2e4: {  	v62 =	vmovc v26;
	v13 =	vadd.f32 v19, v51;
	v26 =	vor.u32 v8, v55;
	v55 =	vadd.s32 s19, v0  }
0x2e5: {  	v3 =	vadd.f32 v3, v48;
	[tilespmem:v16+s17+$0x0] =	vst.idx.msk $0xffff, v2  }
0x2e6: {  	v19 =	vld.idx.msk [tilespmem:v22+s13+$0x0], $0xffff;
	v2 =	vadd.f32 v17, v51;
	[tilespmem:v6+s17+$0x0] =	vst.idx.msk $0xffff, v13  }
0x2e7: {  	v22 =	vor.u32 v10, v9;
	[tilespmem:v18+s17+$0x0] =	vst.idx.msk $0xffff, v3;
	v3 =	vadd.f32 v44, v51  }
0x2e8: {  	v23 =	vor.u32 v7, v57;
	v13 =	vor.u32 s21, v0;
	[tilespmem:v11+s17+$0x0] =	vst.idx.msk $0xffff, v2  }
0x2e9: {  	v25 =	vadd.s32 s8, v63;
	v6 =	vor.u32 v10, v20;
	v16 =	vld.idx.msk [tilespmem:v24+s13+$0x0], $0xffff;
	[tilespmem:v55+s17+$0x0] =	vst.idx.msk $0xffff, v3  }
0x2ea: {  	v17 =	vor.u32 v10, v21;
	v47 =	vld [tilespmem:$0x1FF90]  }
0x2eb: {  	v11 =	vadd.f32 v19, v51  }
0x2ec: {  	v1 =	vadd.f32 v1, v48;
	v2 =	vadd.s32 s5, v29;
	v24 =	vor.u32 v7, v26;
	v22 =	vld.idx.msk [tilespmem:v22+s13+$0x0], $0xffff  }
0x2ed: {  	v19 =	vor.u32 v12, v15;
	v18 =	vld.idx.msk [tilespmem:v23+s13+$0x0], $0xffff;
	[tilespmem:v13+s17+$0x0] =	vst.idx.msk $0xffff, v11  }
0x2ee: {  	v6 =	vld.idx.msk [tilespmem:v6+s13+$0x0], $0xffff;
	[tilespmem:v25+s17+$0x0] =	vst.idx.msk $0xffff, v1;
	v1 =	vadd.s32 s18, v29  }
0x2ef: {  	v11 =	vadd.f32 v16, v50;
	v13 =	vld.idx.msk [tilespmem:v17+s13+$0x0], $0xffff;
	v3 =	vadd.s32 s9, v47  }
0x2f0: {  	v5 =	vld.idx.msk [tilespmem:v5+s13+$0x0], $0xffff  }
0x2f1: {  	v22 =	vadd.f32 v22, v50;
	v16 =	vld.idx.msk [tilespmem:v24+s13+$0x0], $0xffff;
	[tilespmem:v2+s17+$0x0] =	vst.idx.msk $0xffff, v11;
	v11 =	vadd.s32 s21, v29  }
0x2f2: {  	v4 =	vadd.f32 v4, v48;
	v17 =	vor.u32 v12, v9;
	v19 =	vld.idx.msk [tilespmem:v19+s13+$0x0], $0xffff;
	v45 =	vadd.s32 s14, v47  }
0x2f3: {  	v24 =	vadd.s32 s19, v29;
	v18 =	vadd.f32 v18, v51;
	v2 =	vor.u32 v12, v20;
	v29 =	vld [tilespmem:$0x1FF50];
	[tilespmem:v1+s17+$0x0] =	vst.idx.msk $0xffff, v22  }
0x2f4: {  	v1 =	vadd.f32 v13, v50;
	[tilespmem:v3+s17+$0x0] =	vst.idx.msk $0xffff, v4;
	v3 =	vadd.f32 v6, v50;
	v6 =	vadd.s32 s5, v61  }
0x2f5: {  	v5 =	vadd.f32 v5, v48;
	[tilespmem:v59+s17+$0x0] =	vst.idx.msk $0xffff, v18  }
0x2f6: {  	v44 =	vor.u32 v12, v21;
	[tilespmem:v11+s17+$0x0] =	vst.idx.msk $0xffff, v1  }
0x2f7: {  	v15 =	vor.u32 v14, v15;
	v19 =	vadd.f32 v19, v49;
	[tilespmem:v45+s17+$0x0] =	vst.idx.msk $0xffff, v5  }
0x2f8: {  	v23 =	vor.u32 v7, v60;
	v17 =	vld.idx.msk [tilespmem:v17+s13+$0x0], $0xffff;
	v25 =	vor.u32 v29, v53;
	[tilespmem:v24+s17+$0x0] =	vst.idx.msk $0xffff, v3  }
0x2f9: {  	v0 =	vmov v26;
	v55 =	vor.u32 v7, v25;
	v2 =	vld.idx.msk [tilespmem:v2+s13+$0x0], $0xffff;
	[tilespmem:v6+s17+$0x0] =	vst.idx.msk $0xffff, v19  }
0x2fa: {  	v26 =	vmov v61;
	v1 =	vor.u32 v10, v0;
	v61 =	vmov v0;
	v0 =	vld [tilespmem:$0x1FEE0]  }
0x2fb: {  	v11 =	vadd.s32 s18, v26;
	v22 =	vld.idx.msk [tilespmem:v44+s13+$0x0], $0xffff  }
0x2fc: {  	v5 =	vor.u32 v14, v9;
	v9 =	vadd.s32 s19, v26;
	v15 =	vld.idx.msk [tilespmem:v15+s13+$0x0], $0xffff  }
0x2fd: {  	v4 =	vld.idx.msk [tilespmem:v23+s13+$0x0], $0xffff;
	v19 =	vadd.s32 s21, v26  }
0x2fe: {  	v17 =	vadd.f32 v17, v49;
	v24 =	vadd.s32 s5, v47;
	v23 =	vld.idx.msk [tilespmem:v55+s13+$0x0], $0xffff  }
0x2ff: {  	v6 =	vor.u32 v14, v20;
	v2 =	vadd.f32 v2, v49;
	v18 =	vadd.s32 s9, v0  }
0x300: {  	v20 =	vor.u32 v14, v21;
	[tilespmem:v11+s17+$0x0] =	vst.idx.msk $0xffff, v17;
	v11 =	vadd.f32 v22, v49;
	v17 =	vor.u32 s14, v0  }
0x301: {  	[tilespmem:v9+s17+$0x0] =	vst.idx.msk $0xffff, v2;
	v2 =	vadd.f32 v15, v48  }
0x302: {  	v4 =	vadd.f32 v4, v51;
	v22 =	vor.u32 v29, v54;
	[tilespmem:v19+s17+$0x0] =	vst.idx.msk $0xffff, v11  }
0x303: {  	v5 =	vld.idx.msk [tilespmem:v5+s13+$0x0], $0xffff;
	v9 =	vadd.f32 v23, v51;
	v23 =	vor.u32 v7, v22;
	[tilespmem:v24+s17+$0x0] =	vst.idx.msk $0xffff, v2  }
0x304: {  	v3 =	vor.u32 v10, v60;
	v6 =	vld.idx.msk [tilespmem:v6+s13+$0x0], $0xffff;
	[tilespmem:v18+s17+$0x0] =	vst.idx.msk $0xffff, v4  }
0x305: {  	v21 =	vor.u32 v10, v25;
	v11 =	vadd.s32 s18, v47;
	v15 =	vld.idx.msk [tilespmem:v20+s13+$0x0], $0xffff;
	[tilespmem:v17+s17+$0x0] =	vst.idx.msk $0xffff, v9  }
0x306: {  	v46 =	vor.u32 v29, v62;
	v44 =	vor.u32 v29, v58;
	v19 =	vor.u32 v29, v56;
	v29 =	vld [tilespmem:$0x1FFC0];
	_ =	sdelay $0x1  }
0x307: {  	v55 =	vadd.s32 s19, v47;
	v5 =	vadd.f32 v5, v48;
	v9 =	vld.idx.msk [tilespmem:v23+s13+$0x0], $0xffff  }
0x308: {  	v20 =	vor.u32 v7, v19;
	v18 =	vadd.s32 s21, v47;
	v3 =	vld.idx.msk [tilespmem:v3+s13+$0x0], $0xffff  }
0x309: {  	v17 =	vld.idx.msk [tilespmem:v21+s13+$0x0], $0xffff;
	[tilespmem:v11+s17+$0x0] =	vst.idx.msk $0xffff, v5;
	v5 =	vadd.f32 v15, v48;
	v15 =	vadd.s32 s5, v0  }
0x30a: {  	v4 =	vor.u32 v7, v44;
	v6 =	vadd.f32 v6, v48;
	v21 =	vadd.s32 s9, v29  }
0x30b: {  	v59 =	vor.u32 v10, v22;
	v23 =	vadd.s32 s14, v29  }
0x30c: {  	[tilespmem:v55+s17+$0x0] =	vst.idx.msk $0xffff, v6;
	v9 =	vadd.f32 v9, v51  }
0x30d: {  	v24 =	vor.u32 v7, v46;
	v26 =	vld [tilespmem:$0x1FED0];
	[tilespmem:v18+s17+$0x0] =	vst.idx.msk $0xffff, v5;
	v3 =	vadd.f32 v3, v50  }
0x30e: {  	v20 =	vld.idx.msk [tilespmem:v20+s13+$0x0], $0xffff;
	v17 =	vadd.f32 v17, v50;
	[tilespmem:v15+s17+$0x0] =	vst.idx.msk $0xffff, v9  }
0x30f: {  	v11 =	vor.u32 v12, v60;
	v4 =	vld.idx.msk [tilespmem:v4+s13+$0x0], $0xffff;
	[tilespmem:v21+s17+$0x0] =	vst.idx.msk $0xffff, v3  }
0x310: {  	[tilespmem:v23+s17+$0x0] =	vst.idx.msk $0xffff, v17;
	v17 =	vld.idx.msk [tilespmem:v59+s13+$0x0], $0xffff  }
0x311: {  	v5 =	vor.u32 v12, v25;
	v59 =	vld [tilespmem:$0x1FF80]  }
0x312: {  	v18 =	vor.u32 s18, v0;
	v24 =	vld.idx.msk [tilespmem:v24+s13+$0x0], $0xffff  }
0x313: {  	v47 =	vor.u32 v10, v19;
	v55 =	vadd.s32 s19, v0  }
0x314: {  	v16 =	vadd.f32 v16, v51;
	v6 =	vor.u32 s8, v26;
	v11 =	vld.idx.msk [tilespmem:v11+s13+$0x0], $0xffff  }
0x315: {  	v9 =	vadd.f32 v20, v51;
	v3 =	vor.u32 v10, v44;
	v21 =	vor.u32 s21, v0  }
0x316: {  	v15 =	vor.u32 v10, v46;
	v4 =	vadd.f32 v4, v51;
	v5 =	vld.idx.msk [tilespmem:v5+s13+$0x0], $0xffff;
	v20 =	vadd.s32 s9, v59  }
0x317: {  	[tilespmem:v18+s17+$0x0] =	vst.idx.msk $0xffff, v9;
	v9 =	vadd.f32 v24, v51;
	v18 =	vor.u32 v14, v60;
	v24 =	vadd.s32 s5, v29  }
0x318: {  	[tilespmem:v55+s17+$0x0] =	vst.idx.msk $0xffff, v4;
	v23 =	vld.idx.msk [tilespmem:v47+s13+$0x0], $0xffff  }
0x319: {  	v60 =	vor.u32 v12, v22;
	[tilespmem:v6+s17+$0x0] =	vst.idx.msk $0xffff, v16;
	v4 =	vadd.s32 s14, v59;
	v11 =	vadd.f32 v11, v49  }
0x31a: {  	v3 =	vld.idx.msk [tilespmem:v3+s13+$0x0], $0xffff;
	[tilespmem:v21+s17+$0x0] =	vst.idx.msk $0xffff, v9;
	v21 =	vadd.s32 s18, v29;
	v16 =	vadd.f32 v17, v50  }
0x31b: {  	v6 =	vor.u32 v12, v19;
	v9 =	vor.u32 v14, v25;
	v15 =	vld.idx.msk [tilespmem:v15+s13+$0x0], $0xffff;
	[tilespmem:v20+s17+$0x0] =	vst.idx.msk $0xffff, v11  }
0x31c: {  	v17 =	vadd.s32 s19, v29;
	v5 =	vadd.f32 v5, v49;
	[tilespmem:v24+s17+$0x0] =	vst.idx.msk $0xffff, v16;
	v18 =	vld.idx.msk [tilespmem:v18+s13+$0x0], $0xffff  }
0x31d: {  	v23 =	vadd.f32 v23, v50;
	v11 =	vadd.s32 s21, v29;
	v20 =	vor.u32 v12, v44;
	v0 =	vld [tilespmem:$0x1FFB0]  }
0x31e: {  	[tilespmem:v4+s17+$0x0] =	vst.idx.msk $0xffff, v5;
	v4 =	vld.idx.msk [tilespmem:v60+s13+$0x0], $0xffff  }
0x31f: {  	v3 =	vadd.f32 v3, v50;
	v60 =	vld [tilespmem:$0x1FF10];
	[tilespmem:v21+s17+$0x0] =	vst.idx.msk $0xffff, v23  }
0x320: {  	v15 =	vadd.f32 v15, v50;
	v6 =	vld.idx.msk [tilespmem:v6+s13+$0x0], $0xffff  }
0x321: {  	v5 =	vld.idx.msk [tilespmem:v9+s13+$0x0], $0xffff;
	v23 =	vadd.s32 s5, v59;
	[tilespmem:v17+s17+$0x0] =	vst.idx.msk $0xffff, v3  }
0x322: {  	[tilespmem:v11+s17+$0x0] =	vst.idx.msk $0xffff, v15;
	v11 =	vld.idx.msk [tilespmem:v20+s13+$0x0], $0xffff;
	v20 =	vadd.s32 s18, v59  }
0x323: {  	v16 =	vor.u32 v12, v46;
	v24 =	vadd.s32 s9, v0  }
0x324: {  	v13 =	vor.u32 v10, v57;
	v3 =	vadd.s32 s14, v0;
	v4 =	vadd.f32 v4, v49  }
0x325: {  	v9 =	vor.u32 v60, v52;
	v6 =	vadd.f32 v6, v49  }
0x326: {  	v18 =	vadd.f32 v18, v48;
	v21 =	vor.u32 v7, v9;
	[tilespmem:v23+s17+$0x0] =	vst.idx.msk $0xffff, v4  }
0x327: {  	v17 =	vor.u32 v14, v22;
	v5 =	vadd.f32 v5, v48;
	[tilespmem:v20+s17+$0x0] =	vst.idx.msk $0xffff, v6  }
0x328: {  	v16 =	vld.idx.msk [tilespmem:v16+s13+$0x0], $0xffff;
	[tilespmem:v24+s17+$0x0] =	vst.idx.msk $0xffff, v18  }
0x329: {  	v13 =	vld.idx.msk [tilespmem:v13+s13+$0x0], $0xffff;
	v19 =	vor.u32 v14, v19;
	v22 =	vadd.s32 s19, v59;
	[tilespmem:v3+s17+$0x0] =	vst.idx.msk $0xffff, v5  }
0x32a: {  	v18 =	vor.u32 v14, v44;
	v24 =	vadd.s32 s21, v59;
	v55 =	vld [tilespmem:$0x1FFA0]  }
0x32b: {  	v15 =	vor.u32 v60, v53;
	v21 =	vld.idx.msk [tilespmem:v21+s13+$0x0], $0xffff  }
0x32c: {  	v23 =	vor.u32 v7, v15;
	v3 =	vld.idx.msk [tilespmem:v17+s13+$0x0], $0xffff;
	v5 =	vadd.f32 v11, v49  }
0x32d: {  	v4 =	vor.u32 v14, v46;
	v11 =	vadd.s32 s12, v28;
	v6 =	vadd.f32 v16, v49  }
0x32e: {  	v20 =	vadd.s32 s5, v0;
	v19 =	vld.idx.msk [tilespmem:v19+s13+$0x0], $0xffff;
	[tilespmem:v22+s17+$0x0] =	vst.idx.msk $0xffff, v5  }
0x32f: {  	v13 =	vadd.f32 v13, v50;
	[tilespmem:v24+s17+$0x0] =	vst.idx.msk $0xffff, v6;
	v6 =	vld.idx.msk [tilespmem:v18+s13+$0x0], $0xffff;
	v16 =	vadd.s32 s9, v55  }
0x330: {  	v25 =	vor.u32 v60, v54;
	v18 =	vadd.f32 v21, v51;
	v21 =	vadd.s32 s18, v0  }
0x331: {  	v44 =	vadd.s32 s19, v0;
	v22 =	vor.u32 v7, v25;
	v23 =	vld.idx.msk [tilespmem:v23+s13+$0x0], $0xffff;
	v3 =	vadd.f32 v3, v48  }
0x332: {  	v45 =	vor.u32 v60, v58;
	v5 =	vor.u32 v60, v56;
	[tilespmem:v11+s17+$0x0] =	vst.idx.msk $0xffff, v13;
	v4 =	vld.idx.msk [tilespmem:v4+s13+$0x0], $0xffff  }
0x333: {  	v24 =	vor.u32 v7, v5;
	v19 =	vadd.f32 v19, v48;
	[tilespmem:v20+s17+$0x0] =	vst.idx.msk $0xffff, v3  }
0x334: {  	v46 =	vor.u32 v7, v45;
	v11 =	vadd.s32 s21, v0;
	v6 =	vadd.f32 v6, v48;
	[tilespmem:v16+s17+$0x0] =	vst.idx.msk $0xffff, v18  }
0x335: {  	v17 =	vor.u32 v10, v9;
	v47 =	vor.u32 s14, v55;
	[tilespmem:v21+s17+$0x0] =	vst.idx.msk $0xffff, v19  }
0x336: {  	v16 =	vld.idx.msk [tilespmem:v22+s13+$0x0], $0xffff;
	[tilespmem:v44+s17+$0x0] =	vst.idx.msk $0xffff, v6  }
0x337: {  	v4 =	vadd.f32 v4, v48;
	v19 =	vadd.f32 v23, v51;
	v23 =	vld [tilespmem:$0x1FF70]  }
0x338: {  	v13 =	vor.u32 v60, v62;
	v0 =	vmov v55;
	v22 =	vld.idx.msk [tilespmem:v24+s13+$0x0], $0xffff  }
0x339: {  	v20 =	vor.u32 v10, v15;
	v55 =	vmov v0;
	v21 =	vadd.s32 s5, v0;
	[tilespmem:v11+s17+$0x0] =	vst.idx.msk $0xffff, v4;
	v4 =	vld.idx.msk [tilespmem:v46+s13+$0x0], $0xffff  }
0x33a: {  	v3 =	vor.u32 v7, v13;
	v17 =	vld.idx.msk [tilespmem:v17+s13+$0x0], $0xffff;
	[tilespmem:v47+s17+$0x0] =	vst.idx.msk $0xffff, v19;
	v19 =	vor.u32 s18, v55  }
0x33b: {  	v29 =	vmov v61;
	v18 =	vor.u32 v12, v61;
	v61 =	vadd.s32 s19, v55  }
0x33c: {  	v2 =	vor.u32 v12, v57;
	v16 =	vadd.f32 v16, v51;
	v6 =	vadd.s32 s9, v23  }
0x33d: {  	v22 =	vadd.f32 v22, v51  }
0x33e: {  	v24 =	vor.u32 v10, v5;
	v20 =	vld.idx.msk [tilespmem:v20+s13+$0x0], $0xffff;
	[tilespmem:v21+s17+$0x0] =	vst.idx.msk $0xffff, v16;
	v4 =	vadd.f32 v4, v51  }
0x33f: {  	v0 =	vor.u32 v10, v25;
	v3 =	vld.idx.msk [tilespmem:v3+s13+$0x0], $0xffff;
	v17 =	vadd.f32 v17, v50;
	[tilespmem:v19+s17+$0x0] =	vst.idx.msk $0xffff, v22  }
0x340: {  	v1 =	vld.idx.msk [tilespmem:v1+s13+$0x0], $0xffff;
	v11 =	vor.u32 v12, v9;
	v46 =	vor.u32 s21, v55;
	v55 =	vadd.s32 s14, v23;
	[tilespmem:v61+s17+$0x0] =	vst.idx.msk $0xffff, v4  }
0x341: {  	v2 =	vld.idx.msk [tilespmem:v2+s13+$0x0], $0xffff;
	v47 =	vor.u32 v10, v45;
	[tilespmem:v6+s17+$0x0] =	vst.idx.msk $0xffff, v17  }
0x342: {  	v16 =	vor.u32 v10, v13;
	v61 =	vld [tilespmem:$0x1FE40]  }
0x343: {  	v17 =	vadd.f32 v20, v50;
	v20 =	vld.idx.msk [tilespmem:v24+s13+$0x0], $0xffff  }
0x344: {  	v21 =	vor.u32 v12, v15;
	v3 =	vadd.f32 v3, v51;
	v6 =	vld.idx.msk [tilespmem:v0+s13+$0x0], $0xffff  }
0x345: {  	v11 =	vld.idx.msk [tilespmem:v11+s13+$0x0], $0xffff;
	[tilespmem:v55+s17+$0x0] =	vst.idx.msk $0xffff, v17;
	v17 =	vadd.s32 s18, v23  }
0x346: {  	v19 =	vadd.s32 s5, v23;
	v24 =	vor.u32 v12, v5;
	[tilespmem:v46+s17+$0x0] =	vst.idx.msk $0xffff, v3;
	v3 =	vld.idx.msk [tilespmem:v47+s13+$0x0], $0xffff  }
0x347: {  	v22 =	vor.u32 v12, v25;
	v16 =	vld.idx.msk [tilespmem:v16+s13+$0x0], $0xffff;
	v4 =	vadd.s32 s9, v61  }
0x348: {  	v9 =	vor.u32 v14, v9;
	v44 =	vadd.s32 s19, v23;
	v20 =	vadd.f32 v20, v50  }
0x349: {  	v46 =	vadd.s32 s21, v23;
	v47 =	vor.u32 v12, v45;
	v21 =	vld.idx.msk [tilespmem:v21+s13+$0x0], $0xffff;
	v6 =	vadd.f32 v6, v50  }
0x34a: {  	v1 =	vadd.f32 v1, v50;
	v11 =	vadd.f32 v11, v49;
	v55 =	vadd.s32 s14, v61;
	[tilespmem:v17+s17+$0x0] =	vst.idx.msk $0xffff, v20  }
0x34b: {  	v3 =	vadd.f32 v3, v50;
	[tilespmem:v19+s17+$0x0] =	vst.idx.msk $0xffff, v6;
	v6 =	vor.u32 v12, v13;
	v19 =	vld.idx.msk [tilespmem:v24+s13+$0x0], $0xffff  }
0x34c: {  	v2 =	vadd.f32 v2, v49;
	[tilespmem:v4+s17+$0x0] =	vst.idx.msk $0xffff, v11;
	v4 =	vld.idx.msk [tilespmem:v22+s13+$0x0], $0xffff;
	v11 =	vadd.f32 v16, v50  }
0x34d: {  	v15 =	vor.u32 v14, v15;
	v0 =	vadd.s32 s8, v28;
	[tilespmem:v44+s17+$0x0] =	vst.idx.msk $0xffff, v3;
	v9 =	vld.idx.msk [tilespmem:v9+s13+$0x0], $0xffff  }
0x34e: {  	v17 =	vadd.s32 s5, v61;
	v16 =	vadd.f32 v21, v49;
	[tilespmem:v46+s17+$0x0] =	vst.idx.msk $0xffff, v11;
	v11 =	vld.idx.msk [tilespmem:v47+s13+$0x0], $0xffff  }
0x34f: {  	v5 =	vor.u32 v14, v5;
	v20 =	vor.u32 v14, v25;
	v25 =	vor.u32 v14, v45;
	v46 =	vld [tilespmem:$0x1FE70]  }
0x350: {  	v23 =	vadd.s32 s21, v61;
	v3 =	vor.u32 v8, v52;
	[tilespmem:v55+s17+$0x0] =	vst.idx.msk $0xffff, v16;
	v16 =	vadd.s32 s18, v61;
	v6 =	vld.idx.msk [tilespmem:v6+s13+$0x0], $0xffff  }
0x351: {  	v24 =	vadd.s32 s19, v61;
	v22 =	vor.u32 v7, v3;
	v4 =	vadd.f32 v4, v49  }
0x352: {  	v19 =	vadd.f32 v19, v49;
	[tilespmem:v0+s17+$0x0] =	vst.idx.msk $0xffff, v1;
	v1 =	vor.u32 v8, v53;
	v15 =	vld.idx.msk [tilespmem:v15+s13+$0x0], $0xffff  }
0x353: {  	v0 =	vor.u32 v8, v62;
	v18 =	vld.idx.msk [tilespmem:v18+s13+$0x0], $0xffff;
	[tilespmem:v17+s17+$0x0] =	vst.idx.msk $0xffff, v4;
	v4 =	vor.u32 v14, v13  }
0x354: {  	v9 =	vadd.f32 v9, v48;
	v11 =	vadd.f32 v11, v49;
	v21 =	vadd.s32 s12, v46;
	v20 =	vld.idx.msk [tilespmem:v20+s13+$0x0], $0xffff  }
0x355: {  	v13 =	vadd.s32 s9, v63;
	v17 =	vor.u32 v7, v1;
	[tilespmem:v16+s17+$0x0] =	vst.idx.msk $0xffff, v19;
	v6 =	vadd.f32 v6, v49  }
0x356: {  	v55 =	vadd.s32 s14, v63;
	v16 =	vor.u32 v8, v54;
	v19 =	vadd.s32 s5, v63;
	v5 =	vld.idx.msk [tilespmem:v5+s13+$0x0], $0xffff;
	[tilespmem:v24+s17+$0x0] =	vst.idx.msk $0xffff, v11  }
0x357: {  	v15 =	vadd.f32 v15, v48;
	v24 =	vor.u32 v8, v56;
	[tilespmem:v23+s17+$0x0] =	vst.idx.msk $0xffff, v6;
	v6 =	vld.idx.msk [tilespmem:v25+s13+$0x0], $0xffff  }
0x358: {  	v23 =	vor.u32 v7, v16;
	v25 =	vadd.s32 s18, v63;
	v61 =	vor.u32 v7, v24;
	v4 =	vld.idx.msk [tilespmem:v4+s13+$0x0], $0xffff  }
0x359: {  	[tilespmem:v21+s17+$0x0] =	vst.idx.msk $0xffff, v2;
	v2 =	vadd.f32 v20, v48;
	v20 =	vor.u32 v8, v58;
	v21 =	vadd.s32 s19, v63  }
0x35a: {  	v11 =	vadd.s32 s8, v46;
	[tilespmem:v13+s17+$0x0] =	vst.idx.msk $0xffff, v9;
	v13 =	vadd.s32 s21, v63;
	v9 =	vor.u32 v7, v20  }
0x35b: {  	[tilespmem:v55+s17+$0x0] =	vst.idx.msk $0xffff, v15;
	v15 =	vld.idx.msk [tilespmem:v22+s13+$0x0], $0xffff;
	v22 =	vor.u32 v7, v0;
	v5 =	vadd.f32 v5, v48  }
0x35c: {  	v18 =	vadd.f32 v18, v49;
	v17 =	vld.idx.msk [tilespmem:v17+s13+$0x0], $0xffff;
	[tilespmem:v19+s17+$0x0] =	vst.idx.msk $0xffff, v2;
	v2 =	vadd.f32 v6, v48  }
0x35d: {  	v6 =	vadd.s32 s9, v26;
	[tilespmem:v25+s17+$0x0] =	vst.idx.msk $0xffff, v5;
	v5 =	vld.idx.msk [tilespmem:v23+s13+$0x0], $0xffff;
	v4 =	vadd.f32 v4, v48  }
0x35e: {  	v19 =	vor.u32 v10, v3;
	v23 =	vor.u32 s14, v26;
	v25 =	vld.idx.msk [tilespmem:v61+s13+$0x0], $0xffff;
	[tilespmem:v21+s17+$0x0] =	vst.idx.msk $0xffff, v2  }
0x35f: {  	v2 =	vor.u32 v10, v1;
	v21 =	vadd.s32 s5, v26;
	[tilespmem:v13+s17+$0x0] =	vst.idx.msk $0xffff, v4;
	v4 =	vld.idx.msk [tilespmem:v9+s13+$0x0], $0xffff  }
0x360: {  	v9 =	vadd.f32 v15, v51;
	v13 =	vor.u32 v10, v16;
	v15 =	vor.u32 s18, v26;
	v22 =	vld.idx.msk [tilespmem:v22+s13+$0x0], $0xffff  }
0x361: {  	[tilespmem:v11+s17+$0x0] =	vst.idx.msk $0xffff, v18;
	v18 =	vadd.s32 s19, v26;
	v11 =	vadd.f32 v17, v51;
	v17 =	vor.u32 v10, v24  }
0x362: {  	[tilespmem:v6+s17+$0x0] =	vst.idx.msk $0xffff, v9;
	v5 =	vadd.f32 v5, v51;
	v6 =	vor.u32 v10, v20;
	v9 =	vor.u32 s21, v26  }
0x363: {  	[tilespmem:v23+s17+$0x0] =	vst.idx.msk $0xffff, v11;
	v23 =	vor.u32 v10, v0;
	v11 =	vld.idx.msk [tilespmem:v19+s13+$0x0], $0xffff;
	v19 =	vadd.f32 v25, v51  }
0x364: {  	v25 =	vor.u32 v14, v57;
	v2 =	vld.idx.msk [tilespmem:v2+s13+$0x0], $0xffff;
	[tilespmem:v21+s17+$0x0] =	vst.idx.msk $0xffff, v5;
	v4 =	vadd.f32 v4, v51  }
0x365: {  	v5 =	vadd.s32 s9, v28;
	[tilespmem:v15+s17+$0x0] =	vst.idx.msk $0xffff, v19;
	v13 =	vld.idx.msk [tilespmem:v13+s13+$0x0], $0xffff;
	v15 =	vadd.f32 v22, v51  }
0x366: {  	v21 =	vor.u32 v12, v3;
	v19 =	vadd.s32 s14, v28;
	v17 =	vld.idx.msk [tilespmem:v17+s13+$0x0], $0xffff;
	[tilespmem:v18+s17+$0x0] =	vst.idx.msk $0xffff, v4  }
0x367: {  	v4 =	vor.u32 v12, v1;
	v18 =	vadd.s32 s5, v28;
	[tilespmem:v9+s17+$0x0] =	vst.idx.msk $0xffff, v15;
	v6 =	vld.idx.msk [tilespmem:v6+s13+$0x0], $0xffff  }
0x368: {  	v9 =	vadd.f32 v11, v50;
	v11 =	vadd.s32 s18, v28;
	v15 =	vor.u32 v12, v16;
	v22 =	vld.idx.msk [tilespmem:v23+s13+$0x0], $0xffff  }
0x369: {  	v63 =	vadd.s32 s19, v28;
	v23 =	vld.idx.msk [tilespmem:v25+s13+$0x0], $0xffff;
	v2 =	vadd.f32 v2, v50;
	v25 =	vor.u32 v12, v24  }
0x36a: {  	[tilespmem:v5+s17+$0x0] =	vst.idx.msk $0xffff, v9;
	v5 =	vadd.f32 v13, v50;
	v9 =	vadd.s32 s21, v28  }
0x36b: {  	v13 =	vor.u32 v12, v20;
	[tilespmem:v19+s17+$0x0] =	vst.idx.msk $0xffff, v2;
	v2 =	vld.idx.msk [tilespmem:v21+s13+$0x0], $0xffff;
	v17 =	vadd.f32 v17, v50  }
0x36c: {  	v19 =	vor.u32 v12, v0;
	v4 =	vld.idx.msk [tilespmem:v4+s13+$0x0], $0xffff;
	[tilespmem:v18+s17+$0x0] =	vst.idx.msk $0xffff, v5;
	v5 =	vadd.f32 v6, v50  }
0x36d: {  	v8 =	vor.u32 v14, v29;
	[tilespmem:v11+s17+$0x0] =	vst.idx.msk $0xffff, v17;
	v11 =	vld.idx.msk [tilespmem:v15+s13+$0x0], $0xffff  }
0x36e: {  	v6 =	vadd.s32 s9, v46;
	v15 =	vadd.f32 v22, v50;
	v18 =	vld.idx.msk [tilespmem:v25+s13+$0x0], $0xffff;
	[tilespmem:v63+s17+$0x0] =	vst.idx.msk $0xffff, v5  }
0x36f: {  	v3 =	vor.u32 v14, v3;
	v1 =	vor.u32 v14, v1;
	v17 =	vadd.s32 s14, v46;
	v25 =	vld [tilespmem:$0x1FE80]  }
0x370: {  	v21 =	vadd.s32 s5, v46;
	v0 =	vor.u32 v14, v0;
	[tilespmem:v9+s17+$0x0] =	vst.idx.msk $0xffff, v15;
	v9 =	vld.idx.msk [tilespmem:v13+s13+$0x0], $0xffff  }
0x371: {  	v2 =	vadd.f32 v2, v49;
	v13 =	vor.u32 v14, v16;
	v15 =	vadd.s32 s18, v46;
	v16 =	vld.idx.msk [tilespmem:v19+s13+$0x0], $0xffff  }
0x372: {  	v8 =	vld.idx.msk [tilespmem:v8+s13+$0x0], $0xffff;
	v22 =	vadd.s32 s19, v46;
	v4 =	vadd.f32 v4, v49;
	v19 =	vor.u32 v14, v24  }
0x373: {  	[tilespmem:v6+s17+$0x0] =	vst.idx.msk $0xffff, v2;
	v2 =	vadd.f32 v11, v49;
	v6 =	vor.u32 v14, v20;
	v11 =	vadd.s32 s21, v46  }
0x374: {  	[tilespmem:v17+s17+$0x0] =	vst.idx.msk $0xffff, v4;
	v3 =	vld.idx.msk [tilespmem:v3+s13+$0x0], $0xffff;
	v4 =	vadd.f32 v18, v49;
	v5 =	vadd.s32 s12, v25  }
0x375: {  	v1 =	vld.idx.msk [tilespmem:v1+s13+$0x0], $0xffff;
	[tilespmem:v21+s17+$0x0] =	vst.idx.msk $0xffff, v2;
	v17 =	vadd.s32 s8, v25;
	v2 =	vadd.f32 v9, v49  }
0x376: {  	v9 =	vadd.s32 s9, v25;
	[tilespmem:v15+s17+$0x0] =	vst.idx.msk $0xffff, v4;
	v4 =	vld.idx.msk [tilespmem:v13+s13+$0x0], $0xffff;
	v13 =	vadd.f32 v16, v49  }
0x377: {  	v15 =	vadd.f32 v23, v48;
	v16 =	vadd.s32 s14, v25;
	v18 =	vld.idx.msk [tilespmem:v19+s13+$0x0], $0xffff;
	[tilespmem:v22+s17+$0x0] =	vst.idx.msk $0xffff, v2  }
0x378: {  	v2 =	vadd.f32 v8, v48;
	v8 =	vadd.s32 s5, v25;
	[tilespmem:v11+s17+$0x0] =	vst.idx.msk $0xffff, v13;
	v6 =	vld.idx.msk [tilespmem:v6+s13+$0x0], $0xffff  }
0x379: {  	v3 =	vadd.f32 v3, v48;
	v0 =	vld.idx.msk [tilespmem:v0+s13+$0x0], $0xffff;
	[tilespmem:v5+s17+$0x0] =	vst.idx.msk $0xffff, v15;
	v5 =	vadd.s32 s18, v25  }
0x37a: {  	v1 =	vadd.f32 v1, v48;
	[tilespmem:v17+s17+$0x0] =	vst.idx.msk $0xffff, v2;
	v2 =	vadd.s32 s19, v25  }
0x37b: {  	[tilespmem:v9+s17+$0x0] =	vst.idx.msk $0xffff, v3;
	v3 =	vadd.f32 v4, v48;
	v4 =	vadd.s32 s21, v25  }
0x37c: {  	[tilespmem:v16+s17+$0x0] =	vst.idx.msk $0xffff, v1;
	v1 =	vadd.f32 v18, v48  }
0x37d: {  	s9 =	sshll.u32 s6, $0x13;
	[tilespmem:v8+s17+$0x0] =	vst.idx.msk $0xffff, v3;
	v3 =	vadd.f32 v6, v48  }
0x37e: {  	s5 =	sor.u32 s7, s9;
	v0 =	vadd.f32 v0, v48;
	[tilespmem:v5+s17+$0x0] =	vst.idx.msk $0xffff, v1  }
0x37f: {  	s5 =	sshrl.u32 s5, $0x3;
	[tilespmem:v2+s17+$0x0] =	vst.idx.msk $0xffff, v3  }
0x380: {  	s5 =	sadd.s32 s1, s5;
	[tilespmem:v4+s17+$0x0] =	vst.idx.msk $0xffff, v0  }
0x381: {  	[hbm4b:s5+s3] =	stream.linear.scatter [tilespmem:s17], [sflag:$0x3], $0x400, $0x38;
	[tilespmem:$0x15680] =	vst v63  }
0x382: {  	s14 =	simm.s32 $0x11A08;
	s12 =	sadd.s32 $0x1000, s5  }
0x383: {  	[hbm4b:s12+s3] =	stream.linear.scatter [tilespmem:s14], [sflag:$0x3], $0x400, $0x38;
	[tilespmem:$0x15680] =	vst v63  }
0x384: {  	s18 =	sadd.s32 $0x2000, s5;
	s19 =	simm.s32 $0x11E10  }
0x385: {  	[hbm4b:s18+s3] =	stream.linear.scatter [tilespmem:s19], [sflag:$0x3], $0x400, $0x38;
	[tilespmem:$0x15680] =	vst v63  }
0x386: {  	s22 =	simm.s32 $0x12218;
	s21 =	sadd.s32 $0x3000, s5  }
0x387: {  	[hbm4b:s21+s3] =	stream.linear.scatter [tilespmem:s22], [sflag:$0x3], $0x400, $0x38;
	[tilespmem:$0x15680] =	vst v63  }
0x388: {  	s9 =	sadd.s32 $0x4000, s5;
	s12 =	simm.s32 $0x12620  }
0x389: {  	[hbm4b:s9+s3] =	stream.linear.scatter [tilespmem:s12], [sflag:$0x3], $0x400, $0x38;
	[tilespmem:$0x15680] =	vst v63  }
0x38a: {  	s14 =	sadd.s32 $0x5000, s5;
	s18 =	simm.s32 $0x12A28  }
0x38b: {  	[hbm4b:s14+s3] =	stream.linear.scatter [tilespmem:s18], [sflag:$0x3], $0x400, $0x38;
	[tilespmem:$0x15680] =	vst v63  }
0x38c: {  	s19 =	sadd.s32 $0x6000, s5  }
0x38d: {  	[hbm4b:s19+s3] =	stream.linear.scatter [tilespmem:s23], [sflag:$0x3], $0x400, $0x38;
	[tilespmem:$0x15680] =	vst v63  }
0x38e: {  	p1 =	seq.s32 s6, $0x63;
	s5 =	sadd.s32 $0x7000, s5  }
0x38f: {  	[hbm4b:s5+s3] =	stream.linear.scatter [tilespmem:s24], [sflag:$0x3], $0x400, $0x38;
	[tilespmem:$0x15680] =	vst v63  }
0x390: {  	s5 =	sshll.u32 @!p1 s6, $0x8  }
0x391: {  	s5 =	sand.u32 @!p1 $0x3FFFFF00, s5  }
0x392: {  	s8 =	simm.s32 @!p1 $0x80;
	s9 =	simm.s32 @!p1 $0x9600;
	s5 =	sadd.s32 @!p1 $0x3300, s5  }
0x393: {  	[tilespmem:s9], [sflag:$0x1] =	stream.indirect.gather @!p1 [hbm4b:s4+s8], $0x80, s5, s8, $0xb8;
	[tilespmem:$0x15680] =	vst v63  }
0x394: {  	_ =	swait.ge [sflag:s25], $0x4000  }
0x395: {  	[sflag:s25] =	ssyncset.done $0x0  }
0x396: {  	s5 =	simm.s32 @!p0 $0x4;
	[sflag:s25] =	ssyncadd.s32 $0xFFFFC000  }
0x397: {  	v44 =	vld [tilespmem:$0x1FE90];
	_ =	swait.ge @!p0 [sflag:s5], $0x2000  }
0x398: {  	v21 =	vld [tilespmem:$0x1FE20];
	_ =	sdelay $0x1  }
0x399: {  	s12 =	simm.s32 $0x8;
	s14 =	simm.s32 $0x0  }
0x39a: {  	v0 =	vmov s12;
	v1 =	vmov s14  }
0x39b: {  	v57 =	vshll.u32 v0, $0x7;
	v55 =	vshll.u32 v1, $0x7  }
0x39c: {  	v0 =	vor.u32 v44, v57;
	v1 =	vor.u32 v21, v55  }
0x39d: {  	s8 =	sor.u32 $0x1, s20;
	v2 =	vor.u32 v7, v1  }
0x39e: {  	s21 =	sshll.u32 s8, $0x6;
	[sflag:s5] =	ssyncset.done @!p0 $0x0  }
0x39f: {  	s22 =	sand.u32 $0x3FFFFFC0, s21;
	v22 =	vld [tilespmem:$0x1FEA0];
	[sflag:s5] =	ssyncadd.s32 @!p0 $0xFFFFE000  }
0x3a0: {  	v51 =	vld [tilespmem:s22+$0x0]  }
0x3a1: {  	v0 =	vld.idx.msk [tilespmem:v0+s15+$0x0], $0xffff  }
0x3a2: {  	v2 =	vld.idx.msk [tilespmem:v2+s15+$0x0], $0xffff  }
0x3a3: {  	v3 =	vadd.s32 s12, v34  }
0x3a4: {  	v5 =	vor.u32 s14, v34;
	_ =	sdelay $0x1  }
0x3a5: {  	v50 =	vld [tilespmem:s22+$0x10];
	v0 =	vadd.f32 v0, v51  }
0x3a6: {  	v49 =	vld [tilespmem:s22+$0x20];
	v4 =	vor.u32 v22, v57;
	v2 =	vadd.f32 v2, v51  }
0x3a7: {  	v48 =	vld [tilespmem:s22+$0x30];
	[tilespmem:v3+s26+$0x0] =	vst.idx.msk $0xffff, v0  }
0x3a8: {  	[tilespmem:v5+s26+$0x0] =	vst.idx.msk $0xffff, v2  }
0x3a9: {  	v58 =	vmov v26;
	v6 =	vor.u32 v10, v1;
	v26 =	vld [tilespmem:$0x1FEB0];
	_ =	sdelay $0x1  }
0x3aa: {  	v0 =	vld.idx.msk [tilespmem:v4+s15+$0x0], $0xffff;
	_ =	sdelay $0x1  }
0x3ab: {  	v3 =	vadd.s32 s12, v35  }
0x3ac: {  	v4 =	vld.idx.msk [tilespmem:v6+s15+$0x0], $0xffff;
	v2 =	vor.u32 v26, v57;
	_ =	sdelay $0x1  }
0x3ad: {  	v5 =	vadd.s32 s14, v35;
	v0 =	vadd.f32 v0, v50;
	_ =	sdelay $0x1  }
0x3ae: {  	[tilespmem:v3+s26+$0x0] =	vst.idx.msk $0xffff, v0  }
0x3af: {  	v0 =	vld.idx.msk [tilespmem:v2+s15+$0x0], $0xffff;
	v2 =	vadd.f32 v4, v50;
	_ =	sdelay $0x1  }
0x3b0: {  	[tilespmem:v5+s26+$0x0] =	vst.idx.msk $0xffff, v2  }
0x3b1: {  	v6 =	vor.u32 v12, v1;
	v23 =	vld [tilespmem:$0x1FEC0];
	_ =	sdelay $0x3  }
0x3b2: {  	v3 =	vadd.s32 s12, v36  }
0x3b3: {  	v4 =	vld.idx.msk [tilespmem:v6+s15+$0x0], $0xffff;
	v2 =	vor.u32 v23, v57;
	_ =	sdelay $0x1  }
0x3b4: {  	v5 =	vadd.s32 s14, v36;
	v0 =	vadd.f32 v0, v49  }
0x3b5: {  	v1 =	vor.u32 v14, v1  }
0x3b6: {  	[tilespmem:v3+s26+$0x0] =	vst.idx.msk $0xffff, v0  }
0x3b7: {  	v0 =	vld.idx.msk [tilespmem:v2+s15+$0x0], $0xffff;
	v2 =	vadd.f32 v4, v49;
	_ =	sdelay $0x1  }
0x3b8: {  	v3 =	vor.u32 v32, v57;
	v4 =	vadd.s32 s12, v37;
	[tilespmem:v5+s26+$0x0] =	vst.idx.msk $0xffff, v2  }
0x3b9: {  	v2 =	vor.u32 v7, v3;
	v1 =	vld.idx.msk [tilespmem:v1+s15+$0x0], $0xffff;
	_ =	sdelay $0x1  }
0x3ba: {  	v6 =	vor.u32 v32, v55;
	v5 =	vadd.s32 s14, v37;
	v0 =	vadd.f32 v0, v48  }
0x3bb: {  	v8 =	vor.u32 v7, v6  }
0x3bc: {  	[tilespmem:v4+s26+$0x0] =	vst.idx.msk $0xffff, v0  }
0x3bd: {  	v0 =	vld.idx.msk [tilespmem:v2+s15+$0x0], $0xffff;
	v1 =	vadd.f32 v1, v48;
	_ =	sdelay $0x1  }
0x3be: {  	v2 =	vadd.s32 s12, v38;
	[tilespmem:v5+s26+$0x0] =	vst.idx.msk $0xffff, v1  }
0x3bf: {  	v1 =	vor.u32 v10, v3;
	v4 =	vld.idx.msk [tilespmem:v8+s15+$0x0], $0xffff;
	_ =	sdelay $0x1  }
0x3c0: {  	v5 =	vor.u32 s14, v38;
	v0 =	vadd.f32 v0, v51  }
0x3c1: {  	v8 =	vor.u32 v10, v6  }
0x3c2: {  	[tilespmem:v2+s26+$0x0] =	vst.idx.msk $0xffff, v0  }
0x3c3: {  	v0 =	vld.idx.msk [tilespmem:v1+s15+$0x0], $0xffff;
	v1 =	vadd.f32 v4, v51;
	_ =	sdelay $0x1  }
0x3c4: {  	v2 =	vadd.s32 s12, v39;
	[tilespmem:v5+s26+$0x0] =	vst.idx.msk $0xffff, v1  }
0x3c5: {  	v1 =	vor.u32 v12, v3;
	v4 =	vld.idx.msk [tilespmem:v8+s15+$0x0], $0xffff;
	_ =	sdelay $0x1  }
0x3c6: {  	v5 =	vadd.s32 s14, v39;
	v0 =	vadd.f32 v0, v50  }
0x3c7: {  	v8 =	vor.u32 v12, v6  }
0x3c8: {  	[tilespmem:v2+s26+$0x0] =	vst.idx.msk $0xffff, v0  }
0x3c9: {  	v0 =	vld.idx.msk [tilespmem:v1+s15+$0x0], $0xffff;
	v1 =	vadd.f32 v4, v50;
	_ =	sdelay $0x1  }
0x3ca: {  	v2 =	vadd.s32 s12, v40;
	[tilespmem:v5+s26+$0x0] =	vst.idx.msk $0xffff, v1  }
0x3cb: {  	v3 =	vor.u32 v14, v3;
	v1 =	vld.idx.msk [tilespmem:v8+s15+$0x0], $0xffff;
	_ =	sdelay $0x1  }
0x3cc: {  	v4 =	vadd.s32 s14, v40;
	v0 =	vadd.f32 v0, v49  }
0x3cd: {  	v5 =	vor.u32 v14, v6  }
0x3ce: {  	[tilespmem:v2+s26+$0x0] =	vst.idx.msk $0xffff, v0  }
0x3cf: {  	v0 =	vld.idx.msk [tilespmem:v3+s15+$0x0], $0xffff;
	v1 =	vadd.f32 v1, v49;
	_ =	sdelay $0x1  }
0x3d0: {  	v2 =	vadd.s32 s12, v41;
	v3 =	vor.u32 v31, v57;
	[tilespmem:v4+s26+$0x0] =	vst.idx.msk $0xffff, v1  }
0x3d1: {  	v4 =	vor.u32 v7, v3;
	v1 =	vld.idx.msk [tilespmem:v5+s15+$0x0], $0xffff;
	_ =	sdelay $0x1  }
0x3d2: {  	s9 =	simm.s32 $0x18;
	v6 =	vor.u32 v31, v55;
	v5 =	vadd.s32 s14, v41;
	v0 =	vadd.f32 v0, v48  }
0x3d3: {  	v8 =	vmov s9;
	v9 =	vor.u32 v7, v6  }
0x3d4: {  	v52 =	vshll.u32 v8, $0x7;
	[tilespmem:v2+s26+$0x0] =	vst.idx.msk $0xffff, v0  }
0x3d5: {  	s5 =	simm.s32 $0x10;
	v0 =	vor.u32 v44, v52;
	v2 =	vld.idx.msk [tilespmem:v4+s15+$0x0], $0xffff;
	v1 =	vadd.f32 v1, v48  }
0x3d6: {  	v4 =	vmov s5  }
0x3d7: {  	v8 =	vadd.s32 s12, v42;
	v53 =	vshll.u32 v4, $0x7;
	[tilespmem:v5+s26+$0x0] =	vst.idx.msk $0xffff, v1  }
0x3d8: {  	v4 =	vor.u32 v10, v3;
	v5 =	vor.u32 v21, v53;
	v1 =	vld.idx.msk [tilespmem:v9+s15+$0x0], $0xffff  }
0x3d9: {  	v9 =	vor.u32 v7, v5  }
0x3da: {  	v11 =	vor.u32 s14, v42;
	v0 =	vld.idx.msk [tilespmem:v0+s15+$0x0], $0xffff;
	v2 =	vadd.f32 v2, v51  }
0x3db: {  	v13 =	vor.u32 v10, v6  }
0x3dc: {  	v15 =	vadd.s32 s9, v34;
	[tilespmem:v8+s26+$0x0] =	vst.idx.msk $0xffff, v2  }
0x3dd: {  	v2 =	vor.u32 v22, v52;
	v4 =	vld.idx.msk [tilespmem:v4+s15+$0x0], $0xffff;
	v1 =	vadd.f32 v1, v51  }
0x3de: {  	v8 =	vld.idx.msk [tilespmem:v9+s15+$0x0], $0xffff  }
0x3df: {  	v9 =	vadd.s32 s12, v43;
	v0 =	vadd.f32 v0, v51;
	[tilespmem:v11+s26+$0x0] =	vst.idx.msk $0xffff, v1  }
0x3e0: {  	v11 =	vor.u32 v12, v3;
	v1 =	vld.idx.msk [tilespmem:v13+s15+$0x0], $0xffff;
	v13 =	vor.u32 s5, v34  }
0x3e1: {  	[tilespmem:v15+s26+$0x0] =	vst.idx.msk $0xffff, v0;
	v0 =	vor.u32 v10, v5  }
0x3e2: {  	v2 =	vld.idx.msk [tilespmem:v2+s15+$0x0], $0xffff;
	v4 =	vadd.f32 v4, v50  }
0x3e3: {  	v15 =	vadd.s32 s14, v43;
	v8 =	vadd.f32 v8, v51  }
0x3e4: {  	v17 =	vadd.s32 s9, v35;
	v16 =	vor.u32 v12, v6;
	[tilespmem:v9+s26+$0x0] =	vst.idx.msk $0xffff, v4  }
0x3e5: {  	v9 =	vld.idx.msk [tilespmem:v11+s15+$0x0], $0xffff;
	[tilespmem:v13+s26+$0x0] =	vst.idx.msk $0xffff, v8  }
0x3e6: {  	v1 =	vadd.f32 v1, v50;
	v0 =	vld.idx.msk [tilespmem:v0+s15+$0x0], $0xffff  }
0x3e7: {  	v4 =	vor.u32 v26, v52;
	v8 =	vadd.s32 s12, v33;
	v2 =	vadd.f32 v2, v50  }
0x3e8: {  	v3 =	vor.u32 v14, v3;
	v11 =	vadd.s32 s5, v35;
	[tilespmem:v15+s26+$0x0] =	vst.idx.msk $0xffff, v1  }
0x3e9: {  	v1 =	vld.idx.msk [tilespmem:v16+s15+$0x0], $0xffff;
	[tilespmem:v17+s26+$0x0] =	vst.idx.msk $0xffff, v2;
	v2 =	vor.u32 v12, v5  }
0x3ea: {  	v9 =	vadd.f32 v9, v49  }
0x3eb: {  	v0 =	vadd.f32 v0, v50  }
0x3ec: {  	v4 =	vld.idx.msk [tilespmem:v4+s15+$0x0], $0xffff;
	[tilespmem:v8+s26+$0x0] =	vst.idx.msk $0xffff, v9  }
0x3ed: {  	v13 =	vadd.s32 s14, v33;
	v3 =	vld.idx.msk [tilespmem:v3+s15+$0x0], $0xffff;
	[tilespmem:v11+s26+$0x0] =	vst.idx.msk $0xffff, v0  }
0x3ee: {  	v15 =	vadd.s32 s9, v36;
	v0 =	vadd.f32 v1, v49;
	v1 =	vld.idx.msk [tilespmem:v2+s15+$0x0], $0xffff  }
0x3ef: {  	v6 =	vor.u32 v14, v6;
	v9 =	vadd.s32 s12, v27  }
0x3f0: {  	v8 =	vor.u32 v23, v52;
	v11 =	vadd.s32 s5, v36  }
0x3f1: {  	v4 =	vadd.f32 v4, v49  }
0x3f2: {  	v2 =	vor.u32 v30, v57;
	[tilespmem:v13+s26+$0x0] =	vst.idx.msk $0xffff, v0;
	v3 =	vadd.f32 v3, v48  }
0x3f3: {  	[tilespmem:v15+s26+$0x0] =	vst.idx.msk $0xffff, v4;
	v4 =	vor.u32 v14, v5;
	v1 =	vadd.f32 v1, v49  }
0x3f4: {  	v0 =	vld.idx.msk [tilespmem:v6+s15+$0x0], $0xffff;
	v6 =	vor.u32 v7, v2;
	[tilespmem:v9+s26+$0x0] =	vst.idx.msk $0xffff, v3  }
0x3f5: {  	v5 =	vld.idx.msk [tilespmem:v8+s15+$0x0], $0xffff;
	[tilespmem:v11+s26+$0x0] =	vst.idx.msk $0xffff, v1  }
0x3f6: {  	v13 =	vor.u32 v30, v55;
	v8 =	vadd.s32 s14, v27;
	v24 =	vld [tilespmem:$0x1FFF0]  }
0x3f7: {  	v15 =	vor.u32 v7, v13  }
0x3f8: {  	v4 =	vld.idx.msk [tilespmem:v4+s15+$0x0], $0xffff  }
0x3f9: {  	v3 =	vadd.s32 s9, v37;
	v0 =	vadd.f32 v0, v48;
	v1 =	vld.idx.msk [tilespmem:v6+s15+$0x0], $0xffff  }
0x3fa: {  	v16 =	vor.u32 v32, v52;
	v11 =	vadd.s32 s5, v37  }
0x3fb: {  	v6 =	vor.u32 v7, v16;
	[tilespmem:v8+s26+$0x0] =	vst.idx.msk $0xffff, v0;
	v9 =	vadd.s32 s12, v24  }
0x3fc: {  	v5 =	vadd.f32 v5, v48;
	v0 =	vld.idx.msk [tilespmem:v15+s15+$0x0], $0xffff;
	v15 =	vor.u32 v32, v53  }
0x3fd: {  	v17 =	vor.u32 v7, v15;
	v4 =	vadd.f32 v4, v48  }
0x3fe: {  	v8 =	vor.u32 v10, v2;
	[tilespmem:v3+s26+$0x0] =	vst.idx.msk $0xffff, v5;
	v1 =	vadd.f32 v1, v51  }
0x3ff: {  	v3 =	vor.u32 s14, v24;
	[tilespmem:v11+s26+$0x0] =	vst.idx.msk $0xffff, v4  }
0x400: {  	v5 =	vld.idx.msk [tilespmem:v6+s15+$0x0], $0xffff;
	v6 =	vor.u32 v10, v13;
	[tilespmem:v9+s26+$0x0] =	vst.idx.msk $0xffff, v1  }
0x401: {  	v45 =	vld [tilespmem:$0x1FFE0]  }
0x402: {  	v0 =	vadd.f32 v0, v51;
	v1 =	vadd.s32 s9, v38;
	v9 =	vld.idx.msk [tilespmem:v17+s15+$0x0], $0xffff  }
0x403: {  	v4 =	vld.idx.msk [tilespmem:v8+s15+$0x0], $0xffff;
	v8 =	vor.u32 v10, v16  }
0x404: {  	[tilespmem:v3+s26+$0x0] =	vst.idx.msk $0xffff, v0  }
0x405: {  	v0 =	vadd.f32 v5, v51;
	v3 =	vld.idx.msk [tilespmem:v6+s15+$0x0], $0xffff;
	v6 =	vor.u32 s5, v38  }
0x406: {  	v11 =	vadd.s32 s12, v45  }
0x407: {  	[tilespmem:v1+s26+$0x0] =	vst.idx.msk $0xffff, v0;
	v0 =	vadd.s32 s14, v45  }
0x408: {  	v1 =	vadd.f32 v4, v50;
	v4 =	vld.idx.msk [tilespmem:v8+s15+$0x0], $0xffff;
	v8 =	vadd.f32 v9, v51;
	_ =	sdelay $0x1  }
0x409: {  	v3 =	vadd.f32 v3, v50;
	[tilespmem:v6+s26+$0x0] =	vst.idx.msk $0xffff, v8  }
0x40a: {  	v5 =	vor.u32 v12, v2;
	[tilespmem:v11+s26+$0x0] =	vst.idx.msk $0xffff, v1  }
0x40b: {  	v17 =	vor.u32 v10, v15;
	[tilespmem:v0+s26+$0x0] =	vst.idx.msk $0xffff, v3  }
0x40c: {  	v9 =	vor.u32 v12, v13;
	v61 =	vld [tilespmem:$0x1FF00];
	_ =	sdelay $0x1  }
0x40d: {  	v1 =	vadd.s32 s9, v39  }
0x40e: {  	v5 =	vld.idx.msk [tilespmem:v5+s15+$0x0], $0xffff  }
0x40f: {  	v6 =	vor.u32 v12, v16;
	v8 =	vld.idx.msk [tilespmem:v17+s15+$0x0], $0xffff  }
0x410: {  	v3 =	vadd.f32 v4, v50;
	v4 =	vld.idx.msk [tilespmem:v9+s15+$0x0], $0xffff;
	v0 =	vadd.s32 s12, v61  }
0x411: {  	v9 =	vadd.s32 s5, v39  }
0x412: {  	[tilespmem:v1+s26+$0x0] =	vst.idx.msk $0xffff, v3;
	v1 =	vadd.s32 s14, v61  }
0x413: {  	v3 =	vadd.f32 v5, v49  }
0x414: {  	v5 =	vld.idx.msk [tilespmem:v6+s15+$0x0], $0xffff;
	v6 =	vadd.f32 v8, v50  }
0x415: {  	v2 =	vor.u32 v14, v2;
	[tilespmem:v0+s26+$0x0] =	vst.idx.msk $0xffff, v3;
	v3 =	vadd.f32 v4, v49  }
0x416: {  	[tilespmem:v9+s26+$0x0] =	vst.idx.msk $0xffff, v6  }
0x417: {  	v11 =	vor.u32 v12, v15;
	[tilespmem:v1+s26+$0x0] =	vst.idx.msk $0xffff, v3  }
0x418: {  	v8 =	vor.u32 v14, v13;
	v46 =	vld [tilespmem:$0x1FF30];
	_ =	sdelay $0x1  }
0x419: {  	v0 =	vadd.s32 s9, v40;
	v2 =	vld.idx.msk [tilespmem:v2+s15+$0x0], $0xffff  }
0x41a: {  	s18 =	simm.s32 $0x28;
	v47 =	vld [tilespmem:$0x1FF40]  }
0x41b: {  	v6 =	vld.idx.msk [tilespmem:v11+s15+$0x0], $0xffff;
	v4 =	vmov s18  }
0x41c: {  	v54 =	vshll.u32 v4, $0x7;
	v4 =	vadd.f32 v5, v49;
	v5 =	vld.idx.msk [tilespmem:v8+s15+$0x0], $0xffff;
	v1 =	vadd.s32 s12, v46  }
0x41d: {  	v9 =	vor.u32 v14, v16;
	v8 =	vadd.s32 s5, v40  }
0x41e: {  	v15 =	vor.u32 v14, v15;
	[tilespmem:v0+s26+$0x0] =	vst.idx.msk $0xffff, v4;
	v0 =	vadd.s32 s14, v46  }
0x41f: {  	v2 =	vadd.f32 v2, v48;
	v3 =	vor.u32 v47, v57  }
0x420: {  	v6 =	vadd.f32 v6, v49;
	v11 =	vor.u32 v7, v3  }
0x421: {  	v13 =	vor.u32 v44, v54;
	[tilespmem:v1+s26+$0x0] =	vst.idx.msk $0xffff, v2;
	v2 =	vadd.f32 v5, v48  }
0x422: {  	v9 =	vld.idx.msk [tilespmem:v9+s15+$0x0], $0xffff;
	v4 =	vor.u32 v47, v55;
	[tilespmem:v8+s26+$0x0] =	vst.idx.msk $0xffff, v6  }
0x423: {  	v16 =	vor.u32 v7, v4;
	v6 =	vld.idx.msk [tilespmem:v15+s15+$0x0], $0xffff;
	[tilespmem:v0+s26+$0x0] =	vst.idx.msk $0xffff, v2  }
0x424: {  	v28 =	vld [tilespmem:$0x1FEF0]  }
0x425: {  	v17 =	vadd.s32 s9, v41;
	v5 =	vld.idx.msk [tilespmem:v11+s15+$0x0], $0xffff  }
0x426: {  	v11 =	vld.idx.msk [tilespmem:v13+s15+$0x0], $0xffff  }
0x427: {  	v15 =	vadd.s32 s5, v41  }
0x428: {  	v18 =	vadd.s32 s18, v34;
	v9 =	vadd.f32 v9, v48;
	v13 =	vld.idx.msk [tilespmem:v16+s15+$0x0], $0xffff  }
0x429: {  	v1 =	vor.u32 v31, v52;
	v0 =	vadd.s32 s12, v28  }
0x42a: {  	v8 =	vor.u32 v7, v1;
	v6 =	vadd.f32 v6, v48;
	[tilespmem:v17+s26+$0x0] =	vst.idx.msk $0xffff, v9;
	v9 =	vor.u32 s14, v28  }
0x42b: {  	v20 =	vor.u32 v22, v54;
	v11 =	vadd.f32 v11, v51  }
0x42c: {  	v16 =	vor.u32 v31, v53;
	[tilespmem:v15+s26+$0x0] =	vst.idx.msk $0xffff, v6;
	v5 =	vadd.f32 v5, v51  }
0x42d: {  	v19 =	vor.u32 v7, v16;
	v6 =	vadd.f32 v13, v51;
	[tilespmem:v18+s26+$0x0] =	vst.idx.msk $0xffff, v11  }
0x42e: {  	v2 =	vor.u32 v10, v3;
	[tilespmem:v0+s26+$0x0] =	vst.idx.msk $0xffff, v5  }
0x42f: {  	v8 =	vld.idx.msk [tilespmem:v8+s15+$0x0], $0xffff;
	[tilespmem:v9+s26+$0x0] =	vst.idx.msk $0xffff, v6  }
0x430: {  	s19 =	simm.s32 $0x20;
	v25 =	vld [tilespmem:$0x1FF20]  }
0x431: {  	v17 =	vor.u32 v10, v4;
	v15 =	vld.idx.msk [tilespmem:v20+s15+$0x0], $0xffff;
	v0 =	vmov s19  }
0x432: {  	v5 =	vadd.s32 s9, v42;
	v56 =	vshll.u32 v0, $0x7;
	v0 =	vld.idx.msk [tilespmem:v19+s15+$0x0], $0xffff  }
0x433: {  	v11 =	vor.u32 v10, v1;
	v20 =	vadd.s32 s18, v35;
	v2 =	vld.idx.msk [tilespmem:v2+s15+$0x0], $0xffff;
	v13 =	vor.u32 v21, v56  }
0x434: {  	v19 =	vor.u32 s5, v42;
	v9 =	vor.u32 v7, v13  }
0x435: {  	v8 =	vadd.f32 v8, v51;
	v21 =	vor.u32 v10, v16;
	v6 =	vadd.s32 s12, v25  }
0x436: {  	v29 =	vmov v22;
	v22 =	vor.u32 v26, v54;
	v17 =	vld.idx.msk [tilespmem:v17+s15+$0x0], $0xffff;
	v15 =	vadd.f32 v15, v50  }
0x437: {  	v18 =	vor.u32 v12, v3;
	[tilespmem:v5+s26+$0x0] =	vst.idx.msk $0xffff, v8;
	v0 =	vadd.f32 v0, v51  }
0x438: {  	[tilespmem:v20+s26+$0x0] =	vst.idx.msk $0xffff, v15;
	v5 =	vadd.s32 s14, v25;
	v2 =	vadd.f32 v2, v50;
	v8 =	vld.idx.msk [tilespmem:v11+s15+$0x0], $0xffff  }
0x439: {  	v11 =	vor.u32 v12, v4;
	v9 =	vld.idx.msk [tilespmem:v9+s15+$0x0], $0xffff;
	[tilespmem:v19+s26+$0x0] =	vst.idx.msk $0xffff, v0  }
0x43a: {  	v15 =	vld.idx.msk [tilespmem:v21+s15+$0x0], $0xffff;
	[tilespmem:v6+s26+$0x0] =	vst.idx.msk $0xffff, v2  }
0x43b: {  	v0 =	vadd.f32 v17, v50;
	v2 =	vadd.s32 s9, v43;
	v25 =	vld [tilespmem:$0x1FFD0]  }
0x43c: {  	v6 =	vld.idx.msk [tilespmem:v18+s15+$0x0], $0xffff;
	v18 =	vor.u32 s19, v34  }
0x43d: {  	v20 =	vld.idx.msk [tilespmem:v22+s15+$0x0], $0xffff;
	v17 =	vor.u32 v12, v1;
	[tilespmem:v5+s26+$0x0] =	vst.idx.msk $0xffff, v0  }
0x43e: {  	v5 =	vadd.f32 v8, v50;
	v8 =	vld.idx.msk [tilespmem:v11+s15+$0x0], $0xffff;
	v11 =	vadd.s32 s5, v43  }
0x43f: {  	v21 =	vadd.s32 s18, v36;
	v9 =	vadd.f32 v9, v51  }
0x440: {  	v0 =	vor.u32 v10, v13;
	[tilespmem:v2+s26+$0x0] =	vst.idx.msk $0xffff, v5;
	v19 =	vadd.s32 s12, v25  }
0x441: {  	v2 =	vadd.s32 s14, v25;
	[tilespmem:v18+s26+$0x0] =	vst.idx.msk $0xffff, v9;
	v9 =	vadd.f32 v15, v50  }
0x442: {  	v5 =	vadd.f32 v6, v49;
	v6 =	vld.idx.msk [tilespmem:v17+s15+$0x0], $0xffff;
	v17 =	vadd.f32 v20, v49  }
0x443: {  	[tilespmem:v11+s26+$0x0] =	vst.idx.msk $0xffff, v9  }
0x444: {  	v22 =	vor.u32 v12, v16;
	v8 =	vadd.f32 v8, v49;
	[tilespmem:v21+s26+$0x0] =	vst.idx.msk $0xffff, v17  }
0x445: {  	v3 =	vor.u32 v14, v3;
	v0 =	vld.idx.msk [tilespmem:v0+s15+$0x0], $0xffff;
	[tilespmem:v19+s26+$0x0] =	vst.idx.msk $0xffff, v5  }
0x446: {  	v25 =	vld [tilespmem:$0x1FF50];
	[tilespmem:v2+s26+$0x0] =	vst.idx.msk $0xffff, v8  }
0x447: {  	v21 =	vld [tilespmem:$0x1FF90];
	_ =	sdelay $0x1  }
0x448: {  	v4 =	vor.u32 v14, v4;
	v11 =	vadd.s32 s19, v35;
	v9 =	vld.idx.msk [tilespmem:v22+s15+$0x0], $0xffff  }
0x449: {  	v15 =	vor.u32 v23, v54;
	v5 =	vadd.s32 s9, v33;
	v3 =	vld.idx.msk [tilespmem:v3+s15+$0x0], $0xffff  }
0x44a: {  	v1 =	vor.u32 v14, v1;
	v18 =	vadd.s32 s5, v33  }
0x44b: {  	v8 =	vor.u32 v12, v13;
	v0 =	vadd.f32 v0, v50;
	v2 =	vadd.s32 s12, v21  }
0x44c: {  	v16 =	vor.u32 v14, v16;
	v6 =	vadd.f32 v6, v49  }
0x44d: {  	v4 =	vld.idx.msk [tilespmem:v4+s15+$0x0], $0xffff;
	[tilespmem:v11+s26+$0x0] =	vst.idx.msk $0xffff, v0;
	v0 =	vadd.f32 v9, v49;
	v17 =	vor.u32 v25, v57  }
0x44e: {  	v15 =	vld.idx.msk [tilespmem:v15+s15+$0x0], $0xffff;
	[tilespmem:v5+s26+$0x0] =	vst.idx.msk $0xffff, v6;
	v3 =	vadd.f32 v3, v48;
	v19 =	vor.u32 v7, v17  }
0x44f: {  	[tilespmem:v18+s26+$0x0] =	vst.idx.msk $0xffff, v0;
	v6 =	vor.u32 v25, v55;
	v1 =	vld.idx.msk [tilespmem:v1+s15+$0x0], $0xffff;
	v5 =	vadd.s32 s14, v21  }
0x450: {  	v8 =	vld.idx.msk [tilespmem:v8+s15+$0x0], $0xffff;
	v9 =	vor.u32 v7, v6;
	[tilespmem:v2+s26+$0x0] =	vst.idx.msk $0xffff, v3  }
0x451: {  	v23 =	vld [tilespmem:$0x1FEE0]  }
0x452: {  	v16 =	vld.idx.msk [tilespmem:v16+s15+$0x0], $0xffff;
	v0 =	vadd.f32 v4, v48;
	v2 =	vadd.s32 s9, v27  }
0x453: {  	v21 =	vadd.s32 s18, v37;
	v3 =	vld.idx.msk [tilespmem:v19+s15+$0x0], $0xffff  }
0x454: {  	v20 =	vor.u32 v30, v52;
	v19 =	vadd.s32 s19, v36;
	[tilespmem:v5+s26+$0x0] =	vst.idx.msk $0xffff, v0  }
0x455: {  	v11 =	vor.u32 v32, v54;
	v1 =	vadd.f32 v1, v48;
	v5 =	vld.idx.msk [tilespmem:v9+s15+$0x0], $0xffff;
	v9 =	vadd.s32 s5, v27  }
0x456: {  	v18 =	vor.u32 v7, v20;
	v15 =	vadd.f32 v15, v48;
	v22 =	vadd.s32 s12, v23  }
0x457: {  	v8 =	vadd.f32 v8, v49;
	v0 =	vor.u32 v14, v13;
	[tilespmem:v2+s26+$0x0] =	vst.idx.msk $0xffff, v1;
	v1 =	vor.u32 s14, v23  }
0x458: {  	[tilespmem:v21+s26+$0x0] =	vst.idx.msk $0xffff, v15;
	v2 =	vadd.f32 v3, v51;
	v3 =	vadd.f32 v16, v48  }
0x459: {  	v4 =	vor.u32 v7, v11;
	v13 =	vor.u32 v30, v53;
	[tilespmem:v19+s26+$0x0] =	vst.idx.msk $0xffff, v8  }
0x45a: {  	v15 =	vor.u32 v7, v13;
	[tilespmem:v9+s26+$0x0] =	vst.idx.msk $0xffff, v3;
	v3 =	vadd.f32 v5, v51  }
0x45b: {  	v21 =	vor.u32 v10, v17;
	v8 =	vld.idx.msk [tilespmem:v18+s15+$0x0], $0xffff;
	[tilespmem:v22+s26+$0x0] =	vst.idx.msk $0xffff, v2  }
0x45c: {  	v16 =	vor.u32 v10, v6;
	v0 =	vld.idx.msk [tilespmem:v0+s15+$0x0], $0xffff;
	[tilespmem:v1+s26+$0x0] =	vst.idx.msk $0xffff, v3  }
0x45d: {  	v26 =	vld [tilespmem:$0x1FFC0]  }
0x45e: {  	v2 =	vld.idx.msk [tilespmem:v4+s15+$0x0], $0xffff;
	v4 =	vadd.s32 s9, v24  }
0x45f: {  	v18 =	vor.u32 v32, v56;
	v9 =	vor.u32 v10, v20;
	v5 =	vld.idx.msk [tilespmem:v15+s15+$0x0], $0xffff;
	v15 =	vadd.s32 s19, v37  }
0x460: {  	v1 =	vor.u32 v7, v18;
	v19 =	vld.idx.msk [tilespmem:v21+s15+$0x0], $0xffff;
	v21 =	vadd.s32 s18, v38  }
0x461: {  	v3 =	vor.u32 v10, v11;
	v22 =	vor.u32 s5, v24;
	v8 =	vadd.f32 v8, v51;
	v16 =	vld.idx.msk [tilespmem:v16+s15+$0x0], $0xffff  }
0x462: {  	v24 =	vor.u32 v10, v13;
	v0 =	vadd.f32 v0, v48;
	v23 =	vadd.s32 s12, v26  }
0x463: {  	v2 =	vadd.f32 v2, v51;
	[tilespmem:v4+s26+$0x0] =	vst.idx.msk $0xffff, v8;
	v8 =	vor.u32 v12, v17;
	v4 =	vadd.s32 s14, v26  }
0x464: {  	[tilespmem:v15+s26+$0x0] =	vst.idx.msk $0xffff, v0;
	v0 =	vadd.f32 v5, v51;
	v5 =	vld.idx.msk [tilespmem:v9+s15+$0x0], $0xffff  }
0x465: {  	v1 =	vld.idx.msk [tilespmem:v1+s15+$0x0], $0xffff;
	[tilespmem:v21+s26+$0x0] =	vst.idx.msk $0xffff, v2;
	v2 =	vadd.f32 v19, v50  }
0x466: {  	v15 =	vadd.s32 s9, v45;
	[tilespmem:v22+s26+$0x0] =	vst.idx.msk $0xffff, v0;
	v0 =	vadd.f32 v16, v50;
	v3 =	vld.idx.msk [tilespmem:v3+s15+$0x0], $0xffff  }
0x467: {  	v9 =	vor.u32 v12, v6;
	v16 =	vld.idx.msk [tilespmem:v24+s15+$0x0], $0xffff;
	[tilespmem:v23+s26+$0x0] =	vst.idx.msk $0xffff, v2;
	v2 =	vor.u32 s19, v38  }
0x468: {  	v19 =	vor.u32 v12, v20;
	[tilespmem:v4+s26+$0x0] =	vst.idx.msk $0xffff, v0;
	v0 =	vld.idx.msk [tilespmem:v8+s15+$0x0], $0xffff;
	v8 =	vadd.s32 s18, v39  }
0x469: {  	v21 =	vadd.s32 s5, v45;
	v5 =	vadd.f32 v5, v50  }
0x46a: {  	v22 =	vadd.s32 s12, v59;
	v1 =	vadd.f32 v1, v51;
	v4 =	vor.u32 v10, v18  }
0x46b: {  	v3 =	vadd.f32 v3, v50;
	[tilespmem:v15+s26+$0x0] =	vst.idx.msk $0xffff, v5  }
0x46c: {  	v23 =	vor.u32 v12, v13;
	v9 =	vld.idx.msk [tilespmem:v9+s15+$0x0], $0xffff;
	[tilespmem:v2+s26+$0x0] =	vst.idx.msk $0xffff, v1;
	v1 =	vadd.f32 v16, v50  }
0x46d: {  	v15 =	vor.u32 v12, v11;
	v2 =	vld.idx.msk [tilespmem:v19+s15+$0x0], $0xffff;
	[tilespmem:v8+s26+$0x0] =	vst.idx.msk $0xffff, v3;
	v0 =	vadd.f32 v0, v49  }
0x46e: {  	v17 =	vor.u32 v14, v17;
	v5 =	vadd.s32 s14, v59;
	v26 =	vld [tilespmem:$0x1FF70];
	[tilespmem:v21+s26+$0x0] =	vst.idx.msk $0xffff, v1  }
0x46f: {  	s20 =	simm.s32 $0x38;
	v6 =	vor.u32 v14, v6;
	v4 =	vld.idx.msk [tilespmem:v4+s15+$0x0], $0xffff;
	[tilespmem:v22+s26+$0x0] =	vst.idx.msk $0xffff, v0  }
0x470: {  	v8 =	vmov s20;
	v1 =	vadd.s32 s9, v61;
	v21 =	vld [tilespmem:$0x1FFB0]  }
0x471: {  	v3 =	vadd.f32 v9, v49;
	v59 =	vshll.u32 v8, $0x7;
	v9 =	vld.idx.msk [tilespmem:v23+s15+$0x0], $0xffff;
	v0 =	vadd.s32 s19, v39  }
0x472: {  	v15 =	vld.idx.msk [tilespmem:v15+s15+$0x0], $0xffff;
	v8 =	vor.u32 v44, v59  }
0x473: {  	[tilespmem:v5+s26+$0x0] =	vst.idx.msk $0xffff, v3;
	v3 =	vld.idx.msk [tilespmem:v17+s15+$0x0], $0xffff;
	v17 =	vadd.s32 s5, v61;
	v2 =	vadd.f32 v2, v49  }
0x474: {  	v16 =	vor.u32 v14, v20;
	v20 =	vadd.s32 s18, v40;
	v6 =	vld.idx.msk [tilespmem:v6+s15+$0x0], $0xffff;
	v4 =	vadd.f32 v4, v50  }
0x475: {  	v44 =	vor.u32 v60, v57;
	[tilespmem:v1+s26+$0x0] =	vst.idx.msk $0xffff, v2;
	v19 =	vadd.s32 s12, v21  }
0x476: {  	v2 =	vor.u32 v7, v44;
	[tilespmem:v0+s26+$0x0] =	vst.idx.msk $0xffff, v4;
	v0 =	vadd.f32 v9, v49;
	v1 =	vadd.s32 s14, v21  }
0x477: {  	v21 =	vld.idx.msk [tilespmem:v8+s15+$0x0], $0xffff;
	v8 =	vadd.f32 v15, v49  }
0x478: {  	v5 =	vor.u32 v12, v18;
	v3 =	vadd.f32 v3, v48;
	v22 =	vld [tilespmem:$0x1FFA0];
	[tilespmem:v17+s26+$0x0] =	vst.idx.msk $0xffff, v0  }
0x479: {  	v11 =	vor.u32 v14, v11;
	v0 =	vadd.f32 v6, v48;
	[tilespmem:v20+s26+$0x0] =	vst.idx.msk $0xffff, v8  }
0x47a: {  	v4 =	vld.idx.msk [tilespmem:v16+s15+$0x0], $0xffff;
	[tilespmem:v19+s26+$0x0] =	vst.idx.msk $0xffff, v3  }
0x47b: {  	v63 =	vor.u32 v60, v55;
	v13 =	vor.u32 v14, v13;
	[tilespmem:v1+s26+$0x0] =	vst.idx.msk $0xffff, v0;
	v0 =	vld.idx.msk [tilespmem:v2+s15+$0x0], $0xffff  }
0x47c: {  	v9 =	vor.u32 v7, v63;
	v2 =	vld [tilespmem:$0x1FF60]  }
0x47d: {  	v5 =	vld.idx.msk [tilespmem:v5+s15+$0x0], $0xffff  }
0x47e: {  	v6 =	vadd.s32 s9, v46;
	v11 =	vld.idx.msk [tilespmem:v11+s15+$0x0], $0xffff  }
0x47f: {  	v15 =	vadd.s32 s19, v40  }
0x480: {  	v62 =	vadd.s32 s18, v41;
	v3 =	vld.idx.msk [tilespmem:v13+s15+$0x0], $0xffff  }
0x481: {  	v4 =	vadd.f32 v4, v48;
	v16 =	vadd.s32 s12, v22;
	v57 =	vor.u32 v2, v57;
	v2 =	vld.idx.msk [tilespmem:v9+s15+$0x0], $0xffff  }
0x482: {  	v61 =	vor.u32 v47, v52;
	v5 =	vadd.f32 v5, v49;
	v9 =	vadd.s32 s5, v46  }
0x483: {  	v17 =	vor.u32 v7, v61;
	[tilespmem:v6+s26+$0x0] =	vst.idx.msk $0xffff, v4;
	v4 =	vor.u32 s14, v22;
	v11 =	vadd.f32 v11, v48  }
0x484: {  	v13 =	vadd.s32 s20, v34;
	v1 =	vor.u32 v14, v18;
	[tilespmem:v15+s26+$0x0] =	vst.idx.msk $0xffff, v5;
	v0 =	vadd.f32 v0, v51  }
0x485: {  	v8 =	vor.u32 v47, v53;
	v3 =	vadd.f32 v3, v48;
	[tilespmem:v62+s26+$0x0] =	vst.idx.msk $0xffff, v11  }
0x486: {  	v47 =	vor.u32 v31, v54;
	[tilespmem:v16+s26+$0x0] =	vst.idx.msk $0xffff, v0;
	v2 =	vadd.f32 v2, v51  }
0x487: {  	v18 =	vor.u32 v7, v8;
	[tilespmem:v9+s26+$0x0] =	vst.idx.msk $0xffff, v3;
	v9 =	vadd.f32 v21, v51  }
0x488: {  	v5 =	vld.idx.msk [tilespmem:v17+s15+$0x0], $0xffff;
	v17 =	vor.u32 v7, v47;
	[tilespmem:v4+s26+$0x0] =	vst.idx.msk $0xffff, v2  }
0x489: {  	v58 =	vadd.s32 s12, v58;
	v6 =	vor.u32 v10, v44;
	v23 =	vld.idx.msk [tilespmem:v1+s15+$0x0], $0xffff;
	[tilespmem:v13+s26+$0x0] =	vst.idx.msk $0xffff, v9  }
0x48a: {  	v60 =	vor.u32 v25, v52;
	v24 =	vor.u32 v10, v61;
	v20 =	vor.u32 v29, v59;
	v4 =	vld [tilespmem:$0x1FEB0]  }
0x48b: {  	v45 =	vadd.s32 s12, v26;
	v15 =	vor.u32 v10, v63;
	v3 =	vadd.s32 s9, v28  }
0x48c: {  	v19 =	vadd.s32 s20, v35;
	v22 =	vadd.s32 s19, v41;
	v1 =	vor.u32 v31, v56;
	v25 =	vld.idx.msk [tilespmem:v18+s15+$0x0], $0xffff  }
0x48d: {  	v62 =	vor.u32 v30, v54;
	v11 =	vor.u32 v10, v8;
	v17 =	vld.idx.msk [tilespmem:v17+s15+$0x0], $0xffff;
	v16 =	vadd.s32 s18, v42  }
0x48e: {  	v46 =	vld.idx.msk [tilespmem:v6+s15+$0x0], $0xffff;
	v18 =	vor.u32 v7, v1;
	v13 =	vor.u32 s5, v28;
	v2 =	vadd.f32 v5, v51  }
0x48f: {  	v9 =	vadd.s32 s14, v26;
	v21 =	vld.idx.msk [tilespmem:v20+s15+$0x0], $0xffff;
	v20 =	vor.u32 v4, v59;
	v4 =	vadd.f32 v23, v48  }
0x490: {  	s21 =	simm.s32 $0x30;
	v5 =	vor.u32 v12, v44;
	v0 =	vld.idx.msk [tilespmem:v15+s15+$0x0], $0xffff;
	[tilespmem:v3+s26+$0x0] =	vst.idx.msk $0xffff, v2;
	v2 =	vor.u32 v12, v61  }
0x491: {  	s22 =	simm.s32 $0x40;
	v3 =	vmov s21;
	v15 =	vadd.f32 v25, v51;
	v6 =	vld.idx.msk [tilespmem:v24+s15+$0x0], $0xffff;
	[tilespmem:v22+s26+$0x0] =	vst.idx.msk $0xffff, v4;
	v4 =	vor.u32 v12, v63  }
.LBB2_5:
0x492: {  	v24 =	vld [tilespmem:$0x1FE20]  }
0x493: {  	v25 =	vld [tilespmem:$0x1FF20];
	_ =	sdelay $0x1  }
0x494: {  	v3 =	vshll.u32 v3, $0x7;
	v18 =	vld.idx.msk [tilespmem:v18+s15+$0x0], $0xffff;
	v23 =	vadd.f32 v46, v50  }
0x495: {  	v22 =	vor.u32 v10, v47;
	v46 =	vmov v59;
	v26 =	vld [tilespmem:$0x1FE40];
	[tilespmem:v13+s26+$0x0] =	vst.idx.msk $0xffff, v15;
	v0 =	vadd.f32 v0, v50  }
0x496: {  	v11 =	vld.idx.msk [tilespmem:v11+s15+$0x0], $0xffff;
	[tilespmem:v45+s26+$0x0] =	vst.idx.msk $0xffff, v23;
	v17 =	vadd.f32 v17, v51;
	v59 =	vor.u32 v24, v3  }
0x497: {  	v28 =	vld [tilespmem:$0x1FFD0];
	v21 =	vadd.f32 v21, v50;
	v13 =	vadd.s32 s9, v25;
	[tilespmem:v9+s26+$0x0] =	vst.idx.msk $0xffff, v0;
	v15 =	vor.u32 v7, v59  }
0x498: {  	v23 =	vor.u32 s19, v42;
	v5 =	vld.idx.msk [tilespmem:v5+s15+$0x0], $0xffff;
	[tilespmem:v16+s26+$0x0] =	vst.idx.msk $0xffff, v17  }
0x499: {  	v4 =	vld.idx.msk [tilespmem:v4+s15+$0x0], $0xffff;
	[tilespmem:v19+s26+$0x0] =	vst.idx.msk $0xffff, v21  }
0x49a: {  	v6 =	vadd.f32 v6, v50;
	v24 =	vor.u32 v10, v1;
	v17 =	vadd.s32 s5, v25;
	v16 =	vld.idx.msk [tilespmem:v22+s15+$0x0], $0xffff  }
0x49b: {  	v9 =	vadd.s32 s12, v26;
	v18 =	vadd.f32 v18, v51;
	v20 =	vld.idx.msk [tilespmem:v20+s15+$0x0], $0xffff;
	v22 =	vor.u32 v12, v8  }
0x49c: {  	[tilespmem:v13+s26+$0x0] =	vst.idx.msk $0xffff, v6;
	v6 =	vadd.s32 s14, v26;
	v13 =	vor.u32 v14, v44;
	v15 =	vld.idx.msk [tilespmem:v15+s15+$0x0], $0xffff  }
0x49d: {  	v21 =	vld [tilespmem:$0x1FEC0];
	v11 =	vadd.f32 v11, v50;
	[tilespmem:v23+s26+$0x0] =	vst.idx.msk $0xffff, v18;
	v18 =	vor.u32 v14, v63  }
0x49e: {  	v45 =	vor.u32 s21, v34;
	v5 =	vadd.f32 v5, v49;
	v2 =	vld.idx.msk [tilespmem:v2+s15+$0x0], $0xffff  }
0x49f: {  	v4 =	vadd.f32 v4, v49;
	v23 =	vld.idx.msk [tilespmem:v24+s15+$0x0], $0xffff;
	[tilespmem:v17+s26+$0x0] =	vst.idx.msk $0xffff, v11  }
0x4a0: {  	[tilespmem:v9+s26+$0x0] =	vst.idx.msk $0xffff, v5;
	v22 =	vld.idx.msk [tilespmem:v22+s15+$0x0], $0xffff  }
0x4a1: {  	[tilespmem:v6+s26+$0x0] =	vst.idx.msk $0xffff, v4;
	v4 =	vld.idx.msk [tilespmem:v13+s15+$0x0], $0xffff;
	v5 =	vadd.f32 v15, v51  }
0x4a2: {  	v25 =	vadd.s32 s18, v43;
	v13 =	vld.idx.msk [tilespmem:v18+s15+$0x0], $0xffff  }
0x4a3: {  	v24 =	vor.u32 v12, v47;
	[tilespmem:v45+s26+$0x0] =	vst.idx.msk $0xffff, v5;
	v5 =	vld [tilespmem:$0x1FE50]  }
0x4a4: {  	v19 =	vadd.s32 s9, v28;
	v17 =	vor.u32 v10, v59  }
0x4a5: {  	v61 =	vor.u32 v14, v61;
	v63 =	vadd.s32 s19, v43;
	v16 =	vadd.f32 v16, v50  }
0x4a6: {  	v8 =	vor.u32 v14, v8;
	v26 =	vld [tilespmem:$0x1FF90];
	v9 =	vadd.s32 s20, v36;
	v6 =	vor.u32 v12, v1  }
0x4a7: {  	v21 =	vor.u32 v21, v46;
	[tilespmem:v25+s26+$0x0] =	vst.idx.msk $0xffff, v16;
	v18 =	vadd.s32 s5, v28;
	v2 =	vadd.f32 v2, v49;
	v28 =	vld [tilespmem:$0x1FF60]  }
0x4a8: {  	v15 =	vadd.f32 v20, v49;
	v16 =	vld.idx.msk [tilespmem:v24+s15+$0x0], $0xffff;
	v20 =	vadd.f32 v23, v50;
	v23 =	vadd.s32 s12, v5  }
0x4a9: {  	v11 =	vor.u32 v7, v57;
	[tilespmem:v19+s26+$0x0] =	vst.idx.msk $0xffff, v2;
	v17 =	vld.idx.msk [tilespmem:v17+s15+$0x0], $0xffff;
	v2 =	vadd.s32 s14, v5  }
0x4aa: {  	v24 =	vadd.s32 s18, v33;
	v19 =	vadd.f32 v22, v49;
	[tilespmem:v63+s26+$0x0] =	vst.idx.msk $0xffff, v20;
	v20 =	vld.idx.msk [tilespmem:v61+s15+$0x0], $0xffff  }
0x4ab: {  	[tilespmem:v9+s26+$0x0] =	vst.idx.msk $0xffff, v15;
	v6 =	vld.idx.msk [tilespmem:v6+s15+$0x0], $0xffff;
	v4 =	vadd.f32 v4, v48  }
0x4ac: {  	v21 =	vld.idx.msk [tilespmem:v21+s15+$0x0], $0xffff;
	[tilespmem:v18+s26+$0x0] =	vst.idx.msk $0xffff, v19;
	v13 =	vadd.f32 v13, v48  }
0x4ad: {  	v16 =	vadd.f32 v16, v49;
	v8 =	vld.idx.msk [tilespmem:v8+s15+$0x0], $0xffff;
	v5 =	vor.u32 v28, v55;
	[tilespmem:v23+s26+$0x0] =	vst.idx.msk $0xffff, v4  }
0x4ae: {  	v22 =	vor.u32 v7, v5;
	[tilespmem:v2+s26+$0x0] =	vst.idx.msk $0xffff, v13;
	v2 =	vld.idx.msk [tilespmem:v11+s15+$0x0], $0xffff  }
0x4af: {  	v15 =	vadd.s32 s21, v35;
	v18 =	vadd.s32 s9, v26;
	[tilespmem:v24+s26+$0x0] =	vst.idx.msk $0xffff, v16;
	v16 =	vadd.s32 s5, v26;
	v26 =	vld [tilespmem:$0x1FF50]  }
0x4b0: {  	v9 =	vor.u32 v14, v47  }
0x4b1: {  	v61 =	vld [tilespmem:$0x1FED0];
	v19 =	vor.u32 v12, v59;
	v23 =	vadd.s32 s19, v33  }
0x4b2: {  	v29 =	vld [tilespmem:$0x1FFF0];
	v1 =	vor.u32 v14, v1;
	v11 =	vadd.f32 v17, v50  }
0x4b3: {  	v0 =	vor.u32 v32, v46;
	v25 =	vor.u32 v7, v60;
	v13 =	vld.idx.msk [tilespmem:v22+s15+$0x0], $0xffff;
	v17 =	vadd.f32 v20, v48  }
0x4b4: {  	v47 =	vld [tilespmem:$0x1FEE0];
	v6 =	vadd.f32 v6, v49;
	[tilespmem:v15+s26+$0x0] =	vst.idx.msk $0xffff, v11;
	v4 =	vor.u32 v26, v53  }
0x4b5: {  	v44 =	vor.u32 v10, v57;
	v9 =	vld.idx.msk [tilespmem:v9+s15+$0x0], $0xffff;
	[tilespmem:v18+s26+$0x0] =	vst.idx.msk $0xffff, v17;
	v15 =	vor.u32 v7, v4  }
0x4b6: {  	v20 =	vadd.s32 s20, v37;
	v18 =	vor.u32 s14, v61;
	v19 =	vld.idx.msk [tilespmem:v19+s15+$0x0], $0xffff;
	[tilespmem:v23+s26+$0x0] =	vst.idx.msk $0xffff, v6;
	v6 =	vadd.f32 v8, v48  }
0x4b7: {  	v22 =	vor.u32 v10, v5;
	v23 =	vor.u32 v7, v0;
	v24 =	vld.idx.msk [tilespmem:v1+s15+$0x0], $0xffff;
	v1 =	vadd.f32 v2, v51  }
0x4b8: {  	v11 =	vadd.s32 s18, v27;
	[tilespmem:v16+s26+$0x0] =	vst.idx.msk $0xffff, v6;
	v6 =	vadd.f32 v13, v51;
	v13 =	vor.u32 v14, v59;
	v59 =	vld [tilespmem:$0x1FE60]  }
0x4b9: {  	v21 =	vadd.f32 v21, v48;
	v8 =	vld.idx.msk [tilespmem:v25+s15+$0x0], $0xffff  }
0x4ba: {  	v45 =	vadd.s32 s9, v47;
	v25 =	vor.u32 v7, v62;
	v2 =	vadd.s32 s21, v36;
	[tilespmem:v58+s26+$0x0] =	vst.idx.msk $0xffff, v1;
	v15 =	vld.idx.msk [tilespmem:v15+s15+$0x0], $0xffff  }
0x4bb: {  	v17 =	vor.u32 v10, v60;
	v9 =	vadd.f32 v9, v48;
	[tilespmem:v18+s26+$0x0] =	vst.idx.msk $0xffff, v6;
	v6 =	vld.idx.msk [tilespmem:v44+s15+$0x0], $0xffff  }
0x4bc: {  	v16 =	vadd.s32 s19, v27;
	v1 =	vor.u32 v30, v56;
	[tilespmem:v20+s26+$0x0] =	vst.idx.msk $0xffff, v21;
	v21 =	vld.idx.msk [tilespmem:v22+s15+$0x0], $0xffff  }
0x4bd: {  	v19 =	vadd.f32 v19, v49;
	v22 =	vld.idx.msk [tilespmem:v23+s15+$0x0], $0xffff;
	[tilespmem:v11+s26+$0x0] =	vst.idx.msk $0xffff, v9;
	v11 =	vadd.s32 s12, v59  }
0x4be: {  	v58 =	vld [tilespmem:$0x1FE70];
	v8 =	vadd.f32 v8, v51;
	v20 =	vor.u32 v7, v1  }
0x4bf: {  	v9 =	vor.u32 s5, v47;
	[tilespmem:v2+s26+$0x0] =	vst.idx.msk $0xffff, v19;
	v2 =	vadd.f32 v24, v48;
	v19 =	vld.idx.msk [tilespmem:v25+s15+$0x0], $0xffff  }
0x4c0: {  	v23 =	vor.u32 v10, v4;
	v13 =	vld.idx.msk [tilespmem:v13+s15+$0x0], $0xffff;
	[tilespmem:v45+s26+$0x0] =	vst.idx.msk $0xffff, v8;
	v6 =	vadd.f32 v6, v50  }
0x4c1: {  	v24 =	vadd.s32 s18, v29;
	v8 =	vadd.s32 s14, v59;
	v25 =	vor.u32 v12, v57;
	[tilespmem:v16+s26+$0x0] =	vst.idx.msk $0xffff, v2;
	v16 =	vld.idx.msk [tilespmem:v17+s15+$0x0], $0xffff  }
0x4c2: {  	v17 =	vor.u32 v12, v5;
	v15 =	vadd.f32 v15, v51;
	[tilespmem:v11+s26+$0x0] =	vst.idx.msk $0xffff, v6;
	v6 =	vor.u32 s19, v29;
	v29 =	vld [tilespmem:$0x1FFC0]  }
0x4c3: {  	v63 =	vor.u32 v10, v62;
	v55 =	vmovc v53;
	v53 =	vmov v56;
	v56 =	vld [tilespmem:$0x1FE80];
	v59 =	vadd.s32 s21, v37  }
0x4c4: {  	v2 =	vor.u32 v32, v3;
	v20 =	vld.idx.msk [tilespmem:v20+s15+$0x0], $0xffff;
	[tilespmem:v9+s26+$0x0] =	vst.idx.msk $0xffff, v15;
	v9 =	vadd.f32 v21, v50  }
0x4c5: {  	v44 =	vadd.s32 s20, v38;
	v18 =	vadd.s32 s12, v58;
	v15 =	vor.u32 v7, v2;
	v23 =	vld.idx.msk [tilespmem:v23+s15+$0x0], $0xffff  }
0x4c6: {  	v21 =	vor.u32 v10, v0;
	v11 =	vadd.f32 v19, v51;
	[tilespmem:v8+s26+$0x0] =	vst.idx.msk $0xffff, v9;
	v8 =	vld.idx.msk [tilespmem:v25+s15+$0x0], $0xffff  }
0x4c7: {  	v9 =	vadd.f32 v13, v48;
	v13 =	vor.u32 v10, v1;
	v17 =	vld.idx.msk [tilespmem:v17+s15+$0x0], $0xffff;
	v19 =	vadd.s32 s9, v29  }
0x4c8: {  	v22 =	vadd.f32 v22, v51;
	[tilespmem:v24+s26+$0x0] =	vst.idx.msk $0xffff, v11;
	v24 =	vor.u32 v12, v60;
	v11 =	vadd.s32 s5, v29;
	v29 =	vld [tilespmem:$0x1FFE0]  }
0x4c9: {  	v45 =	vor.u32 v12, v4;
	[tilespmem:v59+s26+$0x0] =	vst.idx.msk $0xffff, v9;
	v9 =	vadd.f32 v20, v51;
	v20 =	vld.idx.msk [tilespmem:v63+s15+$0x0], $0xffff  }
0x4ca: {  	v5 =	vor.u32 v14, v5;
	v16 =	vadd.f32 v16, v50;
	[tilespmem:v44+s26+$0x0] =	vst.idx.msk $0xffff, v22;
	v15 =	vld.idx.msk [tilespmem:v15+s15+$0x0], $0xffff  }
0x4cb: {  	v25 =	vor.u32 v14, v57;
	v21 =	vld.idx.msk [tilespmem:v21+s15+$0x0], $0xffff;
	[tilespmem:v6+s26+$0x0] =	vst.idx.msk $0xffff, v9;
	v6 =	vadd.f32 v23, v50  }
0x4cc: {  	v63 =	vadd.s32 s14, v58;
	v9 =	vld.idx.msk [tilespmem:v13+s15+$0x0], $0xffff;
	v8 =	vadd.f32 v8, v49;
	[tilespmem:v19+s26+$0x0] =	vst.idx.msk $0xffff, v16  }
0x4cd: {  	v13 =	vor.u32 v12, v62;
	v22 =	vadd.s32 s18, v29;
	[tilespmem:v11+s26+$0x0] =	vst.idx.msk $0xffff, v6;
	v6 =	vld.idx.msk [tilespmem:v24+s15+$0x0], $0xffff  }
0x4ce: {  	v11 =	vadd.f32 v17, v49;
	v17 =	vadd.s32 s12, v56;
	s12 =	smov.u32 s9;
	s9 =	smov.u32 s18;
	s18 =	smov.u32 s20;
	[tilespmem:v18+s26+$0x0] =	vst.idx.msk $0xffff, v8;
	v8 =	vadd.s32 s19, v29;
	v29 =	vld [tilespmem:$0x1FF80]  }
0x4cf: {  	v23 =	vadd.s32 s18, v39  }
0x4d0: {  	v16 =	vor.u32 s21, v38;
	v24 =	vld.idx.msk [tilespmem:v45+s15+$0x0], $0xffff;
	v18 =	vadd.f32 v20, v50  }
0x4d1: {  	v19 =	vor.u32 v10, v2;
	[tilespmem:v63+s26+$0x0] =	vst.idx.msk $0xffff, v11;
	v11 =	vld.idx.msk [tilespmem:v25+s15+$0x0], $0xffff  }
0x4d2: {  	v21 =	vadd.f32 v21, v50;
	v5 =	vld.idx.msk [tilespmem:v5+s15+$0x0], $0xffff;
	[tilespmem:v22+s26+$0x0] =	vst.idx.msk $0xffff, v18  }
0x4d3: {  	v15 =	vadd.f32 v15, v51;
	v25 =	vor.u32 v12, v1;
	v20 =	vadd.s32 s12, v29;
	v13 =	vld.idx.msk [tilespmem:v13+s15+$0x0], $0xffff  }
0x4d4: {  	v18 =	vadd.s32 s5, v29;
	[tilespmem:v23+s26+$0x0] =	vst.idx.msk $0xffff, v21;
	v23 =	vld [tilespmem:$0x1FF00]  }
0x4d5: {  	v4 =	vor.u32 v14, v4;
	v9 =	vadd.f32 v9, v50;
	[tilespmem:v16+s26+$0x0] =	vst.idx.msk $0xffff, v15  }
0x4d6: {  	v16 =	vadd.s32 s14, v56;
	v15 =	vld.idx.msk [tilespmem:v19+s15+$0x0], $0xffff;
	v6 =	vadd.f32 v6, v49  }
0x4d7: {  	s20 =	sadd.s32 $0x8, s22;
	v58 =	vadd.s32 s12, v61;
	v61 =	vor.u32 v14, v60;
	[tilespmem:v8+s26+$0x0] =	vst.idx.msk $0xffff, v9;
	v9 =	vadd.f32 v24, v49;
	v24 =	vld [tilespmem:$0x1FFB0]  }
0x4d8: {  	v63 =	vor.u32 v12, v0;
	v56 =	vmov v3;
	v3 =	vmov s20;
	v21 =	vld.idx.msk [tilespmem:v25+s15+$0x0], $0xffff;
	[tilespmem:v20+s26+$0x0] =	vst.idx.msk $0xffff, v6  }
0x4d9: {  	s14 =	smov.u32 s5;
	s5 =	smov.u32 s19;
	s19 =	smov.u32 s21;
	v5 =	vadd.f32 v5, v48;
	v8 =	vadd.s32 s9, v23;
	v6 =	vadd.f32 v11, v48;
	[tilespmem:v18+s26+$0x0] =	vst.idx.msk $0xffff, v9;
	v11 =	vld [tilespmem:$0x1FE90]  }
0x4da: {  	v22 =	vor.u32 v14, v62;
	v59 =	vshll.u32 v3, $0x7;
	v3 =	vadd.s32 s19, v39;
	v4 =	vld.idx.msk [tilespmem:v4+s15+$0x0], $0xffff  }
0x4db: {  	[tilespmem:v16+s26+$0x0] =	vst.idx.msk $0xffff, v5;
	v5 =	vadd.f32 v15, v50;
	v15 =	vld [tilespmem:$0x1FF10]  }
0x4dc: {  	v29 =	vld [tilespmem:$0x1FF70];
	v13 =	vadd.f32 v13, v49  }
0x4dd: {  	v18 =	vor.u32 v12, v2;
	v20 =	vadd.s32 s5, v23;
	v9 =	vld.idx.msk [tilespmem:v61+s15+$0x0], $0xffff;
	[tilespmem:v17+s26+$0x0] =	vst.idx.msk $0xffff, v6  }
0x4de: {  	v1 =	vor.u32 v14, v1;
	v6 =	vld.idx.msk [tilespmem:v63+s15+$0x0], $0xffff;
	[tilespmem:v8+s26+$0x0] =	vst.idx.msk $0xffff, v13  }
0x4df: {  	v19 =	vadd.s32 s12, v24;
	[tilespmem:v3+s26+$0x0] =	vst.idx.msk $0xffff, v5;
	v11 =	vor.u32 v11, v59;
	v5 =	vld.idx.msk [tilespmem:v22+s15+$0x0], $0xffff  }
0x4e0: {  	v17 =	vadd.s32 s18, v40;
	v3 =	vadd.f32 v21, v49;
	v44 =	vor.u32 v15, v52;
	v22 =	vld [tilespmem:$0x1FF30]  }
0x4e1: {  	v23 =	vld [tilespmem:$0x1FF40];
	v8 =	vadd.s32 s14, v24;
	v63 =	vor.u32 v15, v55;
	v13 =	vor.u32 v7, v44  }
0x4e2: {  	v16 =	vld.idx.msk [tilespmem:v18+s15+$0x0], $0xffff;
	[tilespmem:v20+s26+$0x0] =	vst.idx.msk $0xffff, v3;
	v9 =	vadd.f32 v9, v48;
	v15 =	vor.u32 v7, v63  }
0x4e3: {  	v0 =	vor.u32 v14, v0;
	v1 =	vld.idx.msk [tilespmem:v1+s15+$0x0], $0xffff  }
0x4e4: {  	v4 =	vadd.f32 v4, v48;
	v11 =	vld.idx.msk [tilespmem:v11+s15+$0x0], $0xffff;
	[tilespmem:v19+s26+$0x0] =	vst.idx.msk $0xffff, v9;
	v19 =	vadd.s32 s19, v40  }
0x4e5: {  	v2 =	vor.u32 v14, v2;
	v24 =	vld [tilespmem:$0x1FFA0];
	v6 =	vadd.f32 v6, v49;
	v3 =	vadd.s32 s9, v22  }
0x4e6: {  	[tilespmem:v8+s26+$0x0] =	vst.idx.msk $0xffff, v4;
	v4 =	vld.idx.msk [tilespmem:v13+s15+$0x0], $0xffff;
	v13 =	vadd.s32 s5, v22  }
0x4e7: {  	v61 =	vor.u32 v23, v54;
	[tilespmem:v17+s26+$0x0] =	vst.idx.msk $0xffff, v6;
	v6 =	vld.idx.msk [tilespmem:v15+s15+$0x0], $0xffff;
	v15 =	vadd.f32 v16, v49  }
0x4e8: {  	v57 =	vor.u32 v28, v52;
	v20 =	vor.u32 v7, v61;
	v5 =	vadd.f32 v5, v48;
	v0 =	vld.idx.msk [tilespmem:v0+s15+$0x0], $0xffff  }
0x4e9: {  	v8 =	vor.u32 v23, v53;
	v1 =	vadd.f32 v1, v48;
	[tilespmem:v19+s26+$0x0] =	vst.idx.msk $0xffff, v15;
	v19 =	vld [tilespmem:$0x1FEA0]  }
0x4ea: {  	v18 =	vadd.s32 s12, v24;
	v16 =	vor.u32 v7, v8;
	[tilespmem:v3+s26+$0x0] =	vst.idx.msk $0xffff, v5;
	v2 =	vld.idx.msk [tilespmem:v2+s15+$0x0], $0xffff  }
0x4eb: {  	v21 =	vadd.s32 s18, v41;
	v52 =	vmovc v54;
	v54 =	vmov v46;
	v5 =	vor.u32 v10, v44;
	[tilespmem:v13+s26+$0x0] =	vst.idx.msk $0xffff, v1;
	v13 =	vld [tilespmem:$0x1FEF0]  }
0x4ec: {  	v60 =	vor.u32 v26, v52;
	v47 =	vor.u32 v31, v54;
	v3 =	vor.u32 s14, v24  }
0x4ed: {  	v62 =	vor.u32 v30, v54;
	v9 =	vadd.s32 s20, v34;
	v4 =	vadd.f32 v4, v51  }
0x4ee: {  	v17 =	vor.u32 v10, v63;
	v22 =	vor.u32 v7, v47;
	v11 =	vadd.f32 v11, v51;
	v15 =	vld.idx.msk [tilespmem:v20+s15+$0x0], $0xffff  }
0x4ef: {  	v45 =	vadd.s32 s12, v29;
	v6 =	vadd.f32 v6, v51;
	v25 =	vld.idx.msk [tilespmem:v16+s15+$0x0], $0xffff;
	[tilespmem:v18+s26+$0x0] =	vst.idx.msk $0xffff, v4;
	v4 =	vadd.s32 s19, v41  }
0x4f0: {  	v0 =	vadd.f32 v0, v48;
	v20 =	vor.u32 v19, v59;
	v46 =	vld.idx.msk [tilespmem:v5+s15+$0x0], $0xffff;
	v23 =	vadd.s32 s9, v13  }
0x4f1: {  	p0 =	slt.u32 s22, $0x70;
	v24 =	vor.u32 v10, v61;
	v1 =	vor.u32 v31, v56;
	v16 =	vadd.s32 s18, v42;
	[tilespmem:v3+s26+$0x0] =	vst.idx.msk $0xffff, v6;
	v5 =	vld [tilespmem:$0x1FEB0]  }
.Ltmp3:
0x4f2: {  	v18 =	vor.u32 v7, v1;
	v19 =	vadd.s32 s20, v35;
	[tilespmem:v21+s26+$0x0] =	vst.idx.msk $0xffff, v0;
	v6 =	vadd.f32 v2, v48;
	(pc) =	sbr.rel @p0 .LBB2_5-.Ltmp3, $4  }
0x4f3: {  	v2 =	vor.u32 v12, v61;
	v0 =	vld.idx.msk [tilespmem:v17+s15+$0x0], $0xffff;
	[tilespmem:v9+s26+$0x0] =	vst.idx.msk $0xffff, v11;
	v3 =	vadd.f32 v15, v51  }
0x4f4: {  	v13 =	vor.u32 s5, v13;
	v11 =	vor.u32 v10, v8;
	v9 =	vadd.s32 s14, v29;
	v17 =	vld.idx.msk [tilespmem:v22+s15+$0x0], $0xffff;
	[tilespmem:v4+s26+$0x0] =	vst.idx.msk $0xffff, v6  }
0x4f5: {  	s21 =	smov.u32 s22;
	v15 =	vadd.f32 v25, v51;
	v4 =	vor.u32 v12, v63;
	v21 =	vld.idx.msk [tilespmem:v20+s15+$0x0], $0xffff;
	[tilespmem:v23+s26+$0x0] =	vst.idx.msk $0xffff, v3  }
0x4f6: {  	s22 =	sadd.s32 $0x10, s22;
	v20 =	vor.u32 v5, v59;
	v5 =	vor.u32 v12, v44;
	v3 =	vmov s21;
	v6 =	vld.idx.msk [tilespmem:v24+s15+$0x0], $0xffff  }
0x4f7: {  	v28 =	vshll.u32 v3, $0x7;
	v3 =	vld [tilespmem:$0x1FE20];
	_ =	sdelay $0x4  }
0x4f8: {  	v3 =	vor.u32 v3, v28  }
0x4f9: {  	v22 =	vor.u32 v7, v3;
	_ =	sdelay $0x4  }
0x4fa: {  	v22 =	vld.idx.msk [tilespmem:v22+s15+$0x0], $0xffff;
	_ =	sdelay $0x1  }
0x4fb: {  	v23 =	vor.u32 s21, v34  }
0x4fc: {  	v24 =	vor.u32 v10, v3;
	_ =	sdelay $0x1  }
0x4fd: {  	v22 =	vadd.f32 v22, v51;
	_ =	sdelay $0x1  }
0x4fe: {  	[tilespmem:v23+s26+$0x0] =	vst.idx.msk $0xffff, v22  }
0x4ff: {  	v22 =	vld.idx.msk [tilespmem:v24+s15+$0x0], $0xffff;
	_ =	sdelay $0x1  }
0x500: {  	v21 =	vadd.f32 v21, v50;
	v23 =	vadd.s32 s21, v35;
	_ =	sdelay $0x1  }
0x501: {  	[tilespmem:v19+s26+$0x0] =	vst.idx.msk $0xffff, v21  }
0x502: {  	v19 =	vld.idx.msk [tilespmem:v20+s15+$0x0], $0xffff;
	v20 =	vadd.f32 v22, v50;
	_ =	sdelay $0x1  }
0x503: {  	[tilespmem:v23+s26+$0x0] =	vst.idx.msk $0xffff, v20  }
0x504: {  	v24 =	vor.u32 v12, v3;
	v20 =	vld [tilespmem:$0x1FEC0];
	_ =	sdelay $0x3  }
0x505: {  	v21 =	vadd.s32 s20, v36  }
0x506: {  	v22 =	vld.idx.msk [tilespmem:v24+s15+$0x0], $0xffff;
	v20 =	vor.u32 v20, v59;
	_ =	sdelay $0x1  }
0x507: {  	v19 =	vadd.f32 v19, v49;
	v23 =	vadd.s32 s21, v36  }
0x508: {  	v3 =	vor.u32 v14, v3  }
0x509: {  	[tilespmem:v21+s26+$0x0] =	vst.idx.msk $0xffff, v19  }
0x50a: {  	v19 =	vld.idx.msk [tilespmem:v20+s15+$0x0], $0xffff;
	v20 =	vadd.f32 v22, v49;
	_ =	sdelay $0x1  }
0x50b: {  	v21 =	vor.u32 v32, v59;
	v22 =	vadd.s32 s20, v37;
	[tilespmem:v23+s26+$0x0] =	vst.idx.msk $0xffff, v20  }
0x50c: {  	v20 =	vor.u32 v7, v21;
	v3 =	vld.idx.msk [tilespmem:v3+s15+$0x0], $0xffff;
	_ =	sdelay $0x1  }
0x50d: {  	v24 =	vor.u32 v32, v28;
	v23 =	vadd.s32 s21, v37;
	v19 =	vadd.f32 v19, v48  }
0x50e: {  	v25 =	vor.u32 v7, v24  }
0x50f: {  	[tilespmem:v22+s26+$0x0] =	vst.idx.msk $0xffff, v19  }
0x510: {  	v19 =	vld.idx.msk [tilespmem:v20+s15+$0x0], $0xffff;
	v3 =	vadd.f32 v3, v48;
	_ =	sdelay $0x1  }
0x511: {  	v20 =	vadd.s32 s20, v38;
	[tilespmem:v23+s26+$0x0] =	vst.idx.msk $0xffff, v3  }
0x512: {  	v37 =	vor.u32 v10, v21;
	v22 =	vld.idx.msk [tilespmem:v25+s15+$0x0], $0xffff;
	_ =	sdelay $0x1  }
0x513: {  	v23 =	vor.u32 s21, v38;
	v19 =	vadd.f32 v19, v51  }
0x514: {  	v25 =	vor.u32 v10, v24  }
0x515: {  	[tilespmem:v20+s26+$0x0] =	vst.idx.msk $0xffff, v19  }
0x516: {  	v3 =	vld.idx.msk [tilespmem:v37+s15+$0x0], $0xffff;
	v19 =	vadd.f32 v22, v51;
	_ =	sdelay $0x1  }
0x517: {  	v20 =	vadd.s32 s20, v39;
	[tilespmem:v23+s26+$0x0] =	vst.idx.msk $0xffff, v19  }
0x518: {  	v19 =	vor.u32 v12, v21;
	v22 =	vld.idx.msk [tilespmem:v25+s15+$0x0], $0xffff;
	_ =	sdelay $0x1  }
0x519: {  	v23 =	vadd.s32 s21, v39;
	v3 =	vadd.f32 v3, v50  }
0x51a: {  	v25 =	vor.u32 v12, v24  }
0x51b: {  	[tilespmem:v20+s26+$0x0] =	vst.idx.msk $0xffff, v3  }
0x51c: {  	v3 =	vld.idx.msk [tilespmem:v19+s15+$0x0], $0xffff;
	v19 =	vadd.f32 v22, v50;
	_ =	sdelay $0x1  }
0x51d: {  	v20 =	vadd.s32 s20, v40;
	[tilespmem:v23+s26+$0x0] =	vst.idx.msk $0xffff, v19  }
0x51e: {  	v21 =	vor.u32 v14, v21;
	v19 =	vld.idx.msk [tilespmem:v25+s15+$0x0], $0xffff;
	_ =	sdelay $0x1  }
0x51f: {  	v22 =	vadd.s32 s21, v40;
	v3 =	vadd.f32 v3, v49  }
0x520: {  	v23 =	vor.u32 v14, v24  }
0x521: {  	[tilespmem:v20+s26+$0x0] =	vst.idx.msk $0xffff, v3  }
0x522: {  	v3 =	vld.idx.msk [tilespmem:v21+s15+$0x0], $0xffff;
	v19 =	vadd.f32 v19, v49;
	_ =	sdelay $0x1  }
0x523: {  	v20 =	vadd.s32 s20, v41;
	v21 =	vor.u32 v31, v59;
	[tilespmem:v22+s26+$0x0] =	vst.idx.msk $0xffff, v19  }
0x524: {  	v22 =	vor.u32 v7, v21;
	v19 =	vld.idx.msk [tilespmem:v23+s15+$0x0], $0xffff  }
0x525: {  	v26 =	vor.u32 v10, v47  }
0x526: {  	v18 =	vld.idx.msk [tilespmem:v18+s15+$0x0], $0xffff;
	v24 =	vor.u32 v31, v28;
	v23 =	vadd.s32 s21, v41;
	v3 =	vadd.f32 v3, v48  }
0x527: {  	v25 =	vor.u32 v7, v24  }
0x528: {  	v17 =	vadd.f32 v17, v51;
	v39 =	vor.u32 s19, v42;
	[tilespmem:v20+s26+$0x0] =	vst.idx.msk $0xffff, v3  }
0x529: {  	v20 =	vld.idx.msk [tilespmem:v22+s15+$0x0], $0xffff;
	v19 =	vadd.f32 v19, v48;
	v22 =	vor.u32 v10, v1  }
0x52a: {  	[tilespmem:v16+s26+$0x0] =	vst.idx.msk $0xffff, v17  }
0x52b: {  	v16 =	vadd.f32 v18, v51;
	[tilespmem:v23+s26+$0x0] =	vst.idx.msk $0xffff, v19;
	v19 =	vadd.s32 s20, v42;
	v23 =	vld.idx.msk [tilespmem:v26+s15+$0x0], $0xffff  }
0x52c: {  	v18 =	vor.u32 v10, v21;
	v17 =	vld.idx.msk [tilespmem:v25+s15+$0x0], $0xffff  }
0x52d: {  	[tilespmem:v39+s26+$0x0] =	vst.idx.msk $0xffff, v16  }
0x52e: {  	v16 =	vor.u32 s21, v42;
	v40 =	vadd.f32 v20, v51;
	v22 =	vld.idx.msk [tilespmem:v22+s15+$0x0], $0xffff  }
0x52f: {  	v25 =	vor.u32 v10, v24;
	v20 =	vadd.s32 s18, v43  }
0x530: {  	v41 =	vadd.s32 s19, v43;
	v26 =	vor.u32 v12, v47;
	[tilespmem:v19+s26+$0x0] =	vst.idx.msk $0xffff, v40  }
0x531: {  	v19 =	vadd.f32 v23, v50;
	v23 =	vor.u32 v12, v1;
	v18 =	vld.idx.msk [tilespmem:v18+s15+$0x0], $0xffff;
	v17 =	vadd.f32 v17, v51;
	_ =	sdelay $0x1  }
0x532: {  	[tilespmem:v16+s26+$0x0] =	vst.idx.msk $0xffff, v17;
	v16 =	vadd.s32 s20, v43;
	v17 =	vadd.f32 v22, v50  }
0x533: {  	[tilespmem:v20+s26+$0x0] =	vst.idx.msk $0xffff, v19;
	v20 =	vor.u32 v12, v21;
	v19 =	vld.idx.msk [tilespmem:v25+s15+$0x0], $0xffff  }
0x534: {  	v22 =	vld.idx.msk [tilespmem:v26+s15+$0x0], $0xffff;
	[tilespmem:v41+s26+$0x0] =	vst.idx.msk $0xffff, v17  }
0x535: {  	v17 =	vadd.s32 s21, v43;
	v42 =	vadd.f32 v18, v50;
	v23 =	vld.idx.msk [tilespmem:v23+s15+$0x0], $0xffff  }
0x536: {  	v25 =	vor.u32 v12, v24;
	v18 =	vadd.s32 s18, v33  }
0x537: {  	v34 =	vadd.s32 s19, v33;
	v32 =	vor.u32 v14, v47;
	[tilespmem:v16+s26+$0x0] =	vst.idx.msk $0xffff, v42  }
0x538: {  	v35 =	vor.u32 v14, v1;
	v16 =	vld.idx.msk [tilespmem:v20+s15+$0x0], $0xffff;
	v19 =	vadd.f32 v19, v50  }
0x539: {  	v20 =	vadd.f32 v22, v49  }
0x53a: {  	[tilespmem:v17+s26+$0x0] =	vst.idx.msk $0xffff, v19;
	v17 =	vadd.f32 v23, v49  }
0x53b: {  	[tilespmem:v18+s26+$0x0] =	vst.idx.msk $0xffff, v20;
	v18 =	vld.idx.msk [tilespmem:v25+s15+$0x0], $0xffff  }
0x53c: {  	v22 =	vadd.s32 s20, v33;
	v20 =	vld.idx.msk [tilespmem:v32+s15+$0x0], $0xffff;
	[tilespmem:v34+s26+$0x0] =	vst.idx.msk $0xffff, v17  }
0x53d: {  	v36 =	vadd.f32 v16, v49;
	v16 =	vadd.s32 s21, v33;
	v1 =	vld.idx.msk [tilespmem:v35+s15+$0x0], $0xffff  }
0x53e: {  	v17 =	vadd.s32 s18, v27  }
0x53f: {  	v37 =	vadd.s32 s19, v27  }
0x540: {  	v18 =	vadd.f32 v18, v49  }
0x541: {  	v19 =	vor.u32 v14, v21;
	[tilespmem:v22+s26+$0x0] =	vst.idx.msk $0xffff, v36;
	v20 =	vadd.f32 v20, v48  }
0x542: {  	v21 =	vor.u32 v14, v24;
	[tilespmem:v16+s26+$0x0] =	vst.idx.msk $0xffff, v18;
	v1 =	vadd.f32 v1, v48  }
0x543: {  	v23 =	vor.u32 v7, v62;
	v22 =	vor.u32 v30, v56;
	[tilespmem:v17+s26+$0x0] =	vst.idx.msk $0xffff, v20  }
0x544: {  	v24 =	vor.u32 v7, v22;
	[tilespmem:v37+s26+$0x0] =	vst.idx.msk $0xffff, v1  }
0x545: {  	v26 =	vld [tilespmem:$0x1FFF0]  }
0x546: {  	v19 =	vld.idx.msk [tilespmem:v19+s15+$0x0], $0xffff  }
0x547: {  	v16 =	vld.idx.msk [tilespmem:v21+s15+$0x0], $0xffff  }
0x548: {  	v38 =	vadd.s32 s20, v27;
	v18 =	vld.idx.msk [tilespmem:v23+s15+$0x0], $0xffff  }
0x549: {  	v40 =	vadd.s32 s21, v27;
	v25 =	vor.u32 v30, v59;
	v21 =	vld.idx.msk [tilespmem:v24+s15+$0x0], $0xffff  }
0x54a: {  	v17 =	vor.u32 v7, v25;
	v20 =	vadd.s32 s18, v26  }
0x54b: {  	v39 =	vadd.f32 v19, v48;
	v24 =	vor.u32 v10, v62;
	v41 =	vor.u32 s19, v26  }
0x54c: {  	[tilespmem:v13+s26+$0x0] =	vst.idx.msk $0xffff, v15;
	v16 =	vadd.f32 v16, v48  }
0x54d: {  	[tilespmem:v38+s26+$0x0] =	vst.idx.msk $0xffff, v39;
	v18 =	vadd.f32 v18, v51  }
0x54e: {  	[tilespmem:v40+s26+$0x0] =	vst.idx.msk $0xffff, v16;
	v16 =	vadd.f32 v21, v51  }
0x54f: {  	v19 =	vor.u32 v30, v28;
	v17 =	vld.idx.msk [tilespmem:v17+s15+$0x0], $0xffff;
	[tilespmem:v20+s26+$0x0] =	vst.idx.msk $0xffff, v18  }
0x550: {  	v23 =	vor.u32 v7, v19;
	[tilespmem:v41+s26+$0x0] =	vst.idx.msk $0xffff, v16;
	v21 =	vld.idx.msk [tilespmem:v24+s15+$0x0], $0xffff  }
0x551: {  	v42 =	vor.u32 v10, v22;
	v24 =	vld [tilespmem:$0x1FFE0]  }
0x552: {  	v43 =	vadd.s32 s20, v26  }
0x553: {  	v20 =	vor.u32 v10, v25;
	_ =	sdelay $0x1  }
0x554: {  	v18 =	vld.idx.msk [tilespmem:v23+s15+$0x0], $0xffff;
	v16 =	vadd.f32 v17, v51  }
0x555: {  	v15 =	vld.idx.msk [tilespmem:v42+s15+$0x0], $0xffff;
	v13 =	vadd.s32 s18, v24  }
0x556: {  	v35 =	vor.u32 s21, v26;
	[tilespmem:v43+s26+$0x0] =	vst.idx.msk $0xffff, v16  }
0x557: {  	v23 =	vadd.f32 v46, v50;
	v20 =	vld.idx.msk [tilespmem:v20+s15+$0x0], $0xffff;
	v16 =	vadd.s32 s19, v24  }
0x558: {  	v21 =	vadd.f32 v21, v50  }
0x559: {  	v17 =	vor.u32 v10, v19;
	[tilespmem:v45+s26+$0x0] =	vst.idx.msk $0xffff, v23;
	v18 =	vadd.f32 v18, v51;
	v37 =	vadd.s32 s20, v24  }
0x55a: {  	[tilespmem:v13+s26+$0x0] =	vst.idx.msk $0xffff, v21;
	v13 =	vadd.f32 v15, v50  }
0x55b: {  	v0 =	vadd.f32 v0, v50;
	[tilespmem:v35+s26+$0x0] =	vst.idx.msk $0xffff, v18  }
0x55c: {  	v23 =	vor.u32 v12, v22;
	v35 =	vld [tilespmem:$0x1FF20];
	[tilespmem:v16+s26+$0x0] =	vst.idx.msk $0xffff, v13;
	v16 =	vadd.f32 v20, v50  }
0x55d: {  	v36 =	vor.u32 v12, v62;
	[tilespmem:v9+s26+$0x0] =	vst.idx.msk $0xffff, v0  }
0x55e: {  	v15 =	vld.idx.msk [tilespmem:v17+s15+$0x0], $0xffff;
	[tilespmem:v37+s26+$0x0] =	vst.idx.msk $0xffff, v16  }
0x55f: {  	v32 =	vld [tilespmem:$0x1FF00]  }
0x560: {  	v11 =	vld.idx.msk [tilespmem:v11+s15+$0x0], $0xffff;
	v13 =	vadd.s32 s21, v24  }
0x561: {  	v20 =	vor.u32 v12, v19;
	v9 =	vld.idx.msk [tilespmem:v23+s15+$0x0], $0xffff;
	v17 =	vadd.s32 s9, v35  }
0x562: {  	v18 =	vor.u32 v12, v25;
	v3 =	vld.idx.msk [tilespmem:v36+s15+$0x0], $0xffff  }
0x563: {  	v15 =	vadd.f32 v15, v50;
	v38 =	vadd.s32 s5, v35  }
0x564: {  	v6 =	vadd.f32 v6, v50;
	v39 =	vadd.s32 s18, v32  }
0x565: {  	v5 =	vld.idx.msk [tilespmem:v5+s15+$0x0], $0xffff;
	[tilespmem:v13+s26+$0x0] =	vst.idx.msk $0xffff, v15;
	v21 =	vadd.s32 s19, v32  }
0x566: {  	v45 =	vadd.f32 v9, v49;
	v9 =	vld.idx.msk [tilespmem:v20+s15+$0x0], $0xffff;
	[tilespmem:v17+s26+$0x0] =	vst.idx.msk $0xffff, v6;
	v6 =	vadd.f32 v11, v50  }
0x567: {  	v16 =	vor.u32 v14, v62;
	v3 =	vadd.f32 v3, v49;
	v17 =	vld.idx.msk [tilespmem:v18+s15+$0x0], $0xffff  }
0x568: {  	v11 =	vor.u32 v14, v22;
	v42 =	vld [tilespmem:$0x1FE40];
	[tilespmem:v38+s26+$0x0] =	vst.idx.msk $0xffff, v6  }
0x569: {  	v2 =	vld.idx.msk [tilespmem:v2+s15+$0x0], $0xffff;
	[tilespmem:v39+s26+$0x0] =	vst.idx.msk $0xffff, v3  }
0x56a: {  	v6 =	vadd.s32 s20, v32;
	v27 =	vld [tilespmem:$0x1FFD0];
	[tilespmem:v21+s26+$0x0] =	vst.idx.msk $0xffff, v45  }
0x56b: {  	v47 =	vor.u32 v14, v25;
	v36 =	vld [tilespmem:$0x1FF30]  }
0x56c: {  	v13 =	vor.u32 v12, v8;
	v20 =	vor.u32 v14, v63;
	v63 =	vadd.s32 s21, v32;
	v16 =	vld.idx.msk [tilespmem:v16+s15+$0x0], $0xffff  }
0x56d: {  	v19 =	vor.u32 v14, v19;
	v17 =	vadd.f32 v17, v49;
	v11 =	vld.idx.msk [tilespmem:v11+s15+$0x0], $0xffff  }
0x56e: {  	v15 =	vadd.s32 s12, v42;
	v37 =	vld [tilespmem:$0x1FF40]  }
0x56f: {  	v9 =	vadd.f32 v9, v49;
	[tilespmem:v6+s26+$0x0] =	vst.idx.msk $0xffff, v17;
	v62 =	vadd.s32 s9, v27  }
0x570: {  	v1 =	vld.idx.msk [tilespmem:v47+s15+$0x0], $0xffff;
	v22 =	vadd.s32 s18, v36  }
0x571: {  	v5 =	vadd.f32 v5, v49;
	v13 =	vld.idx.msk [tilespmem:v13+s15+$0x0], $0xffff;
	[tilespmem:v63+s26+$0x0] =	vst.idx.msk $0xffff, v9;
	v6 =	vadd.s32 s19, v36  }
0x572: {  	v46 =	vmovc v24;
	v2 =	vadd.f32 v2, v49;
	v34 =	vadd.f32 v11, v48;
	v9 =	vadd.s32 s20, v36;
	v11 =	vld.idx.msk [tilespmem:v19+s15+$0x0], $0xffff  }
0x573: {  	v16 =	vadd.f32 v16, v48;
	v24 =	vadd.s32 s5, v27;
	v21 =	vor.u32 v37, v54;
	[tilespmem:v15+s26+$0x0] =	vst.idx.msk $0xffff, v5  }
0x574: {  	v38 =	vadd.s32 s21, v36;
	v23 =	vor.u32 v7, v21;
	[tilespmem:v62+s26+$0x0] =	vst.idx.msk $0xffff, v2  }
0x575: {  	v17 =	vor.u32 v37, v56;
	v1 =	vadd.f32 v1, v48;
	[tilespmem:v22+s26+$0x0] =	vst.idx.msk $0xffff, v16  }
0x576: {  	v13 =	vadd.f32 v13, v49;
	v15 =	vor.u32 v7, v17;
	[tilespmem:v6+s26+$0x0] =	vst.idx.msk $0xffff, v34  }
0x577: {  	v11 =	vadd.f32 v11, v48;
	v62 =	vld [tilespmem:$0x1FEF0];
	[tilespmem:v9+s26+$0x0] =	vst.idx.msk $0xffff, v1  }
0x578: {  	v4 =	vld.idx.msk [tilespmem:v4+s15+$0x0], $0xffff;
	v5 =	vor.u32 v14, v61;
	v19 =	vor.u32 v37, v59;
	[tilespmem:v24+s26+$0x0] =	vst.idx.msk $0xffff, v13  }
0x579: {  	v16 =	vor.u32 v7, v19;
	v23 =	vld.idx.msk [tilespmem:v23+s15+$0x0], $0xffff;
	[tilespmem:v38+s26+$0x0] =	vst.idx.msk $0xffff, v11  }
0x57a: {  	v33 =	vmov v26;
	v6 =	vor.u32 v37, v28;
	v26 =	vld [tilespmem:$0x1FF90]  }
0x57b: {  	v22 =	vadd.s32 s14, v42;
	v39 =	vld.idx.msk [tilespmem:v15+s15+$0x0], $0xffff;
	v40 =	vor.u32 v7, v6  }
0x57c: {  	v8 =	vor.u32 v14, v8;
	v15 =	vadd.s32 s18, v62  }
0x57d: {  	v41 =	vor.u32 v10, v21;
	v5 =	vld.idx.msk [tilespmem:v5+s15+$0x0], $0xffff;
	v9 =	vor.u32 s19, v62  }
0x57e: {  	v4 =	vadd.f32 v4, v49;
	v24 =	vor.u32 v10, v17;
	v16 =	vld.idx.msk [tilespmem:v16+s15+$0x0], $0xffff  }
0x57f: {  	v43 =	vadd.f32 v23, v51;
	v11 =	vadd.s32 s9, v26  }
0x580: {  	[tilespmem:v22+s26+$0x0] =	vst.idx.msk $0xffff, v4;
	v2 =	vadd.f32 v39, v51;
	v4 =	vadd.s32 s20, v62;
	v3 =	vld.idx.msk [tilespmem:v40+s15+$0x0], $0xffff  }
0x581: {  	v18 =	vor.u32 v14, v44;
	v8 =	vld.idx.msk [tilespmem:v8+s15+$0x0], $0xffff;
	[tilespmem:v15+s26+$0x0] =	vst.idx.msk $0xffff, v43  }
0x582: {  	v5 =	vadd.f32 v5, v48;
	v44 =	vor.u32 s21, v62;
	[tilespmem:v9+s26+$0x0] =	vst.idx.msk $0xffff, v2;
	v1 =	vld.idx.msk [tilespmem:v41+s15+$0x0], $0xffff  }
0x583: {  	v22 =	vadd.s32 s5, v26;
	v16 =	vadd.f32 v16, v51;
	v9 =	vor.u32 v7, v60;
	v23 =	vld.idx.msk [tilespmem:v24+s15+$0x0], $0xffff  }
0x584: {  	v38 =	vld [tilespmem:$0x1FF50];
	[tilespmem:v11+s26+$0x0] =	vst.idx.msk $0xffff, v5;
	v11 =	vadd.s32 s18, v35  }
0x585: {  	v15 =	vor.u32 v10, v19;
	v3 =	vadd.f32 v3, v51;
	[tilespmem:v4+s26+$0x0] =	vst.idx.msk $0xffff, v16;
	v4 =	vadd.s32 s19, v35  }
0x586: {  	v18 =	vld.idx.msk [tilespmem:v18+s15+$0x0], $0xffff;
	v5 =	vadd.f32 v8, v48  }
0x587: {  	v63 =	vld [tilespmem:$0x1FE50];
	[tilespmem:v44+s26+$0x0] =	vst.idx.msk $0xffff, v3;
	v1 =	vadd.f32 v1, v50  }
0x588: {  	[tilespmem:v22+s26+$0x0] =	vst.idx.msk $0xffff, v5;
	v47 =	vld.idx.msk [tilespmem:v9+s15+$0x0], $0xffff;
	v9 =	vadd.f32 v23, v50  }
0x589: {  	v39 =	vld [tilespmem:$0x1FF60];
	[tilespmem:v11+s26+$0x0] =	vst.idx.msk $0xffff, v1  }
0x58a: {  	v24 =	vor.u32 v10, v6;
	v15 =	vld.idx.msk [tilespmem:v15+s15+$0x0], $0xffff;
	[tilespmem:v4+s26+$0x0] =	vst.idx.msk $0xffff, v9  }
0x58b: {  	v25 =	vor.u32 v12, v21;
	v31 =	vld [tilespmem:$0x1FEE0]  }
0x58c: {  	v45 =	vor.u32 v12, v17;
	v20 =	vld.idx.msk [tilespmem:v20+s15+$0x0], $0xffff;
	v0 =	vor.u32 v38, v53;
	v23 =	vadd.s32 s20, v35  }
0x58d: {  	v5 =	vor.u32 v7, v0;
	v16 =	vadd.s32 s12, v63  }
0x58e: {  	v22 =	vadd.s32 s14, v63;
	v11 =	vor.u32 v12, v19  }
0x58f: {  	v24 =	vld.idx.msk [tilespmem:v24+s15+$0x0], $0xffff;
	v15 =	vadd.f32 v15, v50  }
0x590: {  	v18 =	vadd.f32 v18, v48;
	v9 =	vld.idx.msk [tilespmem:v25+s15+$0x0], $0xffff;
	v4 =	vadd.s32 s9, v31  }
0x591: {  	v20 =	vadd.f32 v20, v48;
	v25 =	vadd.s32 s21, v35;
	v2 =	vld.idx.msk [tilespmem:v45+s15+$0x0], $0xffff;
	[tilespmem:v23+s26+$0x0] =	vst.idx.msk $0xffff, v15  }
0x592: {  	v3 =	vadd.f32 v47, v51;
	v5 =	vld.idx.msk [tilespmem:v5+s15+$0x0], $0xffff;
	[tilespmem:v16+s26+$0x0] =	vst.idx.msk $0xffff, v18;
	v16 =	vadd.s32 s18, v27  }
0x593: {  	v18 =	vor.u32 v12, v6;
	[tilespmem:v22+s26+$0x0] =	vst.idx.msk $0xffff, v20;
	v20 =	vadd.s32 s19, v27;
	v11 =	vld.idx.msk [tilespmem:v11+s15+$0x0], $0xffff  }
0x594: {  	v21 =	vor.u32 v14, v21;
	v22 =	vadd.f32 v24, v50;
	v15 =	vor.u32 s5, v31  }
0x595: {  	v61 =	vadd.f32 v9, v49;
	[tilespmem:v4+s26+$0x0] =	vst.idx.msk $0xffff, v3;
	v4 =	vor.u32 v14, v17;
	v17 =	vadd.s32 s20, v27  }
0x596: {  	v2 =	vadd.f32 v2, v49;
	[tilespmem:v25+s26+$0x0] =	vst.idx.msk $0xffff, v22  }
0x597: {  	v5 =	vadd.f32 v5, v51;
	[tilespmem:v16+s26+$0x0] =	vst.idx.msk $0xffff, v61  }
0x598: {  	v34 =	vld.idx.msk [tilespmem:v18+s15+$0x0], $0xffff;
	v16 =	vor.u32 v14, v19;
	[tilespmem:v20+s26+$0x0] =	vst.idx.msk $0xffff, v2;
	v11 =	vadd.f32 v11, v49  }
0x599: {  	v9 =	vor.u32 v10, v60;
	[tilespmem:v15+s26+$0x0] =	vst.idx.msk $0xffff, v5;
	v5 =	vld.idx.msk [tilespmem:v21+s15+$0x0], $0xffff  }
0x59a: {  	v40 =	vadd.s32 s21, v27;
	v18 =	vor.u32 v10, v0;
	[tilespmem:v17+s26+$0x0] =	vst.idx.msk $0xffff, v11  }
0x59b: {  	v19 =	vadd.s32 s18, v26;
	v27 =	vld [tilespmem:$0x1FFC0]  }
0x59c: {  	v6 =	vor.u32 v14, v6;
	v4 =	vld.idx.msk [tilespmem:v4+s15+$0x0], $0xffff  }
0x59d: {  	v13 =	vor.u32 v7, v57;
	v41 =	vadd.s32 s20, v26;
	v3 =	vadd.f32 v34, v49;
	v16 =	vld.idx.msk [tilespmem:v16+s15+$0x0], $0xffff  }
0x59e: {  	v15 =	vor.u32 v38, v54;
	v9 =	vld.idx.msk [tilespmem:v9+s15+$0x0], $0xffff;
	v11 =	vadd.s32 s19, v26;
	v5 =	vadd.f32 v5, v48  }
0x59f: {  	v24 =	vor.u32 v38, v59;
	v20 =	vor.u32 v7, v15;
	v18 =	vld.idx.msk [tilespmem:v18+s15+$0x0], $0xffff;
	[tilespmem:v40+s26+$0x0] =	vst.idx.msk $0xffff, v3  }
0x5a0: {  	v17 =	vor.u32 v38, v56;
	[tilespmem:v19+s26+$0x0] =	vst.idx.msk $0xffff, v5;
	v5 =	vor.u32 v7, v24;
	v21 =	vadd.s32 s9, v27  }
0x5a1: {  	v22 =	vor.u32 v7, v17;
	v43 =	vadd.f32 v4, v48;
	v4 =	vld.idx.msk [tilespmem:v6+s15+$0x0], $0xffff;
	v6 =	vadd.s32 s5, v27  }
0x5a2: {  	v16 =	vadd.f32 v16, v48  }
0x5a3: {  	v13 =	vld.idx.msk [tilespmem:v13+s15+$0x0], $0xffff;
	v9 =	vadd.f32 v9, v50;
	[tilespmem:v11+s26+$0x0] =	vst.idx.msk $0xffff, v43  }
0x5a4: {  	v23 =	vor.u32 v12, v60;
	v20 =	vld.idx.msk [tilespmem:v20+s15+$0x0], $0xffff;
	v18 =	vadd.f32 v18, v50;
	[tilespmem:v41+s26+$0x0] =	vst.idx.msk $0xffff, v16  }
0x5a5: {  	v44 =	vadd.s32 s21, v26;
	v5 =	vld.idx.msk [tilespmem:v5+s15+$0x0], $0xffff;
	[tilespmem:v21+s26+$0x0] =	vst.idx.msk $0xffff, v9  }
0x5a6: {  	v9 =	vld.idx.msk [tilespmem:v22+s15+$0x0], $0xffff;
	[tilespmem:v6+s26+$0x0] =	vst.idx.msk $0xffff, v18  }
0x5a7: {  	v30 =	vmovc v26;
	v8 =	vor.u32 v39, v55;
	v19 =	vor.u32 v12, v0;
	v11 =	vor.u32 v38, v28;
	v26 =	vld [tilespmem:$0x1FF80]  }
0x5a8: {  	v47 =	vadd.s32 s20, v31;
	v4 =	vadd.f32 v4, v48;
	v21 =	vor.u32 v7, v11  }
0x5a9: {  	v55 =	vor.u32 v7, v8;
	v13 =	vadd.f32 v13, v51;
	v22 =	vld.idx.msk [tilespmem:v23+s15+$0x0], $0xffff;
	v23 =	vadd.s32 s18, v31  }
0x5aa: {  	v45 =	vor.u32 v10, v15;
	v16 =	vor.u32 s19, v31;
	v20 =	vadd.f32 v20, v51;
	[tilespmem:v44+s26+$0x0] =	vst.idx.msk $0xffff, v4  }
0x5ab: {  	v5 =	vadd.f32 v5, v51;
	v4 =	vadd.f32 v9, v51;
	v9 =	vor.u32 v10, v24  }
0x5ac: {  	v18 =	vor.u32 v10, v17;
	v19 =	vld.idx.msk [tilespmem:v19+s15+$0x0], $0xffff;
	[tilespmem:v58+s26+$0x0] =	vst.idx.msk $0xffff, v13;
	v6 =	vadd.s32 s9, v26  }
0x5ad: {  	v13 =	vld.idx.msk [tilespmem:v21+s15+$0x0], $0xffff;
	[tilespmem:v47+s26+$0x0] =	vst.idx.msk $0xffff, v5  }
0x5ae: {  	v1 =	vld.idx.msk [tilespmem:v55+s15+$0x0], $0xffff;
	v21 =	vor.u32 v14, v60;
	[tilespmem:v23+s26+$0x0] =	vst.idx.msk $0xffff, v20  }
0x5af: {  	v22 =	vadd.f32 v22, v49;
	v2 =	vld.idx.msk [tilespmem:v45+s15+$0x0], $0xffff;
	[tilespmem:v16+s26+$0x0] =	vst.idx.msk $0xffff, v4;
	v4 =	vor.u32 s21, v31  }
0x5b0: {  	v25 =	vadd.s32 s5, v26;
	v16 =	vor.u32 v10, v11;
	v9 =	vld.idx.msk [tilespmem:v9+s15+$0x0], $0xffff  }
0x5b1: {  	v55 =	vadd.f32 v19, v49;
	v19 =	vadd.s32 s18, v27;
	[tilespmem:v6+s26+$0x0] =	vst.idx.msk $0xffff, v22;
	v6 =	vld.idx.msk [tilespmem:v18+s15+$0x0], $0xffff  }
0x5b2: {  	v5 =	vor.u32 v12, v15;
	v13 =	vadd.f32 v13, v51;
	v29 =	vld [tilespmem:$0x1FED0]  }
0x5b3: {  	v40 =	vld [tilespmem:$0x1FFB0]  }
0x5b4: {  	v58 =	vadd.s32 s19, v27;
	v21 =	vld.idx.msk [tilespmem:v21+s15+$0x0], $0xffff;
	v2 =	vadd.f32 v2, v50;
	[tilespmem:v4+s26+$0x0] =	vst.idx.msk $0xffff, v13  }
0x5b5: {  	v18 =	vor.u32 v14, v0;
	[tilespmem:v25+s26+$0x0] =	vst.idx.msk $0xffff, v55;
	v13 =	vld.idx.msk [tilespmem:v16+s15+$0x0], $0xffff  }
0x5b6: {  	v20 =	vor.u32 v10, v57;
	v4 =	vadd.s32 s20, v27;
	v34 =	vld [tilespmem:$0x1FF10];
	[tilespmem:v19+s26+$0x0] =	vst.idx.msk $0xffff, v2  }
0x5b7: {  	v25 =	vor.u32 v12, v17;
	v43 =	vld.idx.msk [tilespmem:v5+s15+$0x0], $0xffff;
	v5 =	vadd.s32 s21, v27;
	v6 =	vadd.f32 v6, v50  }
0x5b8: {  	v55 =	vadd.f32 v1, v51;
	v23 =	vadd.s32 s9, v40  }
0x5b9: {  	v16 =	vor.u32 v12, v24;
	v22 =	vor.u32 s14, v29;
	[tilespmem:v58+s26+$0x0] =	vst.idx.msk $0xffff, v6;
	v6 =	vadd.f32 v9, v50  }
0x5ba: {  	v15 =	vor.u32 v14, v15;
	v18 =	vld.idx.msk [tilespmem:v18+s15+$0x0], $0xffff;
	v19 =	vadd.f32 v21, v48;
	v13 =	vadd.f32 v13, v50  }
0x5bb: {  	v21 =	vadd.s32 s18, v26;
	v9 =	vld.idx.msk [tilespmem:v20+s15+$0x0], $0xffff;
	v20 =	vor.u32 v12, v11;
	[tilespmem:v4+s26+$0x0] =	vst.idx.msk $0xffff, v6  }
0x5bc: {  	v0 =	vor.u32 v34, v52;
	v1 =	vor.u32 v34, v53;
	v6 =	vld.idx.msk [tilespmem:v25+s15+$0x0], $0xffff;
	[tilespmem:v5+s26+$0x0] =	vst.idx.msk $0xffff, v13  }
0x5bd: {  	v61 =	vadd.s32 s5, v40;
	v60 =	vor.u32 v7, v0;
	v4 =	vor.u32 v7, v1;
	[tilespmem:v23+s26+$0x0] =	vst.idx.msk $0xffff, v19  }
0x5be: {  	v3 =	vadd.f32 v43, v49;
	v16 =	vld.idx.msk [tilespmem:v16+s15+$0x0], $0xffff;
	[tilespmem:v22+s26+$0x0] =	vst.idx.msk $0xffff, v55;
	v22 =	vadd.s32 s19, v26  }
0x5bf: {  	v43 =	vld [tilespmem:$0x1FFA0]  }
0x5c0: {  	v18 =	vadd.f32 v18, v48;
	v45 =	vld.idx.msk [tilespmem:v20+s15+$0x0], $0xffff;
	[tilespmem:v21+s26+$0x0] =	vst.idx.msk $0xffff, v3  }
0x5c1: {  	v5 =	vadd.s32 s20, v26;
	v15 =	vld.idx.msk [tilespmem:v15+s15+$0x0], $0xffff;
	v6 =	vadd.f32 v6, v49  }
0x5c2: {  	v17 =	vor.u32 v14, v17;
	[tilespmem:v61+s26+$0x0] =	vst.idx.msk $0xffff, v18;
	v21 =	vadd.s32 s21, v26;
	v19 =	vld.idx.msk [tilespmem:v60+s15+$0x0], $0xffff  }
0x5c3: {  	v4 =	vld.idx.msk [tilespmem:v4+s15+$0x0], $0xffff;
	[tilespmem:v22+s26+$0x0] =	vst.idx.msk $0xffff, v6;
	v6 =	vor.u32 v14, v11;
	v11 =	vadd.s32 s18, v40  }
0x5c4: {  	v16 =	vadd.f32 v16, v49;
	v13 =	vadd.s32 s9, v43  }
0x5c5: {  	v18 =	vor.u32 v14, v24;
	v23 =	vor.u32 s5, v43;
	v2 =	vadd.f32 v45, v49  }
0x5c6: {  	[tilespmem:v5+s26+$0x0] =	vst.idx.msk $0xffff, v16;
	v15 =	vadd.f32 v15, v48  }
0x5c7: {  	v22 =	vor.u32 v34, v54;
	v19 =	vadd.f32 v19, v51;
	[tilespmem:v21+s26+$0x0] =	vst.idx.msk $0xffff, v2  }
0x5c8: {  	v17 =	vld.idx.msk [tilespmem:v17+s15+$0x0], $0xffff;
	v16 =	vor.u32 v7, v22;
	v4 =	vadd.f32 v4, v51;
	[tilespmem:v11+s26+$0x0] =	vst.idx.msk $0xffff, v15  }
0x5c9: {  	v20 =	vor.u32 v10, v0;
	[tilespmem:v13+s26+$0x0] =	vst.idx.msk $0xffff, v19  }
0x5ca: {  	v18 =	vld.idx.msk [tilespmem:v18+s15+$0x0], $0xffff;
	v13 =	vadd.s32 s19, v40;
	[tilespmem:v23+s26+$0x0] =	vst.idx.msk $0xffff, v4  }
0x5cb: {  	v41 =	vld [tilespmem:$0x1FF70]  }
0x5cc: {  	v4 =	vld.idx.msk [tilespmem:v6+s15+$0x0], $0xffff  }
0x5cd: {  	v24 =	vadd.s32 s20, v40;
	v17 =	vadd.f32 v17, v48;
	v11 =	vld.idx.msk [tilespmem:v16+s15+$0x0], $0xffff  }
0x5ce: {  	v15 =	vadd.s32 s21, v40;
	v20 =	vld.idx.msk [tilespmem:v20+s15+$0x0], $0xffff  }
0x5cf: {  	v47 =	vor.u32 v10, v1;
	v5 =	vor.u32 v34, v56;
	[tilespmem:v13+s26+$0x0] =	vst.idx.msk $0xffff, v17;
	v17 =	vadd.s32 s18, v43  }
0x5d0: {  	v19 =	vor.u32 v7, v5;
	v18 =	vadd.f32 v18, v48;
	v23 =	vadd.s32 s9, v41  }
0x5d1: {  	v4 =	vadd.f32 v4, v48  }
0x5d2: {  	v2 =	vor.u32 v34, v59;
	[tilespmem:v24+s26+$0x0] =	vst.idx.msk $0xffff, v18;
	v11 =	vadd.f32 v11, v51  }
0x5d3: {  	v6 =	vor.u32 v7, v2;
	v20 =	vadd.f32 v20, v50;
	[tilespmem:v15+s26+$0x0] =	vst.idx.msk $0xffff, v4  }
0x5d4: {  	v21 =	vor.u32 v10, v8;
	v16 =	vor.u32 v34, v28;
	v3 =	vld.idx.msk [tilespmem:v47+s15+$0x0], $0xffff;
	[tilespmem:v17+s26+$0x0] =	vst.idx.msk $0xffff, v11  }
0x5d5: {  	v13 =	vor.u32 v7, v16;
	v19 =	vld.idx.msk [tilespmem:v19+s15+$0x0], $0xffff;
	[tilespmem:v23+s26+$0x0] =	vst.idx.msk $0xffff, v20  }
0x5d6: {  	v58 =	vmov v27;
	v27 =	vmov v40;
	v40 =	vld [tilespmem:$0x1FE60]  }
0x5d7: {  	v24 =	vor.u32 v10, v22;
	v18 =	vadd.s32 s5, v41  }
0x5d8: {  	v25 =	vor.u32 v12, v0;
	v55 =	vor.u32 s19, v43;
	v6 =	vld.idx.msk [tilespmem:v6+s15+$0x0], $0xffff  }
0x5d9: {  	v21 =	vld.idx.msk [tilespmem:v21+s15+$0x0], $0xffff;
	v4 =	vor.u32 v10, v5  }
0x5da: {  	v3 =	vadd.f32 v3, v50;
	v15 =	vadd.s32 s20, v43;
	v13 =	vld.idx.msk [tilespmem:v13+s15+$0x0], $0xffff  }
0x5db: {  	v17 =	vor.u32 v12, v1;
	v19 =	vadd.f32 v19, v51;
	v11 =	vadd.s32 s12, v40  }
0x5dc: {  	v20 =	vor.u32 v10, v2;
	v34 =	vld.idx.msk [tilespmem:v24+s15+$0x0], $0xffff;
	[tilespmem:v18+s26+$0x0] =	vst.idx.msk $0xffff, v3;
	v18 =	vor.u32 s21, v43  }
0x5dd: {  	v6 =	vadd.f32 v6, v51;
	v23 =	vld.idx.msk [tilespmem:v25+s15+$0x0], $0xffff;
	[tilespmem:v55+s26+$0x0] =	vst.idx.msk $0xffff, v19;
	v19 =	vadd.s32 s14, v40  }
0x5de: {  	v9 =	vadd.f32 v9, v50;
	v21 =	vadd.f32 v21, v50;
	v24 =	vor.u32 v10, v16;
	v4 =	vld.idx.msk [tilespmem:v4+s15+$0x0], $0xffff  }
0x5df: {  	[tilespmem:v15+s26+$0x0] =	vst.idx.msk $0xffff, v6;
	v6 =	vadd.s32 s18, v41;
	v15 =	vor.u32 v12, v57;
	v13 =	vadd.f32 v13, v51  }
0x5e0: {  	[tilespmem:v11+s26+$0x0] =	vst.idx.msk $0xffff, v9;
	v9 =	vld.idx.msk [tilespmem:v17+s15+$0x0], $0xffff;
	v11 =	vadd.s32 s19, v41;
	v17 =	vor.u32 v12, v22  }
0x5e1: {  	v20 =	vld.idx.msk [tilespmem:v20+s15+$0x0], $0xffff;
	[tilespmem:v18+s26+$0x0] =	vst.idx.msk $0xffff, v13;
	v13 =	vor.u32 v12, v5  }
0x5e2: {  	v3 =	vadd.f32 v34, v50;
	[tilespmem:v19+s26+$0x0] =	vst.idx.msk $0xffff, v21;
	v19 =	vadd.s32 s9, v42  }
0x5e3: {  	v18 =	vadd.s32 s20, v41;
	v4 =	vadd.f32 v4, v50;
	v21 =	vld.idx.msk [tilespmem:v24+s15+$0x0], $0xffff  }
0x5e4: {  	v44 =	vadd.s32 s5, v42;
	[tilespmem:v6+s26+$0x0] =	vst.idx.msk $0xffff, v3;
	v24 =	vor.u32 v12, v2;
	v6 =	vld.idx.msk [tilespmem:v15+s15+$0x0], $0xffff  }
0x5e5: {  	v0 =	vor.u32 v14, v0;
	[tilespmem:v11+s26+$0x0] =	vst.idx.msk $0xffff, v4;
	v4 =	vadd.f32 v23, v49;
	v11 =	vld.idx.msk [tilespmem:v17+s15+$0x0], $0xffff  }
0x5e6: {  	v1 =	vor.u32 v14, v1;
	v20 =	vadd.f32 v20, v50;
	v15 =	vadd.s32 s21, v41;
	v13 =	vld.idx.msk [tilespmem:v13+s15+$0x0], $0xffff  }
0x5e7: {  	v17 =	vor.u32 v12, v16;
	[tilespmem:v19+s26+$0x0] =	vst.idx.msk $0xffff, v4;
	v4 =	vadd.s32 s18, v42  }
0x5e8: {  	v45 =	vadd.s32 s19, v42;
	[tilespmem:v18+s26+$0x0] =	vst.idx.msk $0xffff, v20;
	v9 =	vadd.f32 v9, v49  }
0x5e9: {  	v18 =	vadd.f32 v21, v50;
	v19 =	vld.idx.msk [tilespmem:v24+s15+$0x0], $0xffff  }
0x5ea: {  	[tilespmem:v44+s26+$0x0] =	vst.idx.msk $0xffff, v9;
	v0 =	vld.idx.msk [tilespmem:v0+s15+$0x0], $0xffff;
	v11 =	vadd.f32 v11, v49  }
0x5eb: {  	v9 =	vor.u32 v14, v22;
	[tilespmem:v15+s26+$0x0] =	vst.idx.msk $0xffff, v18;
	v1 =	vld.idx.msk [tilespmem:v1+s15+$0x0], $0xffff;
	v13 =	vadd.f32 v13, v49  }
0x5ec: {  	v15 =	vadd.s32 s20, v42;
	v18 =	vor.u32 v12, v8;
	v17 =	vld.idx.msk [tilespmem:v17+s15+$0x0], $0xffff;
	[tilespmem:v4+s26+$0x0] =	vst.idx.msk $0xffff, v11  }
0x5ed: {  	v47 =	vor.u32 v14, v16;
	v5 =	vor.u32 v14, v5;
	v21 =	vadd.s32 s9, v63;
	[tilespmem:v45+s26+$0x0] =	vst.idx.msk $0xffff, v13  }
0x5ee: {  	v2 =	vor.u32 v14, v2;
	v20 =	vor.u32 v39, v52;
	v4 =	vadd.s32 s21, v42;
	v52 =	vld [tilespmem:$0x1FE70]  }
0x5ef: {  	v16 =	vadd.s32 s5, v63;
	v23 =	vadd.s32 s18, v63;
	v11 =	vadd.f32 v19, v49  }
0x5f0: {  	v22 =	vor.u32 v39, v53;
	v19 =	vor.u32 v7, v20;
	v9 =	vld.idx.msk [tilespmem:v9+s15+$0x0], $0xffff;
	v0 =	vadd.f32 v0, v48  }
0x5f1: {  	v1 =	vadd.f32 v1, v48;
	[tilespmem:v15+s26+$0x0] =	vst.idx.msk $0xffff, v11;
	v11 =	vld.idx.msk [tilespmem:v18+s15+$0x0], $0xffff;
	v17 =	vadd.f32 v17, v49  }
0x5f2: {  	v15 =	vor.u32 v7, v22;
	v18 =	vor.u32 v39, v54;
	v5 =	vld.idx.msk [tilespmem:v5+s15+$0x0], $0xffff;
	[tilespmem:v21+s26+$0x0] =	vst.idx.msk $0xffff, v0  }
0x5f3: {  	v25 =	vadd.s32 s21, v63;
	v2 =	vld.idx.msk [tilespmem:v2+s15+$0x0], $0xffff;
	[tilespmem:v4+s26+$0x0] =	vst.idx.msk $0xffff, v17;
	v4 =	vor.u32 v7, v18;
	v13 =	vadd.s32 s12, v52  }
0x5f4: {  	v53 =	vadd.s32 s19, v63;
	[tilespmem:v16+s26+$0x0] =	vst.idx.msk $0xffff, v1;
	v16 =	vadd.s32 s20, v63;
	v17 =	vor.u32 v39, v56;
	v3 =	vld.idx.msk [tilespmem:v47+s15+$0x0], $0xffff  }
0x5f5: {  	v21 =	vor.u32 v7, v17;
	v54 =	vadd.f32 v9, v48;
	v9 =	vor.u32 v39, v59  }
0x5f6: {  	v55 =	vor.u32 v39, v28;
	v6 =	vadd.f32 v6, v49;
	v19 =	vld.idx.msk [tilespmem:v19+s15+$0x0], $0xffff;
	v24 =	vor.u32 v7, v9  }
0x5f7: {  	v56 =	vld.idx.msk [tilespmem:v15+s15+$0x0], $0xffff;
	v5 =	vadd.f32 v5, v48;
	v15 =	vor.u32 v7, v55;
	[tilespmem:v23+s26+$0x0] =	vst.idx.msk $0xffff, v54  }
0x5f8: {  	v2 =	vadd.f32 v2, v48;
	v4 =	vld.idx.msk [tilespmem:v4+s15+$0x0], $0xffff;
	[tilespmem:v13+s26+$0x0] =	vst.idx.msk $0xffff, v6;
	v6 =	vadd.s32 s9, v29  }
0x5f9: {  	v59 =	vor.u32 s5, v29;
	[tilespmem:v53+s26+$0x0] =	vst.idx.msk $0xffff, v5;
	v3 =	vadd.f32 v3, v48;
	v13 =	vor.u32 v10, v20  }
0x5fa: {  	v60 =	vor.u32 v10, v22;
	[tilespmem:v16+s26+$0x0] =	vst.idx.msk $0xffff, v2;
	v16 =	vadd.s32 s18, v29;
	v21 =	vld.idx.msk [tilespmem:v21+s15+$0x0], $0xffff  }
0x5fb: {  	v5 =	vadd.s32 s14, v52;
	v19 =	vadd.f32 v19, v51;
	v23 =	vld.idx.msk [tilespmem:v24+s15+$0x0], $0xffff;
	[tilespmem:v25+s26+$0x0] =	vst.idx.msk $0xffff, v3  }
0x5fc: {  	v63 =	vor.u32 v10, v18;
	v1 =	vadd.f32 v56, v51;
	v24 =	vor.u32 s19, v29;
	v15 =	vld.idx.msk [tilespmem:v15+s15+$0x0], $0xffff  }
0x5fd: {  	v4 =	vadd.f32 v4, v51;
	[tilespmem:v6+s26+$0x0] =	vst.idx.msk $0xffff, v19;
	v6 =	vor.u32 v10, v17;
	v19 =	vadd.s32 s20, v29  }
0x5fe: {  	v11 =	vadd.f32 v11, v49;
	v39 =	vor.u32 v10, v9;
	[tilespmem:v59+s26+$0x0] =	vst.idx.msk $0xffff, v1;
	v34 =	vld.idx.msk [tilespmem:v13+s15+$0x0], $0xffff  }
0x5ff: {  	v2 =	vld.idx.msk [tilespmem:v60+s15+$0x0], $0xffff;
	[tilespmem:v16+s26+$0x0] =	vst.idx.msk $0xffff, v4;
	v4 =	vadd.f32 v21, v51;
	v13 =	vor.u32 s21, v29  }
0x600: {  	[tilespmem:v5+s26+$0x0] =	vst.idx.msk $0xffff, v11;
	v5 =	vadd.s32 s9, v40;
	v16 =	vor.u32 v10, v55;
	v11 =	vadd.f32 v23, v51  }
0x601: {  	v21 =	vor.u32 v12, v20;
	v3 =	vld.idx.msk [tilespmem:v63+s15+$0x0], $0xffff;
	[tilespmem:v24+s26+$0x0] =	vst.idx.msk $0xffff, v4;
	v4 =	vadd.s32 s5, v40  }
0x602: {  	v15 =	vadd.f32 v15, v51;
	[tilespmem:v19+s26+$0x0] =	vst.idx.msk $0xffff, v11;
	v11 =	vor.u32 v12, v22;
	v6 =	vld.idx.msk [tilespmem:v6+s15+$0x0], $0xffff  }
0x603: {  	v23 =	vor.u32 v14, v57;
	v19 =	vadd.s32 s18, v40;
	v0 =	vadd.f32 v34, v50  }
0x604: {  	v2 =	vadd.f32 v2, v50;
	[tilespmem:v13+s26+$0x0] =	vst.idx.msk $0xffff, v15;
	v1 =	vld.idx.msk [tilespmem:v39+s15+$0x0], $0xffff;
	v13 =	vadd.s32 s19, v40  }
0x605: {  	v15 =	vor.u32 v12, v18;
	v16 =	vld.idx.msk [tilespmem:v16+s15+$0x0], $0xffff;
	[tilespmem:v5+s26+$0x0] =	vst.idx.msk $0xffff, v0  }
0x606: {  	v61 =	vmov v43;
	v3 =	vadd.f32 v3, v50;
	[tilespmem:v4+s26+$0x0] =	vst.idx.msk $0xffff, v2;
	v5 =	vadd.s32 s20, v40;
	v43 =	vld.idx.msk [tilespmem:v21+s15+$0x0], $0xffff  }
0x607: {  	v42 =	vor.u32 v12, v17;
	v4 =	vadd.s32 s21, v40;
	v11 =	vld.idx.msk [tilespmem:v11+s15+$0x0], $0xffff;
	v6 =	vadd.f32 v6, v50  }
0x608: {  	v21 =	vor.u32 v12, v9;
	[tilespmem:v19+s26+$0x0] =	vst.idx.msk $0xffff, v3;
	v19 =	vld.idx.msk [tilespmem:v23+s15+$0x0], $0xffff;
	v23 =	vadd.s32 s9, v52  }
0x609: {  	v45 =	vor.u32 v12, v55;
	v1 =	vadd.f32 v1, v50;
	[tilespmem:v13+s26+$0x0] =	vst.idx.msk $0xffff, v6;
	v13 =	vadd.s32 s5, v52  }
0x60a: {  	v6 =	vadd.f32 v16, v50  }
0x60b: {  	v15 =	vld.idx.msk [tilespmem:v15+s15+$0x0], $0xffff;
	[tilespmem:v5+s26+$0x0] =	vst.idx.msk $0xffff, v1;
	v2 =	vadd.f32 v43, v49  }
0x60c: {  	v0 =	vld.idx.msk [tilespmem:v42+s15+$0x0], $0xffff;
	[tilespmem:v4+s26+$0x0] =	vst.idx.msk $0xffff, v6;
	v11 =	vadd.f32 v11, v49  }
0x60d: {  	v8 =	vor.u32 v14, v8;
	v6 =	vld.idx.msk [tilespmem:v21+s15+$0x0], $0xffff;
	[tilespmem:v23+s26+$0x0] =	vst.idx.msk $0xffff, v2  }
0x60e: {  	v3 =	vld.idx.msk [tilespmem:v45+s15+$0x0], $0xffff;
	[tilespmem:v13+s26+$0x0] =	vst.idx.msk $0xffff, v11  }
0x60f: {  	v47 =	vor.u32 v14, v20;
	v4 =	vadd.s32 s18, v52;
	v21 =	vld [tilespmem:$0x1FE80]  }
0x610: {  	v16 =	vor.u32 v14, v18;
	v18 =	vadd.s32 s19, v52;
	v5 =	vor.u32 v14, v22  }
0x611: {  	v20 =	vor.u32 v14, v55;
	v13 =	vadd.s32 s21, v52  }
0x612: {  	v50 =	vld.idx.msk [tilespmem:v8+s15+$0x0], $0xffff;
	v8 =	vor.u32 v14, v17;
	v17 =	vadd.s32 s20, v52;
	v11 =	vadd.f32 v15, v49  }
0x613: {  	v9 =	vor.u32 v14, v9;
	v0 =	vadd.f32 v0, v49  }
0x614: {  	v1 =	vld.idx.msk [tilespmem:v47+s15+$0x0], $0xffff;
	[tilespmem:v4+s26+$0x0] =	vst.idx.msk $0xffff, v11;
	v51 =	vadd.f32 v3, v49;
	v15 =	vadd.s32 s12, v21  }
0x615: {  	v5 =	vld.idx.msk [tilespmem:v5+s15+$0x0], $0xffff;
	v6 =	vadd.f32 v6, v49;
	[tilespmem:v18+s26+$0x0] =	vst.idx.msk $0xffff, v0;
	v4 =	vadd.s32 s14, v21  }
0x616: {  	v11 =	vld.idx.msk [tilespmem:v16+s15+$0x0], $0xffff;
	[tilespmem:v13+s26+$0x0] =	vst.idx.msk $0xffff, v51;
	v52 =	vadd.s32 s9, v21  }
0x617: {  	[tilespmem:v17+s26+$0x0] =	vst.idx.msk $0xffff, v6;
	v6 =	vadd.f32 v19, v48;
	v16 =	vadd.s32 s5, v21;
	v13 =	vld.idx.msk [tilespmem:v20+s15+$0x0], $0xffff  }
0x618: {  	v53 =	vadd.f32 v50, v48;
	v8 =	vld.idx.msk [tilespmem:v8+s15+$0x0], $0xffff;
	v54 =	vadd.s32 s18, v21  }
0x619: {  	v9 =	vld.idx.msk [tilespmem:v9+s15+$0x0], $0xffff;
	v1 =	vadd.f32 v1, v48;
	v57 =	vadd.s32 s21, v21;
	[tilespmem:v15+s26+$0x0] =	vst.idx.msk $0xffff, v6  }
0x61a: {  	v55 =	vadd.f32 v5, v48;
	v6 =	vadd.s32 s19, v21;
	[tilespmem:v4+s26+$0x0] =	vst.idx.msk $0xffff, v53  }
0x61b: {  	v56 =	vadd.f32 v11, v48;
	v4 =	vadd.s32 s20, v21;
	[tilespmem:v52+s26+$0x0] =	vst.idx.msk $0xffff, v1  }
0x61c: {  	[tilespmem:v16+s26+$0x0] =	vst.idx.msk $0xffff, v55;
	v63 =	vadd.f32 v13, v48  }
0x61d: {  	s12 =	sshll.u32 s8, $0x12;
	v59 =	vadd.f32 v8, v48;
	[tilespmem:v54+s26+$0x0] =	vst.idx.msk $0xffff, v56  }
0x61e: {  	s5 =	sor.u32 s7, s12;
	v60 =	vadd.f32 v9, v48;
	[tilespmem:v57+s26+$0x0] =	vst.idx.msk $0xffff, v63  }
0x61f: {  	s5 =	sshrl.u32 s5, $0x3;
	[tilespmem:v6+s26+$0x0] =	vst.idx.msk $0xffff, v59  }
0x620: {  	s5 =	sadd.s32 s1, s5;
	[tilespmem:v4+s26+$0x0] =	vst.idx.msk $0xffff, v60  }
0x621: {  	[hbm4b:s5+s3] =	stream.linear.scatter [tilespmem:s26], [sflag:$0x4], $0x400, $0x38;
	[tilespmem:$0x15680] =	vst v63  }
0x622: {  	s14 =	sadd.s32 $0x1000, s5  }
0x623: {  	[hbm4b:s14+s3] =	stream.linear.scatter [tilespmem:s28], [sflag:$0x4], $0x400, $0x38;
	[tilespmem:$0x15680] =	vst v63  }
0x624: {  	s18 =	sadd.s32 $0x2000, s5  }
0x625: {  	[hbm4b:s18+s3] =	stream.linear.scatter [tilespmem:s29], [sflag:$0x4], $0x400, $0x38;
	[tilespmem:$0x15680] =	vst v63  }
0x626: {  	s19 =	sadd.s32 $0x3000, s5  }
0x627: {  	[hbm4b:s19+s3] =	stream.linear.scatter [tilespmem:s30], [sflag:$0x4], $0x400, $0x38;
	[tilespmem:$0x15680] =	vst v63  }
0x628: {  	s20 =	sadd.s32 $0x4000, s5  }
0x629: {  	[hbm4b:s20+s3] =	stream.linear.scatter [tilespmem:s31], [sflag:$0x4], $0x400, $0x38;
	[tilespmem:$0x15680] =	vst v63  }
0x62a: {  	s21 =	sadd.s32 $0x5000, s5  }
0x62b: {  	[hbm4b:s21+s3] =	stream.linear.scatter [tilespmem:s0], [sflag:$0x4], $0x400, $0x38;
	[tilespmem:$0x15680] =	vst v63  }
.Ltmp4:
0x62c: {  	_ = 	snop;
	(pc) =	sbr.rel @p1 .LBB2_8-.Ltmp4, $4  }
0x62d: {  	s22 =	sadd.s32 $0x6000, s5  }
0x62e: {  	[hbm4b:s22+s3] =	stream.linear.scatter [tilespmem:s2], [sflag:$0x4], $0x400, $0x38;
	[tilespmem:$0x15680] =	vst v63  }
0x62f: {  	s5 =	sadd.s32 $0x7000, s5  }
0x630: {  	v28 =	vmovc v36;
	v22 =	vmovc v32;
	v19 =	vmov v37;
	v48 =	vmov v35;
	v60 =	vmov v38;
	[hbm4b:s5+s3] =	stream.linear.scatter [tilespmem:s11], [sflag:$0x4], $0x400, $0x38;
	[tilespmem:$0x15680] =	vst v63  }
0x631: {  	v18 =	vld [tilespmem:$0x1FD40]  }
0x632: {  	v31 =	vld [tilespmem:$0x1FD50]  }
0x633: {  	v32 =	vld [tilespmem:$0x1FD60]  }
0x634: {  	v25 =	vld [tilespmem:$0x1FE20]  }
0x635: {  	v34 =	vld [tilespmem:$0x1FD70]  }
0x636: {  	v35 =	vld [tilespmem:$0x1FD80]  }
0x637: {  	v36 =	vld [tilespmem:$0x1FD90]  }
0x638: {  	v37 =	vld [tilespmem:$0x1FDA0]  }
0x639: {  	v38 =	vld [tilespmem:$0x1FDB0]  }
0x63a: {  	v39 =	vld [tilespmem:$0x1FDC0]  }
0x63b: {  	v40 =	vld [tilespmem:$0x1FDD0]  }
0x63c: {  	v41 =	vld [tilespmem:$0x1FDE0]  }
0x63d: {  	v54 =	vld [tilespmem:$0x1FDF0]  }
0x63e: {  	v17 =	vld [tilespmem:$0x1FE00]  }
0x63f: {  	v21 =	vld [tilespmem:$0x1FE10]  }
.Ltmp5:
0x640: {  	v20 =	vld [tilespmem:$0x1FE30];
	(pc) =	sbr.rel .LBB2_2-.Ltmp5, $4  }
0x641: {  	s5 =	sshll.u32 s6, $0x8;
	v26 =	vld [tilespmem:$0x1FE90]  }
0x642: {  	v9 =	vld [tilespmem:$0x1FEA0];
	s5 =	sand.u32 $0x3FFFFF00, s5  }
0x643: {  	s6 =	sadd.s32 $0x1, s6;
	v29 =	vld [tilespmem:$0x1FEB0];
	s5 =	sadd.s32 $0x3380, s5  }
0x644: {  	v23 =	vmov v46;
	v24 =	vmov v30;
	v30 =	vmov v58;
	v59 =	vld [tilespmem:$0x1FEC0];
	[tilespmem:s15], [sflag:$0x2] =	stream.indirect.gather [hbm4b:s4+s10], $0x80, s5, s10, $0xb8  }
.LBB2_9:
0x645: {  	_ =	sfence.sel $0x180000  }
0x646: {  	[bflag:$0x0] =	sbarrier.arrive $0xFFFF  }
0x647: {  	_ =	strace $0x90000047  }
0x648: {  	s0 =	stileid.u32;
	[bflag:$0x2] =	sbarrier.arrive $0xFFFF  }
0x649: {  	p0 =	sne.s32 s0, $0x0;
	s0 =	rddreg [dreg:$0x2]  }
0x64a: {  	s0 =	sadd.s32 @!p0 $0x100000, s0  }
0x64b: {  	[sflag:s0] =	ssyncadd.tile.s32 @!p0 $0x1;
	_ =	shalt  }
.Lfunc_end2:
_tile_overlayer_lowered:
.L_overlay_start_2:
0x64c: {  	(tag) =	ssettag $0x2  }
0x64d: {  	s0 =	rddreg [dreg:$0x0];
	s2 =	stileid.u32  }
0x64e: {  	s1 =	rddreg [dreg:$0x1];
	p0 =	sne.s32 s2, $0x0  }
0x64f: {  	s3 =	rddreg [dreg:$0x2];
	[bflag:$0x3] =	sbarrier.arrive $0xFFFF;
	s2 =	simm.s32 @!p0 $0x1C05  }
0x650: {  	[timem:s3], [sflag:s2] =	dma.local @!p0 [hbm:s0], s1  }
0x651: {  	s0 =	simm.s32 @!p0 $0x5  }
0x652: {  	_ =	swait.ge @!p0 [sflag:s0], s1  }
0x653: {  	s1 =	ssub.s32 @!p0 $0x0, s1;
	[sflag:s0] =	ssyncset.done @!p0 $0x0  }
0x654: {  	[sflag:s0] =	ssyncadd.s32 @!p0 s1  }
0x655: {  	[bflag:$0x3] =	sbarrier.arrive $0xFFFF  }
0x656: {  	_ =	shalt  }

</sc_bundles>
